<compile_context>
chip_gen: v7x
topology: tpu7x:2x2x1
jax: 0.10.2.dev20260603
libtpu: 0.0.44.dev20260713+nightly
codegen_flags: <defaults>
</compile_context>

<pallas_src>
import functools

import jax
import jax.numpy as jnp
from jax import lax
from jax.experimental import pallas as pl
from jax.experimental.pallas import tpu as pltpu
from jax.experimental.pallas import tpu_sc as plsc

N = 10000
D = 128
G = 64
NC = 2
NS = 16
NW = NC * NS
E_CHUNK = 128
N_PAD = 10240
ROWS_PER_TILE = N_PAD // NS
ROW_BLK = 1000
N_BLKS = N // ROW_BLK



def _combine_body(p_ref, h_ref, wrel_ref, wroot_ref, b_ref, out_ref):
    agg = p_ref[0] + p_ref[1]
    out = (jnp.dot(agg, wrel_ref[...], preferred_element_type=jnp.float32)
           + jnp.dot(h_ref[...], wroot_ref[...], preferred_element_type=jnp.float32)
           + b_ref[...])
    out_ref[...] = jnp.maximum(out, 0.0)


def _combine_matmul(p, h, wrel, wroot, b_row):
    return pl.pallas_call(
        _combine_body,
        grid=(N_BLKS,),
        in_specs=[
            pl.BlockSpec((NC, ROW_BLK, D), lambda i: (0, i, 0)),
            pl.BlockSpec((ROW_BLK, D), lambda i: (i, 0)),
            pl.BlockSpec((D, D), lambda i: (0, 0)),
            pl.BlockSpec((D, D), lambda i: (0, 0)),
            pl.BlockSpec((1, D), lambda i: (0, 0)),
        ],
        out_specs=pl.BlockSpec((ROW_BLK, D), lambda i: (i, 0)),
        out_shape=jax.ShapeDtypeStruct((N, D), jnp.float32),
    )(p, h, wrel, wroot, b_row)


def _final_body(p_ref, h_ref, wrel_ref, wroot_ref, b3_ref, batch_ref,
                wlin_ref, blin_ref, out_ref, sums, counts):
    i = pl.program_id(0)

    @pl.when(i == 0)
    def _():
        sums[...] = jnp.zeros_like(sums)
        counts[...] = jnp.zeros_like(counts)

    agg = p_ref[0] + p_ref[1]
    h = (jnp.dot(agg, wrel_ref[...], preferred_element_type=jnp.float32)
         + jnp.dot(h_ref[...], wroot_ref[...], preferred_element_type=jnp.float32)
         + b3_ref[...])
    b = batch_ref[0]
    gid = lax.broadcasted_iota(jnp.int32, (G, ROW_BLK), 0)
    onehot = (gid == b).astype(jnp.float32)
    sums[...] += jnp.dot(onehot, h, preferred_element_type=jnp.float32,
                         precision=lax.Precision.HIGHEST)
    counts[...] = counts[...] + jnp.sum(onehot, axis=1, keepdims=True)

    @pl.when(i == pl.num_programs(0) - 1)
    def _():
        pooled = sums[...] / jnp.maximum(counts[...], 1.0)
        out_ref[...] = jnp.dot(pooled, wlin_ref[...],
                               preferred_element_type=jnp.float32) + blin_ref[...]


def _final_pool(p, h, wrel, wroot, b3_row, batch3, wlin_pad, blin_row):
    return pl.pallas_call(
        _final_body,
        grid=(N_BLKS,),
        in_specs=[
            pl.BlockSpec((NC, ROW_BLK, D), lambda i: (0, i, 0)),
            pl.BlockSpec((ROW_BLK, D), lambda i: (i, 0)),
            pl.BlockSpec((D, D), lambda i: (0, 0)),
            pl.BlockSpec((D, D), lambda i: (0, 0)),
            pl.BlockSpec((1, D), lambda i: (0, 0)),
            pl.BlockSpec((1, 1, ROW_BLK), lambda i: (i, 0, 0)),
            pl.BlockSpec((D, D), lambda i: (0, 0)),
            pl.BlockSpec((1, D), lambda i: (0, 0)),
        ],
        out_specs=pl.BlockSpec((G, D), lambda i: (0, 0)),
        out_shape=jax.ShapeDtypeStruct((G, D), jnp.float32),
        scratch_shapes=[
            pltpu.VMEM((G, D), jnp.float32),
            pltpu.VMEM((G, D), jnp.float32),
        ],
        compiler_params=pltpu.CompilerParams(
            dimension_semantics=("arbitrary",)),
    )(p, h, wrel, wroot, b3_row, batch3, wlin_pad, blin_row)



def _sc_scatter(y, src, dst, zeros):
    E = src.shape[0]
    epw = E // NW
    n_chunks = epw // E_CHUNK
    tail = epw % E_CHUNK

    assert n_chunks >= 4 and (n_chunks - 2) % 4 == 0

    mesh = plsc.VectorSubcoreMesh(
        core_axis_name="c", subcore_axis_name="s",
        num_cores=NC, num_subcores=NS)

    @functools.partial(
        pl.kernel,
        out_type=jax.ShapeDtypeStruct((NC * N_PAD, D), jnp.float32),
        mesh=mesh,
        scratch_types=(
            [pltpu.VMEM((E_CHUNK,), jnp.int32)] * 8
            + [pltpu.VMEM((E_CHUNK, D), jnp.float32)] * 2
            + [pltpu.VMEM((max(tail, 8),), jnp.int32)] * 2
            + [pltpu.VMEM_SHARED((N_PAD, D), jnp.float32)]
            + [pltpu.SemaphoreType.DMA] * 6
        ),
    )
    def k(y_hbm, src_hbm, dst_hbm, zeros_hbm, out_hbm,
          s0, s1, s2, s3, d0, d1, d2, d3, r0, r1,
          src_t, dst_t, acc, i0, i1, i2, i3, g0, g1):
        srcs = [s0, s1, s2, s3]
        dsts = [d0, d1, d2, d3]
        rows = [r0, r1]
        si = [i0, i1, i2, i3]
        sg = [g0, g1]
        c = lax.axis_index("c")
        s = lax.axis_index("s")
        wid = c * NS + s
        row0 = s * ROWS_PER_TILE

        pltpu.sync_copy(zeros_hbm, acc.at[pl.ds(row0, ROWS_PER_TILE)])
        plsc.subcore_barrier()

        base0 = wid * epw

        def idx_start(i, u):
            b = base0 + i * E_CHUNK
            pltpu.async_copy(src_hbm.at[pl.ds(b, E_CHUNK)], srcs[u], si[u])
            pltpu.async_copy(dst_hbm.at[pl.ds(b, E_CHUNK)], dsts[u], si[u])

        def idx_wait(u):
            pltpu.make_async_copy(src_hbm.at[pl.ds(0, E_CHUNK)], srcs[u], si[u]).wait()
            pltpu.make_async_copy(dst_hbm.at[pl.ds(0, E_CHUNK)], dsts[u], si[u]).wait()

        def g_start(u, b):
            pltpu.async_copy(y_hbm.at[srcs[u]], rows[b], sg[b])

        def g_wait(u, b):
            pltpu.make_async_copy(y_hbm.at[srcs[u]], rows[b], sg[b]).wait()

        def scat(u, b):
            pltpu.sync_copy(rows[b], acc.at[dsts[u]], add=True)

        def stage(i, u, b, first, guard_ok):
            idx_wait(u)
            g_start(u, b)
            if not first:
                g_wait((u - 1) % 4, 1 - b)
                scat((u - 1) % 4, 1 - b)
            if guard_ok is None:
                idx_start(i + 2, (u + 2) % 4)
            elif guard_ok is not False:
                @pl.when(guard_ok)
                def _():
                    idx_start(i + 2, (u + 2) % 4)

        idx_start(0, 0)
        idx_start(1, 1)
        stage(0, 0, 0, True, None)
        stage(1, 1, 1, False, None)

        def body(q, carry):
            i0_ = 2 + 4 * q
            for u in range(4):
                i = i0_ + u
                ub = (2 + u) % 4
                stage(i, ub, u % 2, False, i + 2 < n_chunks)
            return carry

        lax.fori_loop(0, (n_chunks - 2) // 4, body, 0)

        g_wait((n_chunks - 1) % 4, (n_chunks - 1) % 2)
        scat((n_chunks - 1) % 4, (n_chunks - 1) % 2)

        if tail:
            tb = base0 + n_chunks * E_CHUNK
            pltpu.sync_copy(src_hbm.at[pl.ds(tb, tail)], src_t)
            pltpu.sync_copy(dst_hbm.at[pl.ds(tb, tail)], dst_t)
            rows_t = rows[0].at[pl.ds(0, tail)]
            pltpu.async_copy(y_hbm.at[src_t], rows_t, sg[0]).wait()
            pltpu.sync_copy(rows_t, acc.at[dst_t], add=True)

        plsc.subcore_barrier()

        pltpu.sync_copy(acc.at[pl.ds(row0, ROWS_PER_TILE)],
                        out_hbm.at[pl.ds(c * N_PAD + row0, ROWS_PER_TILE)])

    return k(y, src, dst, zeros)



def kernel(x, edge_index, batch, W1_rel, b1, W1_root, W2_rel, b2, W2_root,
           W3_rel, b3, W3_root, Wlin, blin):
    src = edge_index[0]
    dst = edge_index[1]
    zeros = jnp.zeros((ROWS_PER_TILE, D), jnp.float32)
    b1r = b1.reshape(1, D)
    b2r = b2.reshape(1, D)
    b3r = b3.reshape(1, D)
    batch3 = batch.reshape(N_BLKS, 1, ROW_BLK)
    wlin_pad = jnp.zeros((D, D), jnp.float32).at[:, : Wlin.shape[1]].set(Wlin)
    blin_row = jnp.zeros((1, D), jnp.float32).at[0, : blin.shape[0]].set(blin)

    p1 = _sc_scatter(x, src, dst, zeros).reshape(NC, N_PAD, D)
    h1 = _combine_matmul(p1, x, W1_rel, W1_root, b1r)
    p2 = _sc_scatter(h1, src, dst, zeros).reshape(NC, N_PAD, D)
    h2 = _combine_matmul(p2, h1, W2_rel, W2_root, b2r)
    p3 = _sc_scatter(h2, src, dst, zeros).reshape(NC, N_PAD, D)
    out = _final_pool(p3, h2, W3_rel, W3_root, b3r, batch3, wlin_pad, blin_row)
    return out[:, : Wlin.shape[1]]

# --- scband reference (transcript-rebuilt; emitter-appended) ---
"""Pipeline reference for scband-kmer-model-39762807226669 (READ-ONLY COPY).

The authoritative reference and input builder live on the scoring server;
editing this copy changes nothing except your own understanding.
"""

import jax, jax.numpy as jnp
import numpy as np

N = 10000
E = 320000
D = 128
H = 128
C = 2
G = 64


def setup_inputs(seed: int = 0) -> dict:
    key = jax.random.key(seed)
    ks = jax.random.split(key, 16)

    def glorot(k, shape):
        fan_in = shape[0]
        return jax.random.normal(k, shape, dtype=jnp.float32) * (1.0 / np.sqrt(fan_in))

    inp = {}
    inp["x"] = jax.random.normal(ks[0], (N, D), dtype=jnp.float32)
    inp["edge_index"] = jax.random.randint(ks[1], (2, E), 0, N, dtype=jnp.int32)
    inp["batch"] = jnp.sort(jax.random.randint(ks[2], (N,), 0, G, dtype=jnp.int32))
    # GNN_graph_conv_backbone params: 3x GraphConv (PyG-style: lin_rel on aggregated msgs + lin_root on self)
    inp["W1_rel"] = glorot(ks[3], (D, H))
    inp["b1"] = jnp.zeros((H,), dtype=jnp.float32)
    inp["W1_root"] = glorot(ks[4], (D, H))
    inp["W2_rel"] = glorot(ks[5], (H, H))
    inp["b2"] = jnp.zeros((H,), dtype=jnp.float32)
    inp["W2_root"] = glorot(ks[6], (H, H))
    inp["W3_rel"] = glorot(ks[7], (H, H))
    inp["b3"] = jnp.zeros((H,), dtype=jnp.float32)
    inp["W3_root"] = glorot(ks[8], (H, H))
    # final classifier lin1: hidden_channels -> num_classes
    inp["Wlin"] = glorot(ks[9], (H, C))
    inp["blin"] = jnp.zeros((C,), dtype=jnp.float32)
    return inp


def _graph_conv(x, src, dst, W_rel, b, W_root):
    # message passing: sum-aggregate neighbor features, then affine combine with root
    msgs = jnp.take(x, src, axis=0)
    agg = jax.ops.segment_sum(msgs, dst, num_segments=N)
    return agg @ W_rel + x @ W_root + b


def reference(x, edge_index, batch, W1_rel, b1, W1_root, W2_rel, b2, W2_root, W3_rel, b3, W3_root, Wlin, blin):
    src = edge_index[0]
    dst = edge_index[1]
    h = jax.nn.relu(_graph_conv(x, src, dst, W1_rel, b1, W1_root))
    h = jax.nn.relu(_graph_conv(h, src, dst, W2_rel, b2, W2_root))
    h = _graph_conv(h, src, dst, W3_rel, b3, W3_root)
    # global mean pool over graphs in the batch
    sums = jax.ops.segment_sum(h, batch, num_segments=G)
    counts = jax.ops.segment_sum(jnp.ones((N,), dtype=jnp.float32), batch, num_segments=G)
    pooled = sums / jnp.maximum(counts, 1.0)[:, None]
    # lin1
    return pooled @ Wlin + blin

if __name__ == "__main__":
    import jax
    _d = setup_inputs()
    print(jax.jit(kernel)(*tuple(_d.values())))

</pallas_src>

<mosaic_0001>
#map = affine_map<(d0, d1) -> (0, 0)>
#map1 = affine_map<(d0, d1) -> (0)>
module attributes {stable_mosaic.version = 14 : i64} {
  func.func @k(%arg0: i32, %arg1: i32, %arg2: memref<10000x128xf32, #tpu.memory_space<hbm>>, %arg3: memref<320000xi32, #tpu.memory_space<hbm>>, %arg4: memref<320000xi32, #tpu.memory_space<hbm>>, %arg5: memref<640x128xf32, #tpu.memory_space<hbm>>, %arg6: memref<20480x128xf32, #tpu.memory_space<hbm>>, %arg7: memref<128xi32, #tpu.memory_space<vmem>>, %arg8: memref<128xi32, #tpu.memory_space<vmem>>, %arg9: memref<128xi32, #tpu.memory_space<vmem>>, %arg10: memref<128xi32, #tpu.memory_space<vmem>>, %arg11: memref<128xi32, #tpu.memory_space<vmem>>, %arg12: memref<128xi32, #tpu.memory_space<vmem>>, %arg13: memref<128xi32, #tpu.memory_space<vmem>>, %arg14: memref<128xi32, #tpu.memory_space<vmem>>, %arg15: memref<128x128xf32, #tpu.memory_space<vmem>>, %arg16: memref<128x128xf32, #tpu.memory_space<vmem>>, %arg17: memref<16xi32, #tpu.memory_space<vmem>>, %arg18: memref<16xi32, #tpu.memory_space<vmem>>, %arg19: memref<10240x128xf32, #tpu.memory_space<vmem_shared>>, %arg20: memref<!tpu.dma_semaphore, #tpu.memory_space<semaphore_mem>>, %arg21: memref<!tpu.dma_semaphore, #tpu.memory_space<semaphore_mem>>, %arg22: memref<!tpu.dma_semaphore, #tpu.memory_space<semaphore_mem>>, %arg23: memref<!tpu.dma_semaphore, #tpu.memory_space<semaphore_mem>>, %arg24: memref<!tpu.dma_semaphore, #tpu.memory_space<semaphore_mem>>, %arg25: memref<!tpu.dma_semaphore, #tpu.memory_space<semaphore_mem>>) attributes {dimension_semantics = [#tpu.dimension_semantics<core_parallel>, #tpu.dimension_semantics<subcore_parallel>], iteration_bounds = array<i64: 2, 16>, scalar_prefetch = 0 : i64, scratch_operands = 19 : i64, tpu.core_type = #tpu.core_type<sc_vector_subcore>, window_params = [{transform_indices = #map}, {transform_indices = #map1}, {transform_indices = #map1}, {transform_indices = #map}, {transform_indices = #map}]} {
    %mul3A = arith.constant 16 : i32
    %mul3A_0 = arith.muli %arg0, %mul3A : i32
    %add3A = arith.addi %mul3A_0, %arg1 : i32
    %mul3A_1 = arith.constant 640 : i32
    %mul3A_2 = arith.muli %arg1, %mul3A_1 : i32
    "tpu.region"() ({
      %run_scoped3A = tpu.sem_alloc : memref<!tpu.dma_semaphore, #tpu.memory_space<semaphore_mem>>
      %dma_start3A_78 = arith.constant 0 : i32
      %dma_start3A_79 = tpu.memref_slice %arg19[%mul3A_2, %dma_start3A_78] : memref<10240x128xf32, #tpu.memory_space<vmem_shared>> -> memref<640x128xf32, #tpu.memory_space<vmem_shared>>
      tpu.enqueue_dma source(%arg5 : memref<640x128xf32, #tpu.memory_space<hbm>>) target(%dma_start3A_79 : memref<640x128xf32, #tpu.memory_space<vmem_shared>>) target_semaphore(%run_scoped3A : memref<!tpu.dma_semaphore, #tpu.memory_space<semaphore_mem>>)
      %dma_wait3A_80 = arith.constant 0 : i32
      %dma_wait3A_81 = tpu.memref_slice %arg19[%mul3A_2, %dma_wait3A_80] : memref<10240x128xf32, #tpu.memory_space<vmem_shared>> -> memref<640x128xf32, #tpu.memory_space<vmem_shared>>
      tpu.wait_dma2 semaphore(%run_scoped3A : memref<!tpu.dma_semaphore, #tpu.memory_space<semaphore_mem>>) src(%arg5 : memref<640x128xf32, #tpu.memory_space<hbm>>) dst(%dma_wait3A_81 : memref<640x128xf32, #tpu.memory_space<vmem_shared>>)
      tpu.yield
    }) : () -> ()
    %barrier3A = arith.constant 0 : index
    tpu.barrier barrier_id(%barrier3A)
    %mul3A_3 = arith.constant 10000 : i32
    %mul3A_4 = arith.muli %add3A, %mul3A_3 : i32
    %add3A_5 = arith.constant 0 : i32
    %add3A_6 = arith.addi %mul3A_4, %add3A_5 : i32
    %dma_start3A = tpu.memref_slice %arg3[%add3A_6] : memref<320000xi32, #tpu.memory_space<hbm>> -> memref<128xi32, #tpu.memory_space<hbm>>
    %dma_start3A_7 = tpu.memref_slice %arg3[%add3A_6] : memref<320000xi32, #tpu.memory_space<hbm>> -> memref<128xi32, #tpu.memory_space<hbm>>
    tpu.enqueue_dma source(%dma_start3A_7 : memref<128xi32, #tpu.memory_space<hbm>>) target(%arg7 : memref<128xi32, #tpu.memory_space<vmem>>) target_semaphore(%arg20 : memref<!tpu.dma_semaphore, #tpu.memory_space<semaphore_mem>>)
    %dma_start3A_8 = tpu.memref_slice %arg4[%add3A_6] : memref<320000xi32, #tpu.memory_space<hbm>> -> memref<128xi32, #tpu.memory_space<hbm>>
    %dma_start3A_9 = tpu.memref_slice %arg4[%add3A_6] : memref<320000xi32, #tpu.memory_space<hbm>> -> memref<128xi32, #tpu.memory_space<hbm>>
    tpu.enqueue_dma source(%dma_start3A_9 : memref<128xi32, #tpu.memory_space<hbm>>) target(%arg11 : memref<128xi32, #tpu.memory_space<vmem>>) target_semaphore(%arg20 : memref<!tpu.dma_semaphore, #tpu.memory_space<semaphore_mem>>)
    %add3A_10 = arith.constant 128 : i32
    %add3A_11 = arith.addi %mul3A_4, %add3A_10 : i32
    %dma_start3A_12 = tpu.memref_slice %arg3[%add3A_11] : memref<320000xi32, #tpu.memory_space<hbm>> -> memref<128xi32, #tpu.memory_space<hbm>>
    %dma_start3A_13 = tpu.memref_slice %arg3[%add3A_11] : memref<320000xi32, #tpu.memory_space<hbm>> -> memref<128xi32, #tpu.memory_space<hbm>>
    tpu.enqueue_dma source(%dma_start3A_13 : memref<128xi32, #tpu.memory_space<hbm>>) target(%arg8 : memref<128xi32, #tpu.memory_space<vmem>>) target_semaphore(%arg21 : memref<!tpu.dma_semaphore, #tpu.memory_space<semaphore_mem>>)
    %dma_start3A_14 = tpu.memref_slice %arg4[%add3A_11] : memref<320000xi32, #tpu.memory_space<hbm>> -> memref<128xi32, #tpu.memory_space<hbm>>
    %dma_start3A_15 = tpu.memref_slice %arg4[%add3A_11] : memref<320000xi32, #tpu.memory_space<hbm>> -> memref<128xi32, #tpu.memory_space<hbm>>
    tpu.enqueue_dma source(%dma_start3A_15 : memref<128xi32, #tpu.memory_space<hbm>>) target(%arg12 : memref<128xi32, #tpu.memory_space<vmem>>) target_semaphore(%arg21 : memref<!tpu.dma_semaphore, #tpu.memory_space<semaphore_mem>>)
    %dma_wait3A = arith.constant 0 : i32
    %dma_wait3A_16 = tpu.memref_slice %arg3[%dma_wait3A] : memref<320000xi32, #tpu.memory_space<hbm>> -> memref<128xi32, #tpu.memory_space<hbm>>
    %dma_wait3A_17 = arith.constant 0 : i32
    %dma_wait3A_18 = tpu.memref_slice %arg3[%dma_wait3A_17] : memref<320000xi32, #tpu.memory_space<hbm>> -> memref<128xi32, #tpu.memory_space<hbm>>
    tpu.wait_dma2 semaphore(%arg20 : memref<!tpu.dma_semaphore, #tpu.memory_space<semaphore_mem>>) src(%dma_wait3A_18 : memref<128xi32, #tpu.memory_space<hbm>>) dst(%arg7 : memref<128xi32, #tpu.memory_space<vmem>>)
    %dma_wait3A_19 = arith.constant 0 : i32
    %dma_wait3A_20 = tpu.memref_slice %arg4[%dma_wait3A_19] : memref<320000xi32, #tpu.memory_space<hbm>> -> memref<128xi32, #tpu.memory_space<hbm>>
    %dma_wait3A_21 = arith.constant 0 : i32
    %dma_wait3A_22 = tpu.memref_slice %arg4[%dma_wait3A_21] : memref<320000xi32, #tpu.memory_space<hbm>> -> memref<128xi32, #tpu.memory_space<hbm>>
    tpu.wait_dma2 semaphore(%arg20 : memref<!tpu.dma_semaphore, #tpu.memory_space<semaphore_mem>>) src(%dma_wait3A_22 : memref<128xi32, #tpu.memory_space<hbm>>) dst(%arg11 : memref<128xi32, #tpu.memory_space<vmem>>)
    %dma_start3A_23 = arith.constant 0 : i32
    %dma_start3A_24 = arith.constant 0 : i32
    %dma_start3A_25 = tpu.memref_slice %arg2[%dma_start3A_23, %dma_start3A_24] : memref<10000x128xf32, #tpu.memory_space<hbm>> -> memref<10000x128xf32, #tpu.memory_space<hbm>>
    tpu.enqueue_indirect_dma source(%dma_start3A_25 : memref<10000x128xf32, #tpu.memory_space<hbm>>) target(%arg15 : memref<128x128xf32, #tpu.memory_space<vmem>>) offsets(%arg7 : memref<128xi32, #tpu.memory_space<vmem>>) semaphore(%arg24 : memref<!tpu.dma_semaphore, #tpu.memory_space<semaphore_mem>>)
    %add3A_26 = arith.constant 256 : i32
    %add3A_27 = arith.addi %mul3A_4, %add3A_26 : i32
    %dma_start3A_28 = tpu.memref_slice %arg3[%add3A_27] : memref<320000xi32, #tpu.memory_space<hbm>> -> memref<128xi32, #tpu.memory_space<hbm>>
    %dma_start3A_29 = tpu.memref_slice %arg3[%add3A_27] : memref<320000xi32, #tpu.memory_space<hbm>> -> memref<128xi32, #tpu.memory_space<hbm>>
    tpu.enqueue_dma source(%dma_start3A_29 : memref<128xi32, #tpu.memory_space<hbm>>) target(%arg9 : memref<128xi32, #tpu.memory_space<vmem>>) target_semaphore(%arg22 : memref<!tpu.dma_semaphore, #tpu.memory_space<semaphore_mem>>)
    %dma_start3A_30 = tpu.memref_slice %arg4[%add3A_27] : memref<320000xi32, #tpu.memory_space<hbm>> -> memref<128xi32, #tpu.memory_space<hbm>>
    %dma_start3A_31 = tpu.memref_slice %arg4[%add3A_27] : memref<320000xi32, #tpu.memory_space<hbm>> -> memref<128xi32, #tpu.memory_space<hbm>>
    tpu.enqueue_dma source(%dma_start3A_31 : memref<128xi32, #tpu.memory_space<hbm>>) target(%arg13 : memref<128xi32, #tpu.memory_space<vmem>>) target_semaphore(%arg22 : memref<!tpu.dma_semaphore, #tpu.memory_space<semaphore_mem>>)
    %dma_wait3A_32 = arith.constant 0 : i32
    %dma_wait3A_33 = tpu.memref_slice %arg3[%dma_wait3A_32] : memref<320000xi32, #tpu.memory_space<hbm>> -> memref<128xi32, #tpu.memory_space<hbm>>
    %dma_wait3A_34 = arith.constant 0 : i32
    %dma_wait3A_35 = tpu.memref_slice %arg3[%dma_wait3A_34] : memref<320000xi32, #tpu.memory_space<hbm>> -> memref<128xi32, #tpu.memory_space<hbm>>
    tpu.wait_dma2 semaphore(%arg21 : memref<!tpu.dma_semaphore, #tpu.memory_space<semaphore_mem>>) src(%dma_wait3A_35 : memref<128xi32, #tpu.memory_space<hbm>>) dst(%arg8 : memref<128xi32, #tpu.memory_space<vmem>>)
    %dma_wait3A_36 = arith.constant 0 : i32
    %dma_wait3A_37 = tpu.memref_slice %arg4[%dma_wait3A_36] : memref<320000xi32, #tpu.memory_space<hbm>> -> memref<128xi32, #tpu.memory_space<hbm>>
    %dma_wait3A_38 = arith.constant 0 : i32
    %dma_wait3A_39 = tpu.memref_slice %arg4[%dma_wait3A_38] : memref<320000xi32, #tpu.memory_space<hbm>> -> memref<128xi32, #tpu.memory_space<hbm>>
    tpu.wait_dma2 semaphore(%arg21 : memref<!tpu.dma_semaphore, #tpu.memory_space<semaphore_mem>>) src(%dma_wait3A_39 : memref<128xi32, #tpu.memory_space<hbm>>) dst(%arg12 : memref<128xi32, #tpu.memory_space<vmem>>)
    %dma_start3A_40 = arith.constant 0 : i32
    %dma_start3A_41 = arith.constant 0 : i32
    %dma_start3A_42 = tpu.memref_slice %arg2[%dma_start3A_40, %dma_start3A_41] : memref<10000x128xf32, #tpu.memory_space<hbm>> -> memref<10000x128xf32, #tpu.memory_space<hbm>>
    tpu.enqueue_indirect_dma source(%dma_start3A_42 : memref<10000x128xf32, #tpu.memory_space<hbm>>) target(%arg16 : memref<128x128xf32, #tpu.memory_space<vmem>>) offsets(%arg8 : memref<128xi32, #tpu.memory_space<vmem>>) semaphore(%arg25 : memref<!tpu.dma_semaphore, #tpu.memory_space<semaphore_mem>>)
    %dma_wait3A_43 = arith.constant 0 : i32
    %dma_wait3A_44 = arith.constant 0 : i32
    %dma_wait3A_45 = tpu.memref_slice %arg2[%dma_wait3A_43, %dma_wait3A_44] : memref<10000x128xf32, #tpu.memory_space<hbm>> -> memref<10000x128xf32, #tpu.memory_space<hbm>>
    tpu.wait_indirect_dma semaphore(%arg24 : memref<!tpu.dma_semaphore, #tpu.memory_space<semaphore_mem>>) src(%dma_wait3A_45 : memref<10000x128xf32, #tpu.memory_space<hbm>>) dst(%arg15 : memref<128x128xf32, #tpu.memory_space<vmem>>)
    "tpu.region"() ({
      %run_scoped3A = tpu.sem_alloc : memref<!tpu.dma_semaphore, #tpu.memory_space<semaphore_mem>>
      %dma_start3A_78 = arith.constant 0 : i32
      %dma_start3A_79 = arith.constant 0 : i32
      %dma_start3A_80 = tpu.memref_slice %arg19[%dma_start3A_78, %dma_start3A_79] : memref<10240x128xf32, #tpu.memory_space<vmem_shared>> -> memref<10240x128xf32, #tpu.memory_space<vmem_shared>>
      tpu.enqueue_indirect_dma source(%arg15 : memref<128x128xf32, #tpu.memory_space<vmem>>) target(%dma_start3A_80 : memref<10240x128xf32, #tpu.memory_space<vmem_shared>>) offsets(%arg11 : memref<128xi32, #tpu.memory_space<vmem>>) semaphore(%run_scoped3A : memref<!tpu.dma_semaphore, #tpu.memory_space<semaphore_mem>>) {add = true}
      %dma_wait3A_81 = arith.constant 0 : i32
      %dma_wait3A_82 = arith.constant 0 : i32
      %dma_wait3A_83 = tpu.memref_slice %arg19[%dma_wait3A_81, %dma_wait3A_82] : memref<10240x128xf32, #tpu.memory_space<vmem_shared>> -> memref<10240x128xf32, #tpu.memory_space<vmem_shared>>
      tpu.wait_indirect_dma semaphore(%run_scoped3A : memref<!tpu.dma_semaphore, #tpu.memory_space<semaphore_mem>>) src(%arg15 : memref<128x128xf32, #tpu.memory_space<vmem>>) dst(%dma_wait3A_83 : memref<10240x128xf32, #tpu.memory_space<vmem_shared>>)
      tpu.yield
    }) : () -> ()
    %add3A_46 = arith.constant 384 : i32
    %add3A_47 = arith.addi %mul3A_4, %add3A_46 : i32
    %dma_start3A_48 = tpu.memref_slice %arg3[%add3A_47] : memref<320000xi32, #tpu.memory_space<hbm>> -> memref<128xi32, #tpu.memory_space<hbm>>
    %dma_start3A_49 = tpu.memref_slice %arg3[%add3A_47] : memref<320000xi32, #tpu.memory_space<hbm>> -> memref<128xi32, #tpu.memory_space<hbm>>
    tpu.enqueue_dma source(%dma_start3A_49 : memref<128xi32, #tpu.memory_space<hbm>>) target(%arg10 : memref<128xi32, #tpu.memory_space<vmem>>) target_semaphore(%arg23 : memref<!tpu.dma_semaphore, #tpu.memory_space<semaphore_mem>>)
    %dma_start3A_50 = tpu.memref_slice %arg4[%add3A_47] : memref<320000xi32, #tpu.memory_space<hbm>> -> memref<128xi32, #tpu.memory_space<hbm>>
    %dma_start3A_51 = tpu.memref_slice %arg4[%add3A_47] : memref<320000xi32, #tpu.memory_space<hbm>> -> memref<128xi32, #tpu.memory_space<hbm>>
    tpu.enqueue_dma source(%dma_start3A_51 : memref<128xi32, #tpu.memory_space<hbm>>) target(%arg14 : memref<128xi32, #tpu.memory_space<vmem>>) target_semaphore(%arg23 : memref<!tpu.dma_semaphore, #tpu.memory_space<semaphore_mem>>)
    %scan3A = arith.constant 0 : i32
    %scan3A_52 = arith.constant 0 : i32
    %scan3A_53 = arith.constant 19 : i32
    %scan3A_54 = arith.addi %scan3A_52, %scan3A_53 : i32
    %scan3A_55 = arith.constant 1 : i32
    scf.for %scan3A_78 = %scan3A_52 to %scan3A_54 step %scan3A_55  : i32 {
      %mul3A_79 = arith.constant 4 : i32
      %mul3A_80 = arith.muli %mul3A_79, %scan3A_78 : i32
      %add3A_81 = arith.constant 2 : i32
      %add3A_82 = arith.addi %add3A_81, %mul3A_80 : i32
      %add3A_83 = arith.constant 0 : i32
      %add3A_84 = arith.addi %add3A_82, %add3A_83 : i32
      %add3A_85 = arith.constant 2 : i32
      %add3A_86 = arith.addi %add3A_84, %add3A_85 : i32
      %lt3A = arith.constant 78 : i32
      %lt3A_87 = arith.cmpi slt, %add3A_86, %lt3A : i32
      %dma_wait3A_88 = arith.constant 0 : i32
      %dma_wait3A_89 = tpu.memref_slice %arg3[%dma_wait3A_88] : memref<320000xi32, #tpu.memory_space<hbm>> -> memref<128xi32, #tpu.memory_space<hbm>>
      %dma_wait3A_90 = arith.constant 0 : i32
      %dma_wait3A_91 = tpu.memref_slice %arg3[%dma_wait3A_90] : memref<320000xi32, #tpu.memory_space<hbm>> -> memref<128xi32, #tpu.memory_space<hbm>>
      tpu.wait_dma2 semaphore(%arg22 : memref<!tpu.dma_semaphore, #tpu.memory_space<semaphore_mem>>) src(%dma_wait3A_91 : memref<128xi32, #tpu.memory_space<hbm>>) dst(%arg9 : memref<128xi32, #tpu.memory_space<vmem>>)
      %dma_wait3A_92 = arith.constant 0 : i32
      %dma_wait3A_93 = tpu.memref_slice %arg4[%dma_wait3A_92] : memref<320000xi32, #tpu.memory_space<hbm>> -> memref<128xi32, #tpu.memory_space<hbm>>
      %dma_wait3A_94 = arith.constant 0 : i32
      %dma_wait3A_95 = tpu.memref_slice %arg4[%dma_wait3A_94] : memref<320000xi32, #tpu.memory_space<hbm>> -> memref<128xi32, #tpu.memory_space<hbm>>
      tpu.wait_dma2 semaphore(%arg22 : memref<!tpu.dma_semaphore, #tpu.memory_space<semaphore_mem>>) src(%dma_wait3A_95 : memref<128xi32, #tpu.memory_space<hbm>>) dst(%arg13 : memref<128xi32, #tpu.memory_space<vmem>>)
      %dma_start3A_96 = arith.constant 0 : i32
      %dma_start3A_97 = arith.constant 0 : i32
      %dma_start3A_98 = tpu.memref_slice %arg2[%dma_start3A_96, %dma_start3A_97] : memref<10000x128xf32, #tpu.memory_space<hbm>> -> memref<10000x128xf32, #tpu.memory_space<hbm>>
      tpu.enqueue_indirect_dma source(%dma_start3A_98 : memref<10000x128xf32, #tpu.memory_space<hbm>>) target(%arg15 : memref<128x128xf32, #tpu.memory_space<vmem>>) offsets(%arg9 : memref<128xi32, #tpu.memory_space<vmem>>) semaphore(%arg24 : memref<!tpu.dma_semaphore, #tpu.memory_space<semaphore_mem>>)
      %dma_wait3A_99 = arith.constant 0 : i32
      %dma_wait3A_100 = arith.constant 0 : i32
      %dma_wait3A_101 = tpu.memref_slice %arg2[%dma_wait3A_99, %dma_wait3A_100] : memref<10000x128xf32, #tpu.memory_space<hbm>> -> memref<10000x128xf32, #tpu.memory_space<hbm>>
      tpu.wait_indirect_dma semaphore(%arg25 : memref<!tpu.dma_semaphore, #tpu.memory_space<semaphore_mem>>) src(%dma_wait3A_101 : memref<10000x128xf32, #tpu.memory_space<hbm>>) dst(%arg16 : memref<128x128xf32, #tpu.memory_space<vmem>>)
      "tpu.region"() ({
        %run_scoped3A = tpu.sem_alloc : memref<!tpu.dma_semaphore, #tpu.memory_space<semaphore_mem>>
        %dma_start3A_172 = arith.constant 0 : i32
        %dma_start3A_173 = arith.constant 0 : i32
        %dma_start3A_174 = tpu.memref_slice %arg19[%dma_start3A_172, %dma_start3A_173] : memref<10240x128xf32, #tpu.memory_space<vmem_shared>> -> memref<10240x128xf32, #tpu.memory_space<vmem_shared>>
        tpu.enqueue_indirect_dma source(%arg16 : memref<128x128xf32, #tpu.memory_space<vmem>>) target(%dma_start3A_174 : memref<10240x128xf32, #tpu.memory_space<vmem_shared>>) offsets(%arg12 : memref<128xi32, #tpu.memory_space<vmem>>) semaphore(%run_scoped3A : memref<!tpu.dma_semaphore, #tpu.memory_space<semaphore_mem>>) {add = true}
        %dma_wait3A_175 = arith.constant 0 : i32
        %dma_wait3A_176 = arith.constant 0 : i32
        %dma_wait3A_177 = tpu.memref_slice %arg19[%dma_wait3A_175, %dma_wait3A_176] : memref<10240x128xf32, #tpu.memory_space<vmem_shared>> -> memref<10240x128xf32, #tpu.memory_space<vmem_shared>>
        tpu.wait_indirect_dma semaphore(%run_scoped3A : memref<!tpu.dma_semaphore, #tpu.memory_space<semaphore_mem>>) src(%arg16 : memref<128x128xf32, #tpu.memory_space<vmem>>) dst(%dma_wait3A_177 : memref<10240x128xf32, #tpu.memory_space<vmem_shared>>)
        tpu.yield
      }) : () -> ()
      %convert_element_type3A = arith.extui %lt3A_87 : i1 to i32
      %cond3A = arith.constant 0 : i32
      %cond3A_102 = arith.cmpi ne, %convert_element_type3A, %cond3A : i32
      scf.if %cond3A_102 {
        %add3A_172 = arith.constant 2 : i32
        %add3A_173 = arith.addi %add3A_84, %add3A_172 : i32
        %mul3A_174 = arith.constant 128 : i32
        %mul3A_175 = arith.muli %add3A_173, %mul3A_174 : i32
        %add3A_176 = arith.addi %mul3A_4, %mul3A_175 : i32
        %dma_start3A_177 = tpu.memref_slice %arg3[%add3A_176] : memref<320000xi32, #tpu.memory_space<hbm>> -> memref<128xi32, #tpu.memory_space<hbm>>
        %dma_start3A_178 = tpu.memref_slice %arg3[%add3A_176] : memref<320000xi32, #tpu.memory_space<hbm>> -> memref<128xi32, #tpu.memory_space<hbm>>
        tpu.enqueue_dma source(%dma_start3A_178 : memref<128xi32, #tpu.memory_space<hbm>>) target(%arg7 : memref<128xi32, #tpu.memory_space<vmem>>) target_semaphore(%arg20 : memref<!tpu.dma_semaphore, #tpu.memory_space<semaphore_mem>>)
        %dma_start3A_179 = tpu.memref_slice %arg4[%add3A_176] : memref<320000xi32, #tpu.memory_space<hbm>> -> memref<128xi32, #tpu.memory_space<hbm>>
        %dma_start3A_180 = tpu.memref_slice %arg4[%add3A_176] : memref<320000xi32, #tpu.memory_space<hbm>> -> memref<128xi32, #tpu.memory_space<hbm>>
        tpu.enqueue_dma source(%dma_start3A_180 : memref<128xi32, #tpu.memory_space<hbm>>) target(%arg11 : memref<128xi32, #tpu.memory_space<vmem>>) target_semaphore(%arg20 : memref<!tpu.dma_semaphore, #tpu.memory_space<semaphore_mem>>)
      } else {
      }
      %add3A_103 = arith.constant 1 : i32
      %add3A_104 = arith.addi %add3A_82, %add3A_103 : i32
      %add3A_105 = arith.constant 2 : i32
      %add3A_106 = arith.addi %add3A_104, %add3A_105 : i32
      %lt3A_107 = arith.constant 78 : i32
      %lt3A_108 = arith.cmpi slt, %add3A_106, %lt3A_107 : i32
      %dma_wait3A_109 = arith.constant 0 : i32
      %dma_wait3A_110 = tpu.memref_slice %arg3[%dma_wait3A_109] : memref<320000xi32, #tpu.memory_space<hbm>> -> memref<128xi32, #tpu.memory_space<hbm>>
      %dma_wait3A_111 = arith.constant 0 : i32
      %dma_wait3A_112 = tpu.memref_slice %arg3[%dma_wait3A_111] : memref<320000xi32, #tpu.memory_space<hbm>> -> memref<128xi32, #tpu.memory_space<hbm>>
      tpu.wait_dma2 semaphore(%arg23 : memref<!tpu.dma_semaphore, #tpu.memory_space<semaphore_mem>>) src(%dma_wait3A_112 : memref<128xi32, #tpu.memory_space<hbm>>) dst(%arg10 : memref<128xi32, #tpu.memory_space<vmem>>)
      %dma_wait3A_113 = arith.constant 0 : i32
      %dma_wait3A_114 = tpu.memref_slice %arg4[%dma_wait3A_113] : memref<320000xi32, #tpu.memory_space<hbm>> -> memref<128xi32, #tpu.memory_space<hbm>>
      %dma_wait3A_115 = arith.constant 0 : i32
      %dma_wait3A_116 = tpu.memref_slice %arg4[%dma_wait3A_115] : memref<320000xi32, #tpu.memory_space<hbm>> -> memref<128xi32, #tpu.memory_space<hbm>>
      tpu.wait_dma2 semaphore(%arg23 : memref<!tpu.dma_semaphore, #tpu.memory_space<semaphore_mem>>) src(%dma_wait3A_116 : memref<128xi32, #tpu.memory_space<hbm>>) dst(%arg14 : memref<128xi32, #tpu.memory_space<vmem>>)
      %dma_start3A_117 = arith.constant 0 : i32
      %dma_start3A_118 = arith.constant 0 : i32
      %dma_start3A_119 = tpu.memref_slice %arg2[%dma_start3A_117, %dma_start3A_118] : memref<10000x128xf32, #tpu.memory_space<hbm>> -> memref<10000x128xf32, #tpu.memory_space<hbm>>
      tpu.enqueue_indirect_dma source(%dma_start3A_119 : memref<10000x128xf32, #tpu.memory_space<hbm>>) target(%arg16 : memref<128x128xf32, #tpu.memory_space<vmem>>) offsets(%arg10 : memref<128xi32, #tpu.memory_space<vmem>>) semaphore(%arg25 : memref<!tpu.dma_semaphore, #tpu.memory_space<semaphore_mem>>)
      %dma_wait3A_120 = arith.constant 0 : i32
      %dma_wait3A_121 = arith.constant 0 : i32
      %dma_wait3A_122 = tpu.memref_slice %arg2[%dma_wait3A_120, %dma_wait3A_121] : memref<10000x128xf32, #tpu.memory_space<hbm>> -> memref<10000x128xf32, #tpu.memory_space<hbm>>
      tpu.wait_indirect_dma semaphore(%arg24 : memref<!tpu.dma_semaphore, #tpu.memory_space<semaphore_mem>>) src(%dma_wait3A_122 : memref<10000x128xf32, #tpu.memory_space<hbm>>) dst(%arg15 : memref<128x128xf32, #tpu.memory_space<vmem>>)
      "tpu.region"() ({
        %run_scoped3A = tpu.sem_alloc : memref<!tpu.dma_semaphore, #tpu.memory_space<semaphore_mem>>
        %dma_start3A_172 = arith.constant 0 : i32
        %dma_start3A_173 = arith.constant 0 : i32
        %dma_start3A_174 = tpu.memref_slice %arg19[%dma_start3A_172, %dma_start3A_173] : memref<10240x128xf32, #tpu.memory_space<vmem_shared>> -> memref<10240x128xf32, #tpu.memory_space<vmem_shared>>
        tpu.enqueue_indirect_dma source(%arg15 : memref<128x128xf32, #tpu.memory_space<vmem>>) target(%dma_start3A_174 : memref<10240x128xf32, #tpu.memory_space<vmem_shared>>) offsets(%arg13 : memref<128xi32, #tpu.memory_space<vmem>>) semaphore(%run_scoped3A : memref<!tpu.dma_semaphore, #tpu.memory_space<semaphore_mem>>) {add = true}
        %dma_wait3A_175 = arith.constant 0 : i32
        %dma_wait3A_176 = arith.constant 0 : i32
        %dma_wait3A_177 = tpu.memref_slice %arg19[%dma_wait3A_175, %dma_wait3A_176] : memref<10240x128xf32, #tpu.memory_space<vmem_shared>> -> memref<10240x128xf32, #tpu.memory_space<vmem_shared>>
        tpu.wait_indirect_dma semaphore(%run_scoped3A : memref<!tpu.dma_semaphore, #tpu.memory_space<semaphore_mem>>) src(%arg15 : memref<128x128xf32, #tpu.memory_space<vmem>>) dst(%dma_wait3A_177 : memref<10240x128xf32, #tpu.memory_space<vmem_shared>>)
        tpu.yield
      }) : () -> ()
      %convert_element_type3A_123 = arith.extui %lt3A_108 : i1 to i32
      %cond3A_124 = arith.constant 0 : i32
      %cond3A_125 = arith.cmpi ne, %convert_element_type3A_123, %cond3A_124 : i32
      scf.if %cond3A_125 {
        %add3A_172 = arith.constant 2 : i32
        %add3A_173 = arith.addi %add3A_104, %add3A_172 : i32
        %mul3A_174 = arith.constant 128 : i32
        %mul3A_175 = arith.muli %add3A_173, %mul3A_174 : i32
        %add3A_176 = arith.addi %mul3A_4, %mul3A_175 : i32
        %dma_start3A_177 = tpu.memref_slice %arg3[%add3A_176] : memref<320000xi32, #tpu.memory_space<hbm>> -> memref<128xi32, #tpu.memory_space<hbm>>
        %dma_start3A_178 = tpu.memref_slice %arg3[%add3A_176] : memref<320000xi32, #tpu.memory_space<hbm>> -> memref<128xi32, #tpu.memory_space<hbm>>
        tpu.enqueue_dma source(%dma_start3A_178 : memref<128xi32, #tpu.memory_space<hbm>>) target(%arg8 : memref<128xi32, #tpu.memory_space<vmem>>) target_semaphore(%arg21 : memref<!tpu.dma_semaphore, #tpu.memory_space<semaphore_mem>>)
        %dma_start3A_179 = tpu.memref_slice %arg4[%add3A_176] : memref<320000xi32, #tpu.memory_space<hbm>> -> memref<128xi32, #tpu.memory_space<hbm>>
        %dma_start3A_180 = tpu.memref_slice %arg4[%add3A_176] : memref<320000xi32, #tpu.memory_space<hbm>> -> memref<128xi32, #tpu.memory_space<hbm>>
        tpu.enqueue_dma source(%dma_start3A_180 : memref<128xi32, #tpu.memory_space<hbm>>) target(%arg12 : memref<128xi32, #tpu.memory_space<vmem>>) target_semaphore(%arg21 : memref<!tpu.dma_semaphore, #tpu.memory_space<semaphore_mem>>)
      } else {
      }
      %add3A_126 = arith.constant 2 : i32
      %add3A_127 = arith.addi %add3A_82, %add3A_126 : i32
      %add3A_128 = arith.constant 2 : i32
      %add3A_129 = arith.addi %add3A_127, %add3A_128 : i32
      %lt3A_130 = arith.constant 78 : i32
      %lt3A_131 = arith.cmpi slt, %add3A_129, %lt3A_130 : i32
      %dma_wait3A_132 = arith.constant 0 : i32
      %dma_wait3A_133 = tpu.memref_slice %arg3[%dma_wait3A_132] : memref<320000xi32, #tpu.memory_space<hbm>> -> memref<128xi32, #tpu.memory_space<hbm>>
      %dma_wait3A_134 = arith.constant 0 : i32
      %dma_wait3A_135 = tpu.memref_slice %arg3[%dma_wait3A_134] : memref<320000xi32, #tpu.memory_space<hbm>> -> memref<128xi32, #tpu.memory_space<hbm>>
      tpu.wait_dma2 semaphore(%arg20 : memref<!tpu.dma_semaphore, #tpu.memory_space<semaphore_mem>>) src(%dma_wait3A_135 : memref<128xi32, #tpu.memory_space<hbm>>) dst(%arg7 : memref<128xi32, #tpu.memory_space<vmem>>)
      %dma_wait3A_136 = arith.constant 0 : i32
      %dma_wait3A_137 = tpu.memref_slice %arg4[%dma_wait3A_136] : memref<320000xi32, #tpu.memory_space<hbm>> -> memref<128xi32, #tpu.memory_space<hbm>>
      %dma_wait3A_138 = arith.constant 0 : i32
      %dma_wait3A_139 = tpu.memref_slice %arg4[%dma_wait3A_138] : memref<320000xi32, #tpu.memory_space<hbm>> -> memref<128xi32, #tpu.memory_space<hbm>>
      tpu.wait_dma2 semaphore(%arg20 : memref<!tpu.dma_semaphore, #tpu.memory_space<semaphore_mem>>) src(%dma_wait3A_139 : memref<128xi32, #tpu.memory_space<hbm>>) dst(%arg11 : memref<128xi32, #tpu.memory_space<vmem>>)
      %dma_start3A_140 = arith.constant 0 : i32
      %dma_start3A_141 = arith.constant 0 : i32
      %dma_start3A_142 = tpu.memref_slice %arg2[%dma_start3A_140, %dma_start3A_141] : memref<10000x128xf32, #tpu.memory_space<hbm>> -> memref<10000x128xf32, #tpu.memory_space<hbm>>
      tpu.enqueue_indirect_dma source(%dma_start3A_142 : memref<10000x128xf32, #tpu.memory_space<hbm>>) target(%arg15 : memref<128x128xf32, #tpu.memory_space<vmem>>) offsets(%arg7 : memref<128xi32, #tpu.memory_space<vmem>>) semaphore(%arg24 : memref<!tpu.dma_semaphore, #tpu.memory_space<semaphore_mem>>)
      %dma_wait3A_143 = arith.constant 0 : i32
      %dma_wait3A_144 = arith.constant 0 : i32
      %dma_wait3A_145 = tpu.memref_slice %arg2[%dma_wait3A_143, %dma_wait3A_144] : memref<10000x128xf32, #tpu.memory_space<hbm>> -> memref<10000x128xf32, #tpu.memory_space<hbm>>
      tpu.wait_indirect_dma semaphore(%arg25 : memref<!tpu.dma_semaphore, #tpu.memory_space<semaphore_mem>>) src(%dma_wait3A_145 : memref<10000x128xf32, #tpu.memory_space<hbm>>) dst(%arg16 : memref<128x128xf32, #tpu.memory_space<vmem>>)
      "tpu.region"() ({
        %run_scoped3A = tpu.sem_alloc : memref<!tpu.dma_semaphore, #tpu.memory_space<semaphore_mem>>
        %dma_start3A_172 = arith.constant 0 : i32
        %dma_start3A_173 = arith.constant 0 : i32
        %dma_start3A_174 = tpu.memref_slice %arg19[%dma_start3A_172, %dma_start3A_173] : memref<10240x128xf32, #tpu.memory_space<vmem_shared>> -> memref<10240x128xf32, #tpu.memory_space<vmem_shared>>
        tpu.enqueue_indirect_dma source(%arg16 : memref<128x128xf32, #tpu.memory_space<vmem>>) target(%dma_start3A_174 : memref<10240x128xf32, #tpu.memory_space<vmem_shared>>) offsets(%arg14 : memref<128xi32, #tpu.memory_space<vmem>>) semaphore(%run_scoped3A : memref<!tpu.dma_semaphore, #tpu.memory_space<semaphore_mem>>) {add = true}
        %dma_wait3A_175 = arith.constant 0 : i32
        %dma_wait3A_176 = arith.constant 0 : i32
        %dma_wait3A_177 = tpu.memref_slice %arg19[%dma_wait3A_175, %dma_wait3A_176] : memref<10240x128xf32, #tpu.memory_space<vmem_shared>> -> memref<10240x128xf32, #tpu.memory_space<vmem_shared>>
        tpu.wait_indirect_dma semaphore(%run_scoped3A : memref<!tpu.dma_semaphore, #tpu.memory_space<semaphore_mem>>) src(%arg16 : memref<128x128xf32, #tpu.memory_space<vmem>>) dst(%dma_wait3A_177 : memref<10240x128xf32, #tpu.memory_space<vmem_shared>>)
        tpu.yield
      }) : () -> ()
      %convert_element_type3A_146 = arith.extui %lt3A_131 : i1 to i32
      %cond3A_147 = arith.constant 0 : i32
      %cond3A_148 = arith.cmpi ne, %convert_element_type3A_146, %cond3A_147 : i32
      scf.if %cond3A_148 {
        %add3A_172 = arith.constant 2 : i32
        %add3A_173 = arith.addi %add3A_127, %add3A_172 : i32
        %mul3A_174 = arith.constant 128 : i32
        %mul3A_175 = arith.muli %add3A_173, %mul3A_174 : i32
        %add3A_176 = arith.addi %mul3A_4, %mul3A_175 : i32
        %dma_start3A_177 = tpu.memref_slice %arg3[%add3A_176] : memref<320000xi32, #tpu.memory_space<hbm>> -> memref<128xi32, #tpu.memory_space<hbm>>
        %dma_start3A_178 = tpu.memref_slice %arg3[%add3A_176] : memref<320000xi32, #tpu.memory_space<hbm>> -> memref<128xi32, #tpu.memory_space<hbm>>
        tpu.enqueue_dma source(%dma_start3A_178 : memref<128xi32, #tpu.memory_space<hbm>>) target(%arg9 : memref<128xi32, #tpu.memory_space<vmem>>) target_semaphore(%arg22 : memref<!tpu.dma_semaphore, #tpu.memory_space<semaphore_mem>>)
        %dma_start3A_179 = tpu.memref_slice %arg4[%add3A_176] : memref<320000xi32, #tpu.memory_space<hbm>> -> memref<128xi32, #tpu.memory_space<hbm>>
        %dma_start3A_180 = tpu.memref_slice %arg4[%add3A_176] : memref<320000xi32, #tpu.memory_space<hbm>> -> memref<128xi32, #tpu.memory_space<hbm>>
        tpu.enqueue_dma source(%dma_start3A_180 : memref<128xi32, #tpu.memory_space<hbm>>) target(%arg13 : memref<128xi32, #tpu.memory_space<vmem>>) target_semaphore(%arg22 : memref<!tpu.dma_semaphore, #tpu.memory_space<semaphore_mem>>)
      } else {
      }
      %add3A_149 = arith.constant 3 : i32
      %add3A_150 = arith.addi %add3A_82, %add3A_149 : i32
      %add3A_151 = arith.constant 2 : i32
      %add3A_152 = arith.addi %add3A_150, %add3A_151 : i32
      %lt3A_153 = arith.constant 78 : i32
      %lt3A_154 = arith.cmpi slt, %add3A_152, %lt3A_153 : i32
      %dma_wait3A_155 = arith.constant 0 : i32
      %dma_wait3A_156 = tpu.memref_slice %arg3[%dma_wait3A_155] : memref<320000xi32, #tpu.memory_space<hbm>> -> memref<128xi32, #tpu.memory_space<hbm>>
      %dma_wait3A_157 = arith.constant 0 : i32
      %dma_wait3A_158 = tpu.memref_slice %arg3[%dma_wait3A_157] : memref<320000xi32, #tpu.memory_space<hbm>> -> memref<128xi32, #tpu.memory_space<hbm>>
      tpu.wait_dma2 semaphore(%arg21 : memref<!tpu.dma_semaphore, #tpu.memory_space<semaphore_mem>>) src(%dma_wait3A_158 : memref<128xi32, #tpu.memory_space<hbm>>) dst(%arg8 : memref<128xi32, #tpu.memory_space<vmem>>)
      %dma_wait3A_159 = arith.constant 0 : i32
      %dma_wait3A_160 = tpu.memref_slice %arg4[%dma_wait3A_159] : memref<320000xi32, #tpu.memory_space<hbm>> -> memref<128xi32, #tpu.memory_space<hbm>>
      %dma_wait3A_161 = arith.constant 0 : i32
      %dma_wait3A_162 = tpu.memref_slice %arg4[%dma_wait3A_161] : memref<320000xi32, #tpu.memory_space<hbm>> -> memref<128xi32, #tpu.memory_space<hbm>>
      tpu.wait_dma2 semaphore(%arg21 : memref<!tpu.dma_semaphore, #tpu.memory_space<semaphore_mem>>) src(%dma_wait3A_162 : memref<128xi32, #tpu.memory_space<hbm>>) dst(%arg12 : memref<128xi32, #tpu.memory_space<vmem>>)
      %dma_start3A_163 = arith.constant 0 : i32
      %dma_start3A_164 = arith.constant 0 : i32
      %dma_start3A_165 = tpu.memref_slice %arg2[%dma_start3A_163, %dma_start3A_164] : memref<10000x128xf32, #tpu.memory_space<hbm>> -> memref<10000x128xf32, #tpu.memory_space<hbm>>
      tpu.enqueue_indirect_dma source(%dma_start3A_165 : memref<10000x128xf32, #tpu.memory_space<hbm>>) target(%arg16 : memref<128x128xf32, #tpu.memory_space<vmem>>) offsets(%arg8 : memref<128xi32, #tpu.memory_space<vmem>>) semaphore(%arg25 : memref<!tpu.dma_semaphore, #tpu.memory_space<semaphore_mem>>)
      %dma_wait3A_166 = arith.constant 0 : i32
      %dma_wait3A_167 = arith.constant 0 : i32
      %dma_wait3A_168 = tpu.memref_slice %arg2[%dma_wait3A_166, %dma_wait3A_167] : memref<10000x128xf32, #tpu.memory_space<hbm>> -> memref<10000x128xf32, #tpu.memory_space<hbm>>
      tpu.wait_indirect_dma semaphore(%arg24 : memref<!tpu.dma_semaphore, #tpu.memory_space<semaphore_mem>>) src(%dma_wait3A_168 : memref<10000x128xf32, #tpu.memory_space<hbm>>) dst(%arg15 : memref<128x128xf32, #tpu.memory_space<vmem>>)
      "tpu.region"() ({
        %run_scoped3A = tpu.sem_alloc : memref<!tpu.dma_semaphore, #tpu.memory_space<semaphore_mem>>
        %dma_start3A_172 = arith.constant 0 : i32
        %dma_start3A_173 = arith.constant 0 : i32
        %dma_start3A_174 = tpu.memref_slice %arg19[%dma_start3A_172, %dma_start3A_173] : memref<10240x128xf32, #tpu.memory_space<vmem_shared>> -> memref<10240x128xf32, #tpu.memory_space<vmem_shared>>
        tpu.enqueue_indirect_dma source(%arg15 : memref<128x128xf32, #tpu.memory_space<vmem>>) target(%dma_start3A_174 : memref<10240x128xf32, #tpu.memory_space<vmem_shared>>) offsets(%arg11 : memref<128xi32, #tpu.memory_space<vmem>>) semaphore(%run_scoped3A : memref<!tpu.dma_semaphore, #tpu.memory_space<semaphore_mem>>) {add = true}
        %dma_wait3A_175 = arith.constant 0 : i32
        %dma_wait3A_176 = arith.constant 0 : i32
        %dma_wait3A_177 = tpu.memref_slice %arg19[%dma_wait3A_175, %dma_wait3A_176] : memref<10240x128xf32, #tpu.memory_space<vmem_shared>> -> memref<10240x128xf32, #tpu.memory_space<vmem_shared>>
        tpu.wait_indirect_dma semaphore(%run_scoped3A : memref<!tpu.dma_semaphore, #tpu.memory_space<semaphore_mem>>) src(%arg15 : memref<128x128xf32, #tpu.memory_space<vmem>>) dst(%dma_wait3A_177 : memref<10240x128xf32, #tpu.memory_space<vmem_shared>>)
        tpu.yield
      }) : () -> ()
      %convert_element_type3A_169 = arith.extui %lt3A_154 : i1 to i32
      %cond3A_170 = arith.constant 0 : i32
      %cond3A_171 = arith.cmpi ne, %convert_element_type3A_169, %cond3A_170 : i32
      scf.if %cond3A_171 {
        %add3A_172 = arith.constant 2 : i32
        %add3A_173 = arith.addi %add3A_150, %add3A_172 : i32
        %mul3A_174 = arith.constant 128 : i32
        %mul3A_175 = arith.muli %add3A_173, %mul3A_174 : i32
        %add3A_176 = arith.addi %mul3A_4, %mul3A_175 : i32
        %dma_start3A_177 = tpu.memref_slice %arg3[%add3A_176] : memref<320000xi32, #tpu.memory_space<hbm>> -> memref<128xi32, #tpu.memory_space<hbm>>
        %dma_start3A_178 = tpu.memref_slice %arg3[%add3A_176] : memref<320000xi32, #tpu.memory_space<hbm>> -> memref<128xi32, #tpu.memory_space<hbm>>
        tpu.enqueue_dma source(%dma_start3A_178 : memref<128xi32, #tpu.memory_space<hbm>>) target(%arg10 : memref<128xi32, #tpu.memory_space<vmem>>) target_semaphore(%arg23 : memref<!tpu.dma_semaphore, #tpu.memory_space<semaphore_mem>>)
        %dma_start3A_179 = tpu.memref_slice %arg4[%add3A_176] : memref<320000xi32, #tpu.memory_space<hbm>> -> memref<128xi32, #tpu.memory_space<hbm>>
        %dma_start3A_180 = tpu.memref_slice %arg4[%add3A_176] : memref<320000xi32, #tpu.memory_space<hbm>> -> memref<128xi32, #tpu.memory_space<hbm>>
        tpu.enqueue_dma source(%dma_start3A_180 : memref<128xi32, #tpu.memory_space<hbm>>) target(%arg14 : memref<128xi32, #tpu.memory_space<vmem>>) target_semaphore(%arg23 : memref<!tpu.dma_semaphore, #tpu.memory_space<semaphore_mem>>)
      } else {
      }
    }
    %scan3A_56 = arith.constant 19 : i32
    %dma_wait3A_57 = arith.constant 0 : i32
    %dma_wait3A_58 = arith.constant 0 : i32
    %dma_wait3A_59 = tpu.memref_slice %arg2[%dma_wait3A_57, %dma_wait3A_58] : memref<10000x128xf32, #tpu.memory_space<hbm>> -> memref<10000x128xf32, #tpu.memory_space<hbm>>
    tpu.wait_indirect_dma semaphore(%arg25 : memref<!tpu.dma_semaphore, #tpu.memory_space<semaphore_mem>>) src(%dma_wait3A_59 : memref<10000x128xf32, #tpu.memory_space<hbm>>) dst(%arg16 : memref<128x128xf32, #tpu.memory_space<vmem>>)
    "tpu.region"() ({
      %run_scoped3A = tpu.sem_alloc : memref<!tpu.dma_semaphore, #tpu.memory_space<semaphore_mem>>
      %dma_start3A_78 = arith.constant 0 : i32
      %dma_start3A_79 = arith.constant 0 : i32
      %dma_start3A_80 = tpu.memref_slice %arg19[%dma_start3A_78, %dma_start3A_79] : memref<10240x128xf32, #tpu.memory_space<vmem_shared>> -> memref<10240x128xf32, #tpu.memory_space<vmem_shared>>
      tpu.enqueue_indirect_dma source(%arg16 : memref<128x128xf32, #tpu.memory_space<vmem>>) target(%dma_start3A_80 : memref<10240x128xf32, #tpu.memory_space<vmem_shared>>) offsets(%arg12 : memref<128xi32, #tpu.memory_space<vmem>>) semaphore(%run_scoped3A : memref<!tpu.dma_semaphore, #tpu.memory_space<semaphore_mem>>) {add = true}
      %dma_wait3A_81 = arith.constant 0 : i32
      %dma_wait3A_82 = arith.constant 0 : i32
      %dma_wait3A_83 = tpu.memref_slice %arg19[%dma_wait3A_81, %dma_wait3A_82] : memref<10240x128xf32, #tpu.memory_space<vmem_shared>> -> memref<10240x128xf32, #tpu.memory_space<vmem_shared>>
      tpu.wait_indirect_dma semaphore(%run_scoped3A : memref<!tpu.dma_semaphore, #tpu.memory_space<semaphore_mem>>) src(%arg16 : memref<128x128xf32, #tpu.memory_space<vmem>>) dst(%dma_wait3A_83 : memref<10240x128xf32, #tpu.memory_space<vmem_shared>>)
      tpu.yield
    }) : () -> ()
    %add3A_60 = arith.constant 9984 : i32
    %add3A_61 = arith.addi %mul3A_4, %add3A_60 : i32
    "tpu.region"() ({
      %run_scoped3A = tpu.sem_alloc : memref<!tpu.dma_semaphore, #tpu.memory_space<semaphore_mem>>
      %dma_start3A_78 = tpu.memref_slice %arg3[%add3A_61] : memref<320000xi32, #tpu.memory_space<hbm>> -> memref<16xi32, #tpu.memory_space<hbm>>
      %dma_start3A_79 = tpu.memref_slice %arg3[%add3A_61] : memref<320000xi32, #tpu.memory_space<hbm>> -> memref<16xi32, #tpu.memory_space<hbm>>
      tpu.enqueue_dma source(%dma_start3A_79 : memref<16xi32, #tpu.memory_space<hbm>>) target(%arg17 : memref<16xi32, #tpu.memory_space<vmem>>) target_semaphore(%run_scoped3A : memref<!tpu.dma_semaphore, #tpu.memory_space<semaphore_mem>>)
      %dma_wait3A_80 = tpu.memref_slice %arg3[%add3A_61] : memref<320000xi32, #tpu.memory_space<hbm>> -> memref<16xi32, #tpu.memory_space<hbm>>
      %dma_wait3A_81 = tpu.memref_slice %arg3[%add3A_61] : memref<320000xi32, #tpu.memory_space<hbm>> -> memref<16xi32, #tpu.memory_space<hbm>>
      tpu.wait_dma2 semaphore(%run_scoped3A : memref<!tpu.dma_semaphore, #tpu.memory_space<semaphore_mem>>) src(%dma_wait3A_81 : memref<16xi32, #tpu.memory_space<hbm>>) dst(%arg17 : memref<16xi32, #tpu.memory_space<vmem>>)
      tpu.yield
    }) : () -> ()
    "tpu.region"() ({
      %run_scoped3A = tpu.sem_alloc : memref<!tpu.dma_semaphore, #tpu.memory_space<semaphore_mem>>
      %dma_start3A_78 = tpu.memref_slice %arg4[%add3A_61] : memref<320000xi32, #tpu.memory_space<hbm>> -> memref<16xi32, #tpu.memory_space<hbm>>
      %dma_start3A_79 = tpu.memref_slice %arg4[%add3A_61] : memref<320000xi32, #tpu.memory_space<hbm>> -> memref<16xi32, #tpu.memory_space<hbm>>
      tpu.enqueue_dma source(%dma_start3A_79 : memref<16xi32, #tpu.memory_space<hbm>>) target(%arg18 : memref<16xi32, #tpu.memory_space<vmem>>) target_semaphore(%run_scoped3A : memref<!tpu.dma_semaphore, #tpu.memory_space<semaphore_mem>>)
      %dma_wait3A_80 = tpu.memref_slice %arg4[%add3A_61] : memref<320000xi32, #tpu.memory_space<hbm>> -> memref<16xi32, #tpu.memory_space<hbm>>
      %dma_wait3A_81 = tpu.memref_slice %arg4[%add3A_61] : memref<320000xi32, #tpu.memory_space<hbm>> -> memref<16xi32, #tpu.memory_space<hbm>>
      tpu.wait_dma2 semaphore(%run_scoped3A : memref<!tpu.dma_semaphore, #tpu.memory_space<semaphore_mem>>) src(%dma_wait3A_81 : memref<16xi32, #tpu.memory_space<hbm>>) dst(%arg18 : memref<16xi32, #tpu.memory_space<vmem>>)
      tpu.yield
    }) : () -> ()
    %dma_start3A_62 = arith.constant 0 : i32
    %dma_start3A_63 = arith.constant 0 : i32
    %dma_start3A_64 = tpu.memref_slice %arg15[%dma_start3A_62, %dma_start3A_63] : memref<128x128xf32, #tpu.memory_space<vmem>> -> memref<16x128xf32, #tpu.memory_space<vmem>>
    %dma_start3A_65 = arith.constant 0 : i32
    %dma_start3A_66 = arith.constant 0 : i32
    %dma_start3A_67 = tpu.memref_slice %arg2[%dma_start3A_65, %dma_start3A_66] : memref<10000x128xf32, #tpu.memory_space<hbm>> -> memref<10000x128xf32, #tpu.memory_space<hbm>>
    tpu.enqueue_indirect_dma source(%dma_start3A_67 : memref<10000x128xf32, #tpu.memory_space<hbm>>) target(%dma_start3A_64 : memref<16x128xf32, #tpu.memory_space<vmem>>) offsets(%arg17 : memref<16xi32, #tpu.memory_space<vmem>>) semaphore(%arg24 : memref<!tpu.dma_semaphore, #tpu.memory_space<semaphore_mem>>)
    %dma_wait3A_68 = arith.constant 0 : i32
    %dma_wait3A_69 = arith.constant 0 : i32
    %dma_wait3A_70 = tpu.memref_slice %arg15[%dma_wait3A_68, %dma_wait3A_69] : memref<128x128xf32, #tpu.memory_space<vmem>> -> memref<16x128xf32, #tpu.memory_space<vmem>>
    %dma_wait3A_71 = arith.constant 0 : i32
    %dma_wait3A_72 = arith.constant 0 : i32
    %dma_wait3A_73 = tpu.memref_slice %arg2[%dma_wait3A_71, %dma_wait3A_72] : memref<10000x128xf32, #tpu.memory_space<hbm>> -> memref<10000x128xf32, #tpu.memory_space<hbm>>
    tpu.wait_indirect_dma semaphore(%arg24 : memref<!tpu.dma_semaphore, #tpu.memory_space<semaphore_mem>>) src(%dma_wait3A_73 : memref<10000x128xf32, #tpu.memory_space<hbm>>) dst(%dma_wait3A_70 : memref<16x128xf32, #tpu.memory_space<vmem>>)
    "tpu.region"() ({
      %run_scoped3A = tpu.sem_alloc : memref<!tpu.dma_semaphore, #tpu.memory_space<semaphore_mem>>
      %dma_start3A_78 = arith.constant 0 : i32
      %dma_start3A_79 = arith.constant 0 : i32
      %dma_start3A_80 = tpu.memref_slice %arg15[%dma_start3A_78, %dma_start3A_79] : memref<128x128xf32, #tpu.memory_space<vmem>> -> memref<16x128xf32, #tpu.memory_space<vmem>>
      %dma_start3A_81 = arith.constant 0 : i32
      %dma_start3A_82 = arith.constant 0 : i32
      %dma_start3A_83 = tpu.memref_slice %arg19[%dma_start3A_81, %dma_start3A_82] : memref<10240x128xf32, #tpu.memory_space<vmem_shared>> -> memref<10240x128xf32, #tpu.memory_space<vmem_shared>>
      tpu.enqueue_indirect_dma source(%dma_start3A_80 : memref<16x128xf32, #tpu.memory_space<vmem>>) target(%dma_start3A_83 : memref<10240x128xf32, #tpu.memory_space<vmem_shared>>) offsets(%arg18 : memref<16xi32, #tpu.memory_space<vmem>>) semaphore(%run_scoped3A : memref<!tpu.dma_semaphore, #tpu.memory_space<semaphore_mem>>) {add = true}
      %dma_wait3A_84 = arith.constant 0 : i32
      %dma_wait3A_85 = arith.constant 0 : i32
      %dma_wait3A_86 = tpu.memref_slice %arg15[%dma_wait3A_84, %dma_wait3A_85] : memref<128x128xf32, #tpu.memory_space<vmem>> -> memref<16x128xf32, #tpu.memory_space<vmem>>
      %dma_wait3A_87 = arith.constant 0 : i32
      %dma_wait3A_88 = arith.constant 0 : i32
      %dma_wait3A_89 = tpu.memref_slice %arg19[%dma_wait3A_87, %dma_wait3A_88] : memref<10240x128xf32, #tpu.memory_space<vmem_shared>> -> memref<10240x128xf32, #tpu.memory_space<vmem_shared>>
      tpu.wait_indirect_dma semaphore(%run_scoped3A : memref<!tpu.dma_semaphore, #tpu.memory_space<semaphore_mem>>) src(%dma_wait3A_86 : memref<16x128xf32, #tpu.memory_space<vmem>>) dst(%dma_wait3A_89 : memref<10240x128xf32, #tpu.memory_space<vmem_shared>>)
      tpu.yield
    }) : () -> ()
    %barrier3A_74 = arith.constant 0 : index
    tpu.barrier barrier_id(%barrier3A_74)
    %mul3A_75 = arith.constant 10240 : i32
    %mul3A_76 = arith.muli %arg0, %mul3A_75 : i32
    %add3A_77 = arith.addi %mul3A_76, %mul3A_2 : i32
    "tpu.region"() ({
      %run_scoped3A = tpu.sem_alloc : memref<!tpu.dma_semaphore, #tpu.memory_space<semaphore_mem>>
      %dma_start3A_78 = arith.constant 0 : i32
      %dma_start3A_79 = tpu.memref_slice %arg6[%add3A_77, %dma_start3A_78] : memref<20480x128xf32, #tpu.memory_space<hbm>> -> memref<640x128xf32, #tpu.memory_space<hbm>>
      %dma_start3A_80 = arith.constant 0 : i32
      %dma_start3A_81 = tpu.memref_slice %arg19[%mul3A_2, %dma_start3A_80] : memref<10240x128xf32, #tpu.memory_space<vmem_shared>> -> memref<640x128xf32, #tpu.memory_space<vmem_shared>>
      tpu.enqueue_dma source(%dma_start3A_81 : memref<640x128xf32, #tpu.memory_space<vmem_shared>>) target(%dma_start3A_79 : memref<640x128xf32, #tpu.memory_space<hbm>>) target_semaphore(%run_scoped3A : memref<!tpu.dma_semaphore, #tpu.memory_space<semaphore_mem>>)
      %dma_wait3A_82 = arith.constant 0 : i32
      %dma_wait3A_83 = tpu.memref_slice %arg6[%add3A_77, %dma_wait3A_82] : memref<20480x128xf32, #tpu.memory_space<hbm>> -> memref<640x128xf32, #tpu.memory_space<hbm>>
      %dma_wait3A_84 = arith.constant 0 : i32
      %dma_wait3A_85 = tpu.memref_slice %arg19[%mul3A_2, %dma_wait3A_84] : memref<10240x128xf32, #tpu.memory_space<vmem_shared>> -> memref<640x128xf32, #tpu.memory_space<vmem_shared>>
      tpu.wait_dma2 semaphore(%run_scoped3A : memref<!tpu.dma_semaphore, #tpu.memory_space<semaphore_mem>>) src(%dma_wait3A_85 : memref<640x128xf32, #tpu.memory_space<vmem_shared>>) dst(%dma_wait3A_83 : memref<640x128xf32, #tpu.memory_space<hbm>>)
      tpu.yield
    }) : () -> ()
    return
  }
}

#map = affine_map<(d0, d1) -> (0, 0)>
#map1 = affine_map<(d0, d1) -> (0)>
module attributes {stable_mosaic.version = 14 : i64} {
  func.func @k(%arg0: i32, %arg1: i32, %arg2: memref<10000x128xf32, #tpu.memory_space<hbm>>, %arg3: memref<320000xi32, #tpu.memory_space<hbm>>, %arg4: memref<320000xi32, #tpu.memory_space<hbm>>, %arg5: memref<640x128xf32, #tpu.memory_space<hbm>>, %arg6: memref<20480x128xf32, #tpu.memory_space<hbm>>, %arg7: memref<128xi32, #tpu.memory_space<vmem>>, %arg8: memref<128xi32, #tpu.memory_space<vmem>>, %arg9: memref<128xi32, #tpu.memory_space<vmem>>, %arg10: memref<128xi32, #tpu.memory_space<vmem>>, %arg11: memref<128xi32, #tpu.memory_space<vmem>>, %arg12: memref<128xi32, #tpu.memory_space<vmem>>, %arg13: memref<128xi32, #tpu.memory_space<vmem>>, %arg14: memref<128xi32, #tpu.memory_space<vmem>>, %arg15: memref<128x128xf32, #tpu.memory_space<vmem>>, %arg16: memref<128x128xf32, #tpu.memory_space<vmem>>, %arg17: memref<16xi32, #tpu.memory_space<vmem>>, %arg18: memref<16xi32, #tpu.memory_space<vmem>>, %arg19: memref<10240x128xf32, #tpu.memory_space<vmem_shared>>, %arg20: memref<!tpu.dma_semaphore, #tpu.memory_space<semaphore_mem>>, %arg21: memref<!tpu.dma_semaphore, #tpu.memory_space<semaphore_mem>>, %arg22: memref<!tpu.dma_semaphore, #tpu.memory_space<semaphore_mem>>, %arg23: memref<!tpu.dma_semaphore, #tpu.memory_space<semaphore_mem>>, %arg24: memref<!tpu.dma_semaphore, #tpu.memory_space<semaphore_mem>>, %arg25: memref<!tpu.dma_semaphore, #tpu.memory_space<semaphore_mem>>) attributes {dimension_semantics = [#tpu.dimension_semantics<core_parallel>, #tpu.dimension_semantics<subcore_parallel>], iteration_bounds = array<i64: 2, 16>, scalar_prefetch = 0 : i64, scratch_operands = 19 : i64, tpu.core_type = #tpu.core_type<sc_vector_subcore>, window_params = [{transform_indices = #map}, {transform_indices = #map1}, {transform_indices = #map1}, {transform_indices = #map}, {transform_indices = #map}]} {
    %mul3A = arith.constant 16 : i32
    %mul3A_0 = arith.muli %arg0, %mul3A : i32
    %add3A = arith.addi %mul3A_0, %arg1 : i32
    %mul3A_1 = arith.constant 640 : i32
    %mul3A_2 = arith.muli %arg1, %mul3A_1 : i32
    "tpu.region"() ({
      %run_scoped3A = tpu.sem_alloc : memref<!tpu.dma_semaphore, #tpu.memory_space<semaphore_mem>>
      %dma_start3A_78 = arith.constant 0 : i32
      %dma_start3A_79 = tpu.memref_slice %arg19[%mul3A_2, %dma_start3A_78] : memref<10240x128xf32, #tpu.memory_space<vmem_shared>> -> memref<640x128xf32, #tpu.memory_space<vmem_shared>>
      tpu.enqueue_dma source(%arg5 : memref<640x128xf32, #tpu.memory_space<hbm>>) target(%dma_start3A_79 : memref<640x128xf32, #tpu.memory_space<vmem_shared>>) target_semaphore(%run_scoped3A : memref<!tpu.dma_semaphore, #tpu.memory_space<semaphore_mem>>)
      %dma_wait3A_80 = arith.constant 0 : i32
      %dma_wait3A_81 = tpu.memref_slice %arg19[%mul3A_2, %dma_wait3A_80] : memref<10240x128xf32, #tpu.memory_space<vmem_shared>> -> memref<640x128xf32, #tpu.memory_space<vmem_shared>>
      tpu.wait_dma2 semaphore(%run_scoped3A : memref<!tpu.dma_semaphore, #tpu.memory_space<semaphore_mem>>) src(%arg5 : memref<640x128xf32, #tpu.memory_space<hbm>>) dst(%dma_wait3A_81 : memref<640x128xf32, #tpu.memory_space<vmem_shared>>)
      tpu.yield
    }) : () -> ()
    %barrier3A = arith.constant 0 : index
    tpu.barrier barrier_id(%barrier3A)
    %mul3A_3 = arith.constant 10000 : i32
    %mul3A_4 = arith.muli %add3A, %mul3A_3 : i32
    %add3A_5 = arith.constant 0 : i32
    %add3A_6 = arith.addi %mul3A_4, %add3A_5 : i32
    %dma_start3A = tpu.memref_slice %arg3[%add3A_6] : memref<320000xi32, #tpu.memory_space<hbm>> -> memref<128xi32, #tpu.memory_space<hbm>>
    %dma_start3A_7 = tpu.memref_slice %arg3[%add3A_6] : memref<320000xi32, #tpu.memory_space<hbm>> -> memref<128xi32, #tpu.memory_space<hbm>>
    tpu.enqueue_dma source(%dma_start3A_7 : memref<128xi32, #tpu.memory_space<hbm>>) target(%arg7 : memref<128xi32, #tpu.memory_space<vmem>>) target_semaphore(%arg20 : memref<!tpu.dma_semaphore, #tpu.memory_space<semaphore_mem>>)
    %dma_start3A_8 = tpu.memref_slice %arg4[%add3A_6] : memref<320000xi32, #tpu.memory_space<hbm>> -> memref<128xi32, #tpu.memory_space<hbm>>
    %dma_start3A_9 = tpu.memref_slice %arg4[%add3A_6] : memref<320000xi32, #tpu.memory_space<hbm>> -> memref<128xi32, #tpu.memory_space<hbm>>
    tpu.enqueue_dma source(%dma_start3A_9 : memref<128xi32, #tpu.memory_space<hbm>>) target(%arg11 : memref<128xi32, #tpu.memory_space<vmem>>) target_semaphore(%arg20 : memref<!tpu.dma_semaphore, #tpu.memory_space<semaphore_mem>>)
    %add3A_10 = arith.constant 128 : i32
    %add3A_11 = arith.addi %mul3A_4, %add3A_10 : i32
    %dma_start3A_12 = tpu.memref_slice %arg3[%add3A_11] : memref<320000xi32, #tpu.memory_space<hbm>> -> memref<128xi32, #tpu.memory_space<hbm>>
    %dma_start3A_13 = tpu.memref_slice %arg3[%add3A_11] : memref<320000xi32, #tpu.memory_space<hbm>> -> memref<128xi32, #tpu.memory_space<hbm>>
    tpu.enqueue_dma source(%dma_start3A_13 : memref<128xi32, #tpu.memory_space<hbm>>) target(%arg8 : memref<128xi32, #tpu.memory_space<vmem>>) target_semaphore(%arg21 : memref<!tpu.dma_semaphore, #tpu.memory_space<semaphore_mem>>)
    %dma_start3A_14 = tpu.memref_slice %arg4[%add3A_11] : memref<320000xi32, #tpu.memory_space<hbm>> -> memref<128xi32, #tpu.memory_space<hbm>>
    %dma_start3A_15 = tpu.memref_slice %arg4[%add3A_11] : memref<320000xi32, #tpu.memory_space<hbm>> -> memref<128xi32, #tpu.memory_space<hbm>>
    tpu.enqueue_dma source(%dma_start3A_15 : memref<128xi32, #tpu.memory_space<hbm>>) target(%arg12 : memref<128xi32, #tpu.memory_space<vmem>>) target_semaphore(%arg21 : memref<!tpu.dma_semaphore, #tpu.memory_space<semaphore_mem>>)
    %dma_wait3A = arith.constant 0 : i32
    %dma_wait3A_16 = tpu.memref_slice %arg3[%dma_wait3A] : memref<320000xi32, #tpu.memory_space<hbm>> -> memref<128xi32, #tpu.memory_space<hbm>>
    %dma_wait3A_17 = arith.constant 0 : i32
    %dma_wait3A_18 = tpu.memref_slice %arg3[%dma_wait3A_17] : memref<320000xi32, #tpu.memory_space<hbm>> -> memref<128xi32, #tpu.memory_space<hbm>>
    tpu.wait_dma2 semaphore(%arg20 : memref<!tpu.dma_semaphore, #tpu.memory_space<semaphore_mem>>) src(%dma_wait3A_18 : memref<128xi32, #tpu.memory_space<hbm>>) dst(%arg7 : memref<128xi32, #tpu.memory_space<vmem>>)
    %dma_wait3A_19 = arith.constant 0 : i32
    %dma_wait3A_20 = tpu.memref_slice %arg4[%dma_wait3A_19] : memref<320000xi32, #tpu.memory_space<hbm>> -> memref<128xi32, #tpu.memory_space<hbm>>
    %dma_wait3A_21 = arith.constant 0 : i32
    %dma_wait3A_22 = tpu.memref_slice %arg4[%dma_wait3A_21] : memref<320000xi32, #tpu.memory_space<hbm>> -> memref<128xi32, #tpu.memory_space<hbm>>
    tpu.wait_dma2 semaphore(%arg20 : memref<!tpu.dma_semaphore, #tpu.memory_space<semaphore_mem>>) src(%dma_wait3A_22 : memref<128xi32, #tpu.memory_space<hbm>>) dst(%arg11 : memref<128xi32, #tpu.memory_space<vmem>>)
    %dma_start3A_23 = arith.constant 0 : i32
    %dma_start3A_24 = arith.constant 0 : i32
    %dma_start3A_25 = tpu.memref_slice %arg2[%dma_start3A_23, %dma_start3A_24] : memref<10000x128xf32, #tpu.memory_space<hbm>> -> memref<10000x128xf32, #tpu.memory_space<hbm>>
    tpu.enqueue_indirect_dma source(%dma_start3A_25 : memref<10000x128xf32, #tpu.memory_space<hbm>>) target(%arg15 : memref<128x128xf32, #tpu.memory_space<vmem>>) offsets(%arg7 : memref<128xi32, #tpu.memory_space<vmem>>) semaphore(%arg24 : memref<!tpu.dma_semaphore, #tpu.memory_space<semaphore_mem>>)
    %add3A_26 = arith.constant 256 : i32
    %add3A_27 = arith.addi %mul3A_4, %add3A_26 : i32
    %dma_start3A_28 = tpu.memref_slice %arg3[%add3A_27] : memref<320000xi32, #tpu.memory_space<hbm>> -> memref<128xi32, #tpu.memory_space<hbm>>
    %dma_start3A_29 = tpu.memref_slice %arg3[%add3A_27] : memref<320000xi32, #tpu.memory_space<hbm>> -> memref<128xi32, #tpu.memory_space<hbm>>
    tpu.enqueue_dma source(%dma_start3A_29 : memref<128xi32, #tpu.memory_space<hbm>>) target(%arg9 : memref<128xi32, #tpu.memory_space<vmem>>) target_semaphore(%arg22 : memref<!tpu.dma_semaphore, #tpu.memory_space<semaphore_mem>>)
    %dma_start3A_30 = tpu.memref_slice %arg4[%add3A_27] : memref<320000xi32, #tpu.memory_space<hbm>> -> memref<128xi32, #tpu.memory_space<hbm>>
    %dma_start3A_31 = tpu.memref_slice %arg4[%add3A_27] : memref<320000xi32, #tpu.memory_space<hbm>> -> memref<128xi32, #tpu.memory_space<hbm>>
    tpu.enqueue_dma source(%dma_start3A_31 : memref<128xi32, #tpu.memory_space<hbm>>) target(%arg13 : memref<128xi32, #tpu.memory_space<vmem>>) target_semaphore(%arg22 : memref<!tpu.dma_semaphore, #tpu.memory_space<semaphore_mem>>)
    %dma_wait3A_32 = arith.constant 0 : i32
    %dma_wait3A_33 = tpu.memref_slice %arg3[%dma_wait3A_32] : memref<320000xi32, #tpu.memory_space<hbm>> -> memref<128xi32, #tpu.memory_space<hbm>>
    %dma_wait3A_34 = arith.constant 0 : i32
    %dma_wait3A_35 = tpu.memref_slice %arg3[%dma_wait3A_34] : memref<320000xi32, #tpu.memory_space<hbm>> -> memref<128xi32, #tpu.memory_space<hbm>>
    tpu.wait_dma2 semaphore(%arg21 : memref<!tpu.dma_semaphore, #tpu.memory_space<semaphore_mem>>) src(%dma_wait3A_35 : memref<128xi32, #tpu.memory_space<hbm>>) dst(%arg8 : memref<128xi32, #tpu.memory_space<vmem>>)
    %dma_wait3A_36 = arith.constant 0 : i32
    %dma_wait3A_37 = tpu.memref_slice %arg4[%dma_wait3A_36] : memref<320000xi32, #tpu.memory_space<hbm>> -> memref<128xi32, #tpu.memory_space<hbm>>
    %dma_wait3A_38 = arith.constant 0 : i32
    %dma_wait3A_39 = tpu.memref_slice %arg4[%dma_wait3A_38] : memref<320000xi32, #tpu.memory_space<hbm>> -> memref<128xi32, #tpu.memory_space<hbm>>
    tpu.wait_dma2 semaphore(%arg21 : memref<!tpu.dma_semaphore, #tpu.memory_space<semaphore_mem>>) src(%dma_wait3A_39 : memref<128xi32, #tpu.memory_space<hbm>>) dst(%arg12 : memref<128xi32, #tpu.memory_space<vmem>>)
    %dma_start3A_40 = arith.constant 0 : i32
    %dma_start3A_41 = arith.constant 0 : i32
    %dma_start3A_42 = tpu.memref_slice %arg2[%dma_start3A_40, %dma_start3A_41] : memref<10000x128xf32, #tpu.memory_space<hbm>> -> memref<10000x128xf32, #tpu.memory_space<hbm>>
    tpu.enqueue_indirect_dma source(%dma_start3A_42 : memref<10000x128xf32, #tpu.memory_space<hbm>>) target(%arg16 : memref<128x128xf32, #tpu.memory_space<vmem>>) offsets(%arg8 : memref<128xi32, #tpu.memory_space<vmem>>) semaphore(%arg25 : memref<!tpu.dma_semaphore, #tpu.memory_space<semaphore_mem>>)
    %dma_wait3A_43 = arith.constant 0 : i32
    %dma_wait3A_44 = arith.constant 0 : i32
    %dma_wait3A_45 = tpu.memref_slice %arg2[%dma_wait3A_43, %dma_wait3A_44] : memref<10000x128xf32, #tpu.memory_space<hbm>> -> memref<10000x128xf32, #tpu.memory_space<hbm>>
    tpu.wait_indirect_dma semaphore(%arg24 : memref<!tpu.dma_semaphore, #tpu.memory_space<semaphore_mem>>) src(%dma_wait3A_45 : memref<10000x128xf32, #tpu.memory_space<hbm>>) dst(%arg15 : memref<128x128xf32, #tpu.memory_space<vmem>>)
    "tpu.region"() ({
      %run_scoped3A = tpu.sem_alloc : memref<!tpu.dma_semaphore, #tpu.memory_space<semaphore_mem>>
      %dma_start3A_78 = arith.constant 0 : i32
      %dma_start3A_79 = arith.constant 0 : i32
      %dma_start3A_80 = tpu.memref_slice %arg19[%dma_start3A_78, %dma_start3A_79] : memref<10240x128xf32, #tpu.memory_space<vmem_shared>> -> memref<10240x128xf32, #tpu.memory_space<vmem_shared>>
      tpu.enqueue_indirect_dma source(%arg15 : memref<128x128xf32, #tpu.memory_space<vmem>>) target(%dma_start3A_80 : memref<10240x128xf32, #tpu.memory_space<vmem_shared>>) offsets(%arg11 : memref<128xi32, #tpu.memory_space<vmem>>) semaphore(%run_scoped3A : memref<!tpu.dma_semaphore, #tpu.memory_space<semaphore_mem>>) {add = true}
      %dma_wait3A_81 = arith.constant 0 : i32
      %dma_wait3A_82 = arith.constant 0 : i32
      %dma_wait3A_83 = tpu.memref_slice %arg19[%dma_wait3A_81, %dma_wait3A_82] : memref<10240x128xf32, #tpu.memory_space<vmem_shared>> -> memref<10240x128xf32, #tpu.memory_space<vmem_shared>>
      tpu.wait_indirect_dma semaphore(%run_scoped3A : memref<!tpu.dma_semaphore, #tpu.memory_space<semaphore_mem>>) src(%arg15 : memref<128x128xf32, #tpu.memory_space<vmem>>) dst(%dma_wait3A_83 : memref<10240x128xf32, #tpu.memory_space<vmem_shared>>)
      tpu.yield
    }) : () -> ()
    %add3A_46 = arith.constant 384 : i32
    %add3A_47 = arith.addi %mul3A_4, %add3A_46 : i32
    %dma_start3A_48 = tpu.memref_slice %arg3[%add3A_47] : memref<320000xi32, #tpu.memory_space<hbm>> -> memref<128xi32, #tpu.memory_space<hbm>>
    %dma_start3A_49 = tpu.memref_slice %arg3[%add3A_47] : memref<320000xi32, #tpu.memory_space<hbm>> -> memref<128xi32, #tpu.memory_space<hbm>>
    tpu.enqueue_dma source(%dma_start3A_49 : memref<128xi32, #tpu.memory_space<hbm>>) target(%arg10 : memref<128xi32, #tpu.memory_space<vmem>>) target_semaphore(%arg23 : memref<!tpu.dma_semaphore, #tpu.memory_space<semaphore_mem>>)
    %dma_start3A_50 = tpu.memref_slice %arg4[%add3A_47] : memref<320000xi32, #tpu.memory_space<hbm>> -> memref<128xi32, #tpu.memory_space<hbm>>
    %dma_start3A_51 = tpu.memref_slice %arg4[%add3A_47] : memref<320000xi32, #tpu.memory_space<hbm>> -> memref<128xi32, #tpu.memory_space<hbm>>
    tpu.enqueue_dma source(%dma_start3A_51 : memref<128xi32, #tpu.memory_space<hbm>>) target(%arg14 : memref<128xi32, #tpu.memory_space<vmem>>) target_semaphore(%arg23 : memref<!tpu.dma_semaphore, #tpu.memory_space<semaphore_mem>>)
    %scan3A = arith.constant 0 : i32
    %scan3A_52 = arith.constant 0 : i32
    %scan3A_53 = arith.constant 19 : i32
    %scan3A_54 = arith.addi %scan3A_52, %scan3A_53 : i32
    %scan3A_55 = arith.constant 1 : i32
    scf.for %scan3A_78 = %scan3A_52 to %scan3A_54 step %scan3A_55  : i32 {
      %mul3A_79 = arith.constant 4 : i32
      %mul3A_80 = arith.muli %mul3A_79, %scan3A_78 : i32
      %add3A_81 = arith.constant 2 : i32
      %add3A_82 = arith.addi %add3A_81, %mul3A_80 : i32
      %add3A_83 = arith.constant 0 : i32
      %add3A_84 = arith.addi %add3A_82, %add3A_83 : i32
      %add3A_85 = arith.constant 2 : i32
      %add3A_86 = arith.addi %add3A_84, %add3A_85 : i32
      %lt3A = arith.constant 78 : i32
      %lt3A_87 = arith.cmpi slt, %add3A_86, %lt3A : i32
      %dma_wait3A_88 = arith.constant 0 : i32
      %dma_wait3A_89 = tpu.memref_slice %arg3[%dma_wait3A_88] : memref<320000xi32, #tpu.memory_space<hbm>> -> memref<128xi32, #tpu.memory_space<hbm>>
      %dma_wait3A_90 = arith.constant 0 : i32
      %dma_wait3A_91 = tpu.memref_slice %arg3[%dma_wait3A_90] : memref<320000xi32, #tpu.memory_space<hbm>> -> memref<128xi32, #tpu.memory_space<hbm>>
      tpu.wait_dma2 semaphore(%arg22 : memref<!tpu.dma_semaphore, #tpu.memory_space<semaphore_mem>>) src(%dma_wait3A_91 : memref<128xi32, #tpu.memory_space<hbm>>) dst(%arg9 : memref<128xi32, #tpu.memory_space<vmem>>)
      %dma_wait3A_92 = arith.constant 0 : i32
      %dma_wait3A_93 = tpu.memref_slice %arg4[%dma_wait3A_92] : memref<320000xi32, #tpu.memory_space<hbm>> -> memref<128xi32, #tpu.memory_space<hbm>>
      %dma_wait3A_94 = arith.constant 0 : i32
      %dma_wait3A_95 = tpu.memref_slice %arg4[%dma_wait3A_94] : memref<320000xi32, #tpu.memory_space<hbm>> -> memref<128xi32, #tpu.memory_space<hbm>>
      tpu.wait_dma2 semaphore(%arg22 : memref<!tpu.dma_semaphore, #tpu.memory_space<semaphore_mem>>) src(%dma_wait3A_95 : memref<128xi32, #tpu.memory_space<hbm>>) dst(%arg13 : memref<128xi32, #tpu.memory_space<vmem>>)
      %dma_start3A_96 = arith.constant 0 : i32
      %dma_start3A_97 = arith.constant 0 : i32
      %dma_start3A_98 = tpu.memref_slice %arg2[%dma_start3A_96, %dma_start3A_97] : memref<10000x128xf32, #tpu.memory_space<hbm>> -> memref<10000x128xf32, #tpu.memory_space<hbm>>
      tpu.enqueue_indirect_dma source(%dma_start3A_98 : memref<10000x128xf32, #tpu.memory_space<hbm>>) target(%arg15 : memref<128x128xf32, #tpu.memory_space<vmem>>) offsets(%arg9 : memref<128xi32, #tpu.memory_space<vmem>>) semaphore(%arg24 : memref<!tpu.dma_semaphore, #tpu.memory_space<semaphore_mem>>)
      %dma_wait3A_99 = arith.constant 0 : i32
      %dma_wait3A_100 = arith.constant 0 : i32
      %dma_wait3A_101 = tpu.memref_slice %arg2[%dma_wait3A_99, %dma_wait3A_100] : memref<10000x128xf32, #tpu.memory_space<hbm>> -> memref<10000x128xf32, #tpu.memory_space<hbm>>
      tpu.wait_indirect_dma semaphore(%arg25 : memref<!tpu.dma_semaphore, #tpu.memory_space<semaphore_mem>>) src(%dma_wait3A_101 : memref<10000x128xf32, #tpu.memory_space<hbm>>) dst(%arg16 : memref<128x128xf32, #tpu.memory_space<vmem>>)
      "tpu.region"() ({
        %run_scoped3A = tpu.sem_alloc : memref<!tpu.dma_semaphore, #tpu.memory_space<semaphore_mem>>
        %dma_start3A_172 = arith.constant 0 : i32
        %dma_start3A_173 = arith.constant 0 : i32
        %dma_start3A_174 = tpu.memref_slice %arg19[%dma_start3A_172, %dma_start3A_173] : memref<10240x128xf32, #tpu.memory_space<vmem_shared>> -> memref<10240x128xf32, #tpu.memory_space<vmem_shared>>
        tpu.enqueue_indirect_dma source(%arg16 : memref<128x128xf32, #tpu.memory_space<vmem>>) target(%dma_start3A_174 : memref<10240x128xf32, #tpu.memory_space<vmem_shared>>) offsets(%arg12 : memref<128xi32, #tpu.memory_space<vmem>>) semaphore(%run_scoped3A : memref<!tpu.dma_semaphore, #tpu.memory_space<semaphore_mem>>) {add = true}
        %dma_wait3A_175 = arith.constant 0 : i32
        %dma_wait3A_176 = arith.constant 0 : i32
        %dma_wait3A_177 = tpu.memref_slice %arg19[%dma_wait3A_175, %dma_wait3A_176] : memref<10240x128xf32, #tpu.memory_space<vmem_shared>> -> memref<10240x128xf32, #tpu.memory_space<vmem_shared>>
        tpu.wait_indirect_dma semaphore(%run_scoped3A : memref<!tpu.dma_semaphore, #tpu.memory_space<semaphore_mem>>) src(%arg16 : memref<128x128xf32, #tpu.memory_space<vmem>>) dst(%dma_wait3A_177 : memref<10240x128xf32, #tpu.memory_space<vmem_shared>>)
        tpu.yield
      }) : () -> ()
      %convert_element_type3A = arith.extui %lt3A_87 : i1 to i32
      %cond3A = arith.constant 0 : i32
      %cond3A_102 = arith.cmpi ne, %convert_element_type3A, %cond3A : i32
      scf.if %cond3A_102 {
        %add3A_172 = arith.constant 2 : i32
        %add3A_173 = arith.addi %add3A_84, %add3A_172 : i32
        %mul3A_174 = arith.constant 128 : i32
        %mul3A_175 = arith.muli %add3A_173, %mul3A_174 : i32
        %add3A_176 = arith.addi %mul3A_4, %mul3A_175 : i32
        %dma_start3A_177 = tpu.memref_slice %arg3[%add3A_176] : memref<320000xi32, #tpu.memory_space<hbm>> -> memref<128xi32, #tpu.memory_space<hbm>>
        %dma_start3A_178 = tpu.memref_slice %arg3[%add3A_176] : memref<320000xi32, #tpu.memory_space<hbm>> -> memref<128xi32, #tpu.memory_space<hbm>>
        tpu.enqueue_dma source(%dma_start3A_178 : memref<128xi32, #tpu.memory_space<hbm>>) target(%arg7 : memref<128xi32, #tpu.memory_space<vmem>>) target_semaphore(%arg20 : memref<!tpu.dma_semaphore, #tpu.memory_space<semaphore_mem>>)
        %dma_start3A_179 = tpu.memref_slice %arg4[%add3A_176] : memref<320000xi32, #tpu.memory_space<hbm>> -> memref<128xi32, #tpu.memory_space<hbm>>
        %dma_start3A_180 = tpu.memref_slice %arg4[%add3A_176] : memref<320000xi32, #tpu.memory_space<hbm>> -> memref<128xi32, #tpu.memory_space<hbm>>
        tpu.enqueue_dma source(%dma_start3A_180 : memref<128xi32, #tpu.memory_space<hbm>>) target(%arg11 : memref<128xi32, #tpu.memory_space<vmem>>) target_semaphore(%arg20 : memref<!tpu.dma_semaphore, #tpu.memory_space<semaphore_mem>>)
      } else {
      }
      %add3A_103 = arith.constant 1 : i32
      %add3A_104 = arith.addi %add3A_82, %add3A_103 : i32
      %add3A_105 = arith.constant 2 : i32
      %add3A_106 = arith.addi %add3A_104, %add3A_105 : i32
      %lt3A_107 = arith.constant 78 : i32
      %lt3A_108 = arith.cmpi slt, %add3A_106, %lt3A_107 : i32
      %dma_wait3A_109 = arith.constant 0 : i32
      %dma_wait3A_110 = tpu.memref_slice %arg3[%dma_wait3A_109] : memref<320000xi32, #tpu.memory_space<hbm>> -> memref<128xi32, #tpu.memory_space<hbm>>
      %dma_wait3A_111 = arith.constant 0 : i32
      %dma_wait3A_112 = tpu.memref_slice %arg3[%dma_wait3A_111] : memref<320000xi32, #tpu.memory_space<hbm>> -> memref<128xi32, #tpu.memory_space<hbm>>
      tpu.wait_dma2 semaphore(%arg23 : memref<!tpu.dma_semaphore, #tpu.memory_space<semaphore_mem>>) src(%dma_wait3A_112 : memref<128xi32, #tpu.memory_space<hbm>>) dst(%arg10 : memref<128xi32, #tpu.memory_space<vmem>>)
      %dma_wait3A_113 = arith.constant 0 : i32
      %dma_wait3A_114 = tpu.memref_slice %arg4[%dma_wait3A_113] : memref<320000xi32, #tpu.memory_space<hbm>> -> memref<128xi32, #tpu.memory_space<hbm>>
      %dma_wait3A_115 = arith.constant 0 : i32
      %dma_wait3A_116 = tpu.memref_slice %arg4[%dma_wait3A_115] : memref<320000xi32, #tpu.memory_space<hbm>> -> memref<128xi32, #tpu.memory_space<hbm>>
      tpu.wait_dma2 semaphore(%arg23 : memref<!tpu.dma_semaphore, #tpu.memory_space<semaphore_mem>>) src(%dma_wait3A_116 : memref<128xi32, #tpu.memory_space<hbm>>) dst(%arg14 : memref<128xi32, #tpu.memory_space<vmem>>)
      %dma_start3A_117 = arith.constant 0 : i32
      %dma_start3A_118 = arith.constant 0 : i32
      %dma_start3A_119 = tpu.memref_slice %arg2[%dma_start3A_117, %dma_start3A_118] : memref<10000x128xf32, #tpu.memory_space<hbm>> -> memref<10000x128xf32, #tpu.memory_space<hbm>>
      tpu.enqueue_indirect_dma source(%dma_start3A_119 : memref<10000x128xf32, #tpu.memory_space<hbm>>) target(%arg16 : memref<128x128xf32, #tpu.memory_space<vmem>>) offsets(%arg10 : memref<128xi32, #tpu.memory_space<vmem>>) semaphore(%arg25 : memref<!tpu.dma_semaphore, #tpu.memory_space<semaphore_mem>>)
      %dma_wait3A_120 = arith.constant 0 : i32
      %dma_wait3A_121 = arith.constant 0 : i32
      %dma_wait3A_122 = tpu.memref_slice %arg2[%dma_wait3A_120, %dma_wait3A_121] : memref<10000x128xf32, #tpu.memory_space<hbm>> -> memref<10000x128xf32, #tpu.memory_space<hbm>>
      tpu.wait_indirect_dma semaphore(%arg24 : memref<!tpu.dma_semaphore, #tpu.memory_space<semaphore_mem>>) src(%dma_wait3A_122 : memref<10000x128xf32, #tpu.memory_space<hbm>>) dst(%arg15 : memref<128x128xf32, #tpu.memory_space<vmem>>)
      "tpu.region"() ({
        %run_scoped3A = tpu.sem_alloc : memref<!tpu.dma_semaphore, #tpu.memory_space<semaphore_mem>>
        %dma_start3A_172 = arith.constant 0 : i32
        %dma_start3A_173 = arith.constant 0 : i32
        %dma_start3A_174 = tpu.memref_slice %arg19[%dma_start3A_172, %dma_start3A_173] : memref<10240x128xf32, #tpu.memory_space<vmem_shared>> -> memref<10240x128xf32, #tpu.memory_space<vmem_shared>>
        tpu.enqueue_indirect_dma source(%arg15 : memref<128x128xf32, #tpu.memory_space<vmem>>) target(%dma_start3A_174 : memref<10240x128xf32, #tpu.memory_space<vmem_shared>>) offsets(%arg13 : memref<128xi32, #tpu.memory_space<vmem>>) semaphore(%run_scoped3A : memref<!tpu.dma_semaphore, #tpu.memory_space<semaphore_mem>>) {add = true}
        %dma_wait3A_175 = arith.constant 0 : i32
        %dma_wait3A_176 = arith.constant 0 : i32
        %dma_wait3A_177 = tpu.memref_slice %arg19[%dma_wait3A_175, %dma_wait3A_176] : memref<10240x128xf32, #tpu.memory_space<vmem_shared>> -> memref<10240x128xf32, #tpu.memory_space<vmem_shared>>
        tpu.wait_indirect_dma semaphore(%run_scoped3A : memref<!tpu.dma_semaphore, #tpu.memory_space<semaphore_mem>>) src(%arg15 : memref<128x128xf32, #tpu.memory_space<vmem>>) dst(%dma_wait3A_177 : memref<10240x128xf32, #tpu.memory_space<vmem_shared>>)
        tpu.yield
      }) : () -> ()
      %convert_element_type3A_123 = arith.extui %lt3A_108 : i1 to i32
      %cond3A_124 = arith.constant 0 : i32
      %cond3A_125 = arith.cmpi ne, %convert_element_type3A_123, %cond3A_124 : i32
      scf.if %cond3A_125 {
        %add3A_172 = arith.constant 2 : i32
        %add3A_173 = arith.addi %add3A_104, %add3A_172 : i32
        %mul3A_174 = arith.constant 128 : i32
        %mul3A_175 = arith.muli %add3A_173, %mul3A_174 : i32
        %add3A_176 = arith.addi %mul3A_4, %mul3A_175 : i32
        %dma_start3A_177 = tpu.memref_slice %arg3[%add3A_176] : memref<320000xi32, #tpu.memory_space<hbm>> -> memref<128xi32, #tpu.memory_space<hbm>>
        %dma_start3A_178 = tpu.memref_slice %arg3[%add3A_176] : memref<320000xi32, #tpu.memory_space<hbm>> -> memref<128xi32, #tpu.memory_space<hbm>>
        tpu.enqueue_dma source(%dma_start3A_178 : memref<128xi32, #tpu.memory_space<hbm>>) target(%arg8 : memref<128xi32, #tpu.memory_space<vmem>>) target_semaphore(%arg21 : memref<!tpu.dma_semaphore, #tpu.memory_space<semaphore_mem>>)
        %dma_start3A_179 = tpu.memref_slice %arg4[%add3A_176] : memref<320000xi32, #tpu.memory_space<hbm>> -> memref<128xi32, #tpu.memory_space<hbm>>
        %dma_start3A_180 = tpu.memref_slice %arg4[%add3A_176] : memref<320000xi32, #tpu.memory_space<hbm>> -> memref<128xi32, #tpu.memory_space<hbm>>
        tpu.enqueue_dma source(%dma_start3A_180 : memref<128xi32, #tpu.memory_space<hbm>>) target(%arg12 : memref<128xi32, #tpu.memory_space<vmem>>) target_semaphore(%arg21 : memref<!tpu.dma_semaphore, #tpu.memory_space<semaphore_mem>>)
      } else {
      }
      %add3A_126 = arith.constant 2 : i32
      %add3A_127 = arith.addi %add3A_82, %add3A_126 : i32
      %add3A_128 = arith.constant 2 : i32
      %add3A_129 = arith.addi %add3A_127, %add3A_128 : i32
      %lt3A_130 = arith.constant 78 : i32
      %lt3A_131 = arith.cmpi slt, %add3A_129, %lt3A_130 : i32
      %dma_wait3A_132 = arith.constant 0 : i32
      %dma_wait3A_133 = tpu.memref_slice %arg3[%dma_wait3A_132] : memref<320000xi32, #tpu.memory_space<hbm>> -> memref<128xi32, #tpu.memory_space<hbm>>
      %dma_wait3A_134 = arith.constant 0 : i32
      %dma_wait3A_135 = tpu.memref_slice %arg3[%dma_wait3A_134] : memref<320000xi32, #tpu.memory_space<hbm>> -> memref<128xi32, #tpu.memory_space<hbm>>
      tpu.wait_dma2 semaphore(%arg20 : memref<!tpu.dma_semaphore, #tpu.memory_space<semaphore_mem>>) src(%dma_wait3A_135 : memref<128xi32, #tpu.memory_space<hbm>>) dst(%arg7 : memref<128xi32, #tpu.memory_space<vmem>>)
      %dma_wait3A_136 = arith.constant 0 : i32
      %dma_wait3A_137 = tpu.memref_slice %arg4[%dma_wait3A_136] : memref<320000xi32, #tpu.memory_space<hbm>> -> memref<128xi32, #tpu.memory_space<hbm>>
      %dma_wait3A_138 = arith.constant 0 : i32
      %dma_wait3A_139 = tpu.memref_slice %arg4[%dma_wait3A_138] : memref<320000xi32, #tpu.memory_space<hbm>> -> memref<128xi32, #tpu.memory_space<hbm>>
      tpu.wait_dma2 semaphore(%arg20 : memref<!tpu.dma_semaphore, #tpu.memory_space<semaphore_mem>>) src(%dma_wait3A_139 : memref<128xi32, #tpu.memory_space<hbm>>) dst(%arg11 : memref<128xi32, #tpu.memory_space<vmem>>)
      %dma_start3A_140 = arith.constant 0 : i32
      %dma_start3A_141 = arith.constant 0 : i32
      %dma_start3A_142 = tpu.memref_slice %arg2[%dma_start3A_140, %dma_start3A_141] : memref<10000x128xf32, #tpu.memory_space<hbm>> -> memref<10000x128xf32, #tpu.memory_space<hbm>>
      tpu.enqueue_indirect_dma source(%dma_start3A_142 : memref<10000x128xf32, #tpu.memory_space<hbm>>) target(%arg15 : memref<128x128xf32, #tpu.memory_space<vmem>>) offsets(%arg7 : memref<128xi32, #tpu.memory_space<vmem>>) semaphore(%arg24 : memref<!tpu.dma_semaphore, #tpu.memory_space<semaphore_mem>>)
      %dma_wait3A_143 = arith.constant 0 : i32
      %dma_wait3A_144 = arith.constant 0 : i32
      %dma_wait3A_145 = tpu.memref_slice %arg2[%dma_wait3A_143, %dma_wait3A_144] : memref<10000x128xf32, #tpu.memory_space<hbm>> -> memref<10000x128xf32, #tpu.memory_space<hbm>>
      tpu.wait_indirect_dma semaphore(%arg25 : memref<!tpu.dma_semaphore, #tpu.memory_space<semaphore_mem>>) src(%dma_wait3A_145 : memref<10000x128xf32, #tpu.memory_space<hbm>>) dst(%arg16 : memref<128x128xf32, #tpu.memory_space<vmem>>)
      "tpu.region"() ({
        %run_scoped3A = tpu.sem_alloc : memref<!tpu.dma_semaphore, #tpu.memory_space<semaphore_mem>>
        %dma_start3A_172 = arith.constant 0 : i32
        %dma_start3A_173 = arith.constant 0 : i32
        %dma_start3A_174 = tpu.memref_slice %arg19[%dma_start3A_172, %dma_start3A_173] : memref<10240x128xf32, #tpu.memory_space<vmem_shared>> -> memref<10240x128xf32, #tpu.memory_space<vmem_shared>>
        tpu.enqueue_indirect_dma source(%arg16 : memref<128x128xf32, #tpu.memory_space<vmem>>) target(%dma_start3A_174 : memref<10240x128xf32, #tpu.memory_space<vmem_shared>>) offsets(%arg14 : memref<128xi32, #tpu.memory_space<vmem>>) semaphore(%run_scoped3A : memref<!tpu.dma_semaphore, #tpu.memory_space<semaphore_mem>>) {add = true}
        %dma_wait3A_175 = arith.constant 0 : i32
        %dma_wait3A_176 = arith.constant 0 : i32
        %dma_wait3A_177 = tpu.memref_slice %arg19[%dma_wait3A_175, %dma_wait3A_176] : memref<10240x128xf32, #tpu.memory_space<vmem_shared>> -> memref<10240x128xf32, #tpu.memory_space<vmem_shared>>
        tpu.wait_indirect_dma semaphore(%run_scoped3A : memref<!tpu.dma_semaphore, #tpu.memory_space<semaphore_mem>>) src(%arg16 : memref<128x128xf32, #tpu.memory_space<vmem>>) dst(%dma_wait3A_177 : memref<10240x128xf32, #tpu.memory_space<vmem_shared>>)
        tpu.yield
      }) : () -> ()
      %convert_element_type3A_146 = arith.extui %lt3A_131 : i1 to i32
      %cond3A_147 = arith.constant 0 : i32
      %cond3A_148 = arith.cmpi ne, %convert_element_type3A_146, %cond3A_147 : i32
      scf.if %cond3A_148 {
        %add3A_172 = arith.constant 2 : i32
        %add3A_173 = arith.addi %add3A_127, %add3A_172 : i32
        %mul3A_174 = arith.constant 128 : i32
        %mul3A_175 = arith.muli %add3A_173, %mul3A_174 : i32
        %add3A_176 = arith.addi %mul3A_4, %mul3A_175 : i32
        %dma_start3A_177 = tpu.memref_slice %arg3[%add3A_176] : memref<320000xi32, #tpu.memory_space<hbm>> -> memref<128xi32, #tpu.memory_space<hbm>>
        %dma_start3A_178 = tpu.memref_slice %arg3[%add3A_176] : memref<320000xi32, #tpu.memory_space<hbm>> -> memref<128xi32, #tpu.memory_space<hbm>>
        tpu.enqueue_dma source(%dma_start3A_178 : memref<128xi32, #tpu.memory_space<hbm>>) target(%arg9 : memref<128xi32, #tpu.memory_space<vmem>>) target_semaphore(%arg22 : memref<!tpu.dma_semaphore, #tpu.memory_space<semaphore_mem>>)
        %dma_start3A_179 = tpu.memref_slice %arg4[%add3A_176] : memref<320000xi32, #tpu.memory_space<hbm>> -> memref<128xi32, #tpu.memory_space<hbm>>
        %dma_start3A_180 = tpu.memref_slice %arg4[%add3A_176] : memref<320000xi32, #tpu.memory_space<hbm>> -> memref<128xi32, #tpu.memory_space<hbm>>
        tpu.enqueue_dma source(%dma_start3A_180 : memref<128xi32, #tpu.memory_space<hbm>>) target(%arg13 : memref<128xi32, #tpu.memory_space<vmem>>) target_semaphore(%arg22 : memref<!tpu.dma_semaphore, #tpu.memory_space<semaphore_mem>>)
      } else {
      }
      %add3A_149 = arith.constant 3 : i32
      %add3A_150 = arith.addi %add3A_82, %add3A_149 : i32
      %add3A_151 = arith.constant 2 : i32
      %add3A_152 = arith.addi %add3A_150, %add3A_151 : i32
      %lt3A_153 = arith.constant 78 : i32
      %lt3A_154 = arith.cmpi slt, %add3A_152, %lt3A_153 : i32
      %dma_wait3A_155 = arith.constant 0 : i32
      %dma_wait3A_156 = tpu.memref_slice %arg3[%dma_wait3A_155] : memref<320000xi32, #tpu.memory_space<hbm>> -> memref<128xi32, #tpu.memory_space<hbm>>
      %dma_wait3A_157 = arith.constant 0 : i32
      %dma_wait3A_158 = tpu.memref_slice %arg3[%dma_wait3A_157] : memref<320000xi32, #tpu.memory_space<hbm>> -> memref<128xi32, #tpu.memory_space<hbm>>
      tpu.wait_dma2 semaphore(%arg21 : memref<!tpu.dma_semaphore, #tpu.memory_space<semaphore_mem>>) src(%dma_wait3A_158 : memref<128xi32, #tpu.memory_space<hbm>>) dst(%arg8 : memref<128xi32, #tpu.memory_space<vmem>>)
      %dma_wait3A_159 = arith.constant 0 : i32
      %dma_wait3A_160 = tpu.memref_slice %arg4[%dma_wait3A_159] : memref<320000xi32, #tpu.memory_space<hbm>> -> memref<128xi32, #tpu.memory_space<hbm>>
      %dma_wait3A_161 = arith.constant 0 : i32
      %dma_wait3A_162 = tpu.memref_slice %arg4[%dma_wait3A_161] : memref<320000xi32, #tpu.memory_space<hbm>> -> memref<128xi32, #tpu.memory_space<hbm>>
      tpu.wait_dma2 semaphore(%arg21 : memref<!tpu.dma_semaphore, #tpu.memory_space<semaphore_mem>>) src(%dma_wait3A_162 : memref<128xi32, #tpu.memory_space<hbm>>) dst(%arg12 : memref<128xi32, #tpu.memory_space<vmem>>)
      %dma_start3A_163 = arith.constant 0 : i32
      %dma_start3A_164 = arith.constant 0 : i32
      %dma_start3A_165 = tpu.memref_slice %arg2[%dma_start3A_163, %dma_start3A_164] : memref<10000x128xf32, #tpu.memory_space<hbm>> -> memref<10000x128xf32, #tpu.memory_space<hbm>>
      tpu.enqueue_indirect_dma source(%dma_start3A_165 : memref<10000x128xf32, #tpu.memory_space<hbm>>) target(%arg16 : memref<128x128xf32, #tpu.memory_space<vmem>>) offsets(%arg8 : memref<128xi32, #tpu.memory_space<vmem>>) semaphore(%arg25 : memref<!tpu.dma_semaphore, #tpu.memory_space<semaphore_mem>>)
      %dma_wait3A_166 = arith.constant 0 : i32
      %dma_wait3A_167 = arith.constant 0 : i32
      %dma_wait3A_168 = tpu.memref_slice %arg2[%dma_wait3A_166, %dma_wait3A_167] : memref<10000x128xf32, #tpu.memory_space<hbm>> -> memref<10000x128xf32, #tpu.memory_space<hbm>>
      tpu.wait_indirect_dma semaphore(%arg24 : memref<!tpu.dma_semaphore, #tpu.memory_space<semaphore_mem>>) src(%dma_wait3A_168 : memref<10000x128xf32, #tpu.memory_space<hbm>>) dst(%arg15 : memref<128x128xf32, #tpu.memory_space<vmem>>)
      "tpu.region"() ({
        %run_scoped3A = tpu.sem_alloc : memref<!tpu.dma_semaphore, #tpu.memory_space<semaphore_mem>>
        %dma_start3A_172 = arith.constant 0 : i32
        %dma_start3A_173 = arith.constant 0 : i32
        %dma_start3A_174 = tpu.memref_slice %arg19[%dma_start3A_172, %dma_start3A_173] : memref<10240x128xf32, #tpu.memory_space<vmem_shared>> -> memref<10240x128xf32, #tpu.memory_space<vmem_shared>>
        tpu.enqueue_indirect_dma source(%arg15 : memref<128x128xf32, #tpu.memory_space<vmem>>) target(%dma_start3A_174 : memref<10240x128xf32, #tpu.memory_space<vmem_shared>>) offsets(%arg11 : memref<128xi32, #tpu.memory_space<vmem>>) semaphore(%run_scoped3A : memref<!tpu.dma_semaphore, #tpu.memory_space<semaphore_mem>>) {add = true}
        %dma_wait3A_175 = arith.constant 0 : i32
        %dma_wait3A_176 = arith.constant 0 : i32
        %dma_wait3A_177 = tpu.memref_slice %arg19[%dma_wait3A_175, %dma_wait3A_176] : memref<10240x128xf32, #tpu.memory_space<vmem_shared>> -> memref<10240x128xf32, #tpu.memory_space<vmem_shared>>
        tpu.wait_indirect_dma semaphore(%run_scoped3A : memref<!tpu.dma_semaphore, #tpu.memory_space<semaphore_mem>>) src(%arg15 : memref<128x128xf32, #tpu.memory_space<vmem>>) dst(%dma_wait3A_177 : memref<10240x128xf32, #tpu.memory_space<vmem_shared>>)
        tpu.yield
      }) : () -> ()
      %convert_element_type3A_169 = arith.extui %lt3A_154 : i1 to i32
      %cond3A_170 = arith.constant 0 : i32
      %cond3A_171 = arith.cmpi ne, %convert_element_type3A_169, %cond3A_170 : i32
      scf.if %cond3A_171 {
        %add3A_172 = arith.constant 2 : i32
        %add3A_173 = arith.addi %add3A_150, %add3A_172 : i32
        %mul3A_174 = arith.constant 128 : i32
        %mul3A_175 = arith.muli %add3A_173, %mul3A_174 : i32
        %add3A_176 = arith.addi %mul3A_4, %mul3A_175 : i32
        %dma_start3A_177 = tpu.memref_slice %arg3[%add3A_176] : memref<320000xi32, #tpu.memory_space<hbm>> -> memref<128xi32, #tpu.memory_space<hbm>>
        %dma_start3A_178 = tpu.memref_slice %arg3[%add3A_176] : memref<320000xi32, #tpu.memory_space<hbm>> -> memref<128xi32, #tpu.memory_space<hbm>>
        tpu.enqueue_dma source(%dma_start3A_178 : memref<128xi32, #tpu.memory_space<hbm>>) target(%arg10 : memref<128xi32, #tpu.memory_space<vmem>>) target_semaphore(%arg23 : memref<!tpu.dma_semaphore, #tpu.memory_space<semaphore_mem>>)
        %dma_start3A_179 = tpu.memref_slice %arg4[%add3A_176] : memref<320000xi32, #tpu.memory_space<hbm>> -> memref<128xi32, #tpu.memory_space<hbm>>
        %dma_start3A_180 = tpu.memref_slice %arg4[%add3A_176] : memref<320000xi32, #tpu.memory_space<hbm>> -> memref<128xi32, #tpu.memory_space<hbm>>
        tpu.enqueue_dma source(%dma_start3A_180 : memref<128xi32, #tpu.memory_space<hbm>>) target(%arg14 : memref<128xi32, #tpu.memory_space<vmem>>) target_semaphore(%arg23 : memref<!tpu.dma_semaphore, #tpu.memory_space<semaphore_mem>>)
      } else {
      }
    }
    %scan3A_56 = arith.constant 19 : i32
    %dma_wait3A_57 = arith.constant 0 : i32
    %dma_wait3A_58 = arith.constant 0 : i32
    %dma_wait3A_59 = tpu.memref_slice %arg2[%dma_wait3A_57, %dma_wait3A_58] : memref<10000x128xf32, #tpu.memory_space<hbm>> -> memref<10000x128xf32, #tpu.memory_space<hbm>>
    tpu.wait_indirect_dma semaphore(%arg25 : memref<!tpu.dma_semaphore, #tpu.memory_space<semaphore_mem>>) src(%dma_wait3A_59 : memref<10000x128xf32, #tpu.memory_space<hbm>>) dst(%arg16 : memref<128x128xf32, #tpu.memory_space<vmem>>)
    "tpu.region"() ({
      %run_scoped3A = tpu.sem_alloc : memref<!tpu.dma_semaphore, #tpu.memory_space<semaphore_mem>>
      %dma_start3A_78 = arith.constant 0 : i32
      %dma_start3A_79 = arith.constant 0 : i32
      %dma_start3A_80 = tpu.memref_slice %arg19[%dma_start3A_78, %dma_start3A_79] : memref<10240x128xf32, #tpu.memory_space<vmem_shared>> -> memref<10240x128xf32, #tpu.memory_space<vmem_shared>>
      tpu.enqueue_indirect_dma source(%arg16 : memref<128x128xf32, #tpu.memory_space<vmem>>) target(%dma_start3A_80 : memref<10240x128xf32, #tpu.memory_space<vmem_shared>>) offsets(%arg12 : memref<128xi32, #tpu.memory_space<vmem>>) semaphore(%run_scoped3A : memref<!tpu.dma_semaphore, #tpu.memory_space<semaphore_mem>>) {add = true}
      %dma_wait3A_81 = arith.constant 0 : i32
      %dma_wait3A_82 = arith.constant 0 : i32
      %dma_wait3A_83 = tpu.memref_slice %arg19[%dma_wait3A_81, %dma_wait3A_82] : memref<10240x128xf32, #tpu.memory_space<vmem_shared>> -> memref<10240x128xf32, #tpu.memory_space<vmem_shared>>
      tpu.wait_indirect_dma semaphore(%run_scoped3A : memref<!tpu.dma_semaphore, #tpu.memory_space<semaphore_mem>>) src(%arg16 : memref<128x128xf32, #tpu.memory_space<vmem>>) dst(%dma_wait3A_83 : memref<10240x128xf32, #tpu.memory_space<vmem_shared>>)
      tpu.yield
    }) : () -> ()
    %add3A_60 = arith.constant 9984 : i32
    %add3A_61 = arith.addi %mul3A_4, %add3A_60 : i32
    "tpu.region"() ({
      %run_scoped3A = tpu.sem_alloc : memref<!tpu.dma_semaphore, #tpu.memory_space<semaphore_mem>>
      %dma_start3A_78 = tpu.memref_slice %arg3[%add3A_61] : memref<320000xi32, #tpu.memory_space<hbm>> -> memref<16xi32, #tpu.memory_space<hbm>>
      %dma_start3A_79 = tpu.memref_slice %arg3[%add3A_61] : memref<320000xi32, #tpu.memory_space<hbm>> -> memref<16xi32, #tpu.memory_space<hbm>>
      tpu.enqueue_dma source(%dma_start3A_79 : memref<16xi32, #tpu.memory_space<hbm>>) target(%arg17 : memref<16xi32, #tpu.memory_space<vmem>>) target_semaphore(%run_scoped3A : memref<!tpu.dma_semaphore, #tpu.memory_space<semaphore_mem>>)
      %dma_wait3A_80 = tpu.memref_slice %arg3[%add3A_61] : memref<320000xi32, #tpu.memory_space<hbm>> -> memref<16xi32, #tpu.memory_space<hbm>>
      %dma_wait3A_81 = tpu.memref_slice %arg3[%add3A_61] : memref<320000xi32, #tpu.memory_space<hbm>> -> memref<16xi32, #tpu.memory_space<hbm>>
      tpu.wait_dma2 semaphore(%run_scoped3A : memref<!tpu.dma_semaphore, #tpu.memory_space<semaphore_mem>>) src(%dma_wait3A_81 : memref<16xi32, #tpu.memory_space<hbm>>) dst(%arg17 : memref<16xi32, #tpu.memory_space<vmem>>)
      tpu.yield
    }) : () -> ()
    "tpu.region"() ({
      %run_scoped3A = tpu.sem_alloc : memref<!tpu.dma_semaphore, #tpu.memory_space<semaphore_mem>>
      %dma_start3A_78 = tpu.memref_slice %arg4[%add3A_61] : memref<320000xi32, #tpu.memory_space<hbm>> -> memref<16xi32, #tpu.memory_space<hbm>>
      %dma_start3A_79 = tpu.memref_slice %arg4[%add3A_61] : memref<320000xi32, #tpu.memory_space<hbm>> -> memref<16xi32, #tpu.memory_space<hbm>>
      tpu.enqueue_dma source(%dma_start3A_79 : memref<16xi32, #tpu.memory_space<hbm>>) target(%arg18 : memref<16xi32, #tpu.memory_space<vmem>>) target_semaphore(%run_scoped3A : memref<!tpu.dma_semaphore, #tpu.memory_space<semaphore_mem>>)
      %dma_wait3A_80 = tpu.memref_slice %arg4[%add3A_61] : memref<320000xi32, #tpu.memory_space<hbm>> -> memref<16xi32, #tpu.memory_space<hbm>>
      %dma_wait3A_81 = tpu.memref_slice %arg4[%add3A_61] : memref<320000xi32, #tpu.memory_space<hbm>> -> memref<16xi32, #tpu.memory_space<hbm>>
      tpu.wait_dma2 semaphore(%run_scoped3A : memref<!tpu.dma_semaphore, #tpu.memory_space<semaphore_mem>>) src(%dma_wait3A_81 : memref<16xi32, #tpu.memory_space<hbm>>) dst(%arg18 : memref<16xi32, #tpu.memory_space<vmem>>)
      tpu.yield
    }) : () -> ()
    %dma_start3A_62 = arith.constant 0 : i32
    %dma_start3A_63 = arith.constant 0 : i32
    %dma_start3A_64 = tpu.memref_slice %arg15[%dma_start3A_62, %dma_start3A_63] : memref<128x128xf32, #tpu.memory_space<vmem>> -> memref<16x128xf32, #tpu.memory_space<vmem>>
    %dma_start3A_65 = arith.constant 0 : i32
    %dma_start3A_66 = arith.constant 0 : i32
    %dma_start3A_67 = tpu.memref_slice %arg2[%dma_start3A_65, %dma_start3A_66] : memref<10000x128xf32, #tpu.memory_space<hbm>> -> memref<10000x128xf32, #tpu.memory_space<hbm>>
    tpu.enqueue_indirect_dma source(%dma_start3A_67 : memref<10000x128xf32, #tpu.memory_space<hbm>>) target(%dma_start3A_64 : memref<16x128xf32, #tpu.memory_space<vmem>>) offsets(%arg17 : memref<16xi32, #tpu.memory_space<vmem>>) semaphore(%arg24 : memref<!tpu.dma_semaphore, #tpu.memory_space<semaphore_mem>>)
    %dma_wait3A_68 = arith.constant 0 : i32
    %dma_wait3A_69 = arith.constant 0 : i32
    %dma_wait3A_70 = tpu.memref_slice %arg15[%dma_wait3A_68, %dma_wait3A_69] : memref<128x128xf32, #tpu.memory_space<vmem>> -> memref<16x128xf32, #tpu.memory_space<vmem>>
    %dma_wait3A_71 = arith.constant 0 : i32
    %dma_wait3A_72 = arith.constant 0 : i32
    %dma_wait3A_73 = tpu.memref_slice %arg2[%dma_wait3A_71, %dma_wait3A_72] : memref<10000x128xf32, #tpu.memory_space<hbm>> -> memref<10000x128xf32, #tpu.memory_space<hbm>>
    tpu.wait_indirect_dma semaphore(%arg24 : memref<!tpu.dma_semaphore, #tpu.memory_space<semaphore_mem>>) src(%dma_wait3A_73 : memref<10000x128xf32, #tpu.memory_space<hbm>>) dst(%dma_wait3A_70 : memref<16x128xf32, #tpu.memory_space<vmem>>)
    "tpu.region"() ({
      %run_scoped3A = tpu.sem_alloc : memref<!tpu.dma_semaphore, #tpu.memory_space<semaphore_mem>>
      %dma_start3A_78 = arith.constant 0 : i32
      %dma_start3A_79 = arith.constant 0 : i32
      %dma_start3A_80 = tpu.memref_slice %arg15[%dma_start3A_78, %dma_start3A_79] : memref<128x128xf32, #tpu.memory_space<vmem>> -> memref<16x128xf32, #tpu.memory_space<vmem>>
      %dma_start3A_81 = arith.constant 0 : i32
      %dma_start3A_82 = arith.constant 0 : i32
      %dma_start3A_83 = tpu.memref_slice %arg19[%dma_start3A_81, %dma_start3A_82] : memref<10240x128xf32, #tpu.memory_space<vmem_shared>> -> memref<10240x128xf32, #tpu.memory_space<vmem_shared>>
      tpu.enqueue_indirect_dma source(%dma_start3A_80 : memref<16x128xf32, #tpu.memory_space<vmem>>) target(%dma_start3A_83 : memref<10240x128xf32, #tpu.memory_space<vmem_shared>>) offsets(%arg18 : memref<16xi32, #tpu.memory_space<vmem>>) semaphore(%run_scoped3A : memref<!tpu.dma_semaphore, #tpu.memory_space<semaphore_mem>>) {add = true}
      %dma_wait3A_84 = arith.constant 0 : i32
      %dma_wait3A_85 = arith.constant 0 : i32
      %dma_wait3A_86 = tpu.memref_slice %arg15[%dma_wait3A_84, %dma_wait3A_85] : memref<128x128xf32, #tpu.memory_space<vmem>> -> memref<16x128xf32, #tpu.memory_space<vmem>>
      %dma_wait3A_87 = arith.constant 0 : i32
      %dma_wait3A_88 = arith.constant 0 : i32
      %dma_wait3A_89 = tpu.memref_slice %arg19[%dma_wait3A_87, %dma_wait3A_88] : memref<10240x128xf32, #tpu.memory_space<vmem_shared>> -> memref<10240x128xf32, #tpu.memory_space<vmem_shared>>
      tpu.wait_indirect_dma semaphore(%run_scoped3A : memref<!tpu.dma_semaphore, #tpu.memory_space<semaphore_mem>>) src(%dma_wait3A_86 : memref<16x128xf32, #tpu.memory_space<vmem>>) dst(%dma_wait3A_89 : memref<10240x128xf32, #tpu.memory_space<vmem_shared>>)
      tpu.yield
    }) : () -> ()
    %barrier3A_74 = arith.constant 0 : index
    tpu.barrier barrier_id(%barrier3A_74)
    %mul3A_75 = arith.constant 10240 : i32
    %mul3A_76 = arith.muli %arg0, %mul3A_75 : i32
    %add3A_77 = arith.addi %mul3A_76, %mul3A_2 : i32
    "tpu.region"() ({
      %run_scoped3A = tpu.sem_alloc : memref<!tpu.dma_semaphore, #tpu.memory_space<semaphore_mem>>
      %dma_start3A_78 = arith.constant 0 : i32
      %dma_start3A_79 = tpu.memref_slice %arg6[%add3A_77, %dma_start3A_78] : memref<20480x128xf32, #tpu.memory_space<hbm>> -> memref<640x128xf32, #tpu.memory_space<hbm>>
      %dma_start3A_80 = arith.constant 0 : i32
      %dma_start3A_81 = tpu.memref_slice %arg19[%mul3A_2, %dma_start3A_80] : memref<10240x128xf32, #tpu.memory_space<vmem_shared>> -> memref<640x128xf32, #tpu.memory_space<vmem_shared>>
      tpu.enqueue_dma source(%dma_start3A_81 : memref<640x128xf32, #tpu.memory_space<vmem_shared>>) target(%dma_start3A_79 : memref<640x128xf32, #tpu.memory_space<hbm>>) target_semaphore(%run_scoped3A : memref<!tpu.dma_semaphore, #tpu.memory_space<semaphore_mem>>)
      %dma_wait3A_82 = arith.constant 0 : i32
      %dma_wait3A_83 = tpu.memref_slice %arg6[%add3A_77, %dma_wait3A_82] : memref<20480x128xf32, #tpu.memory_space<hbm>> -> memref<640x128xf32, #tpu.memory_space<hbm>>
      %dma_wait3A_84 = arith.constant 0 : i32
      %dma_wait3A_85 = tpu.memref_slice %arg19[%mul3A_2, %dma_wait3A_84] : memref<10240x128xf32, #tpu.memory_space<vmem_shared>> -> memref<640x128xf32, #tpu.memory_space<vmem_shared>>
      tpu.wait_dma2 semaphore(%run_scoped3A : memref<!tpu.dma_semaphore, #tpu.memory_space<semaphore_mem>>) src(%dma_wait3A_85 : memref<640x128xf32, #tpu.memory_space<vmem_shared>>) dst(%dma_wait3A_83 : memref<640x128xf32, #tpu.memory_space<hbm>>)
      tpu.yield
    }) : () -> ()
    return
  }
}

#map = affine_map<(d0, d1) -> (0, 0)>
#map1 = affine_map<(d0, d1) -> (0)>
module attributes {stable_mosaic.version = 14 : i64} {
  func.func @k(%arg0: i32, %arg1: i32, %arg2: memref<10000x128xf32, #tpu.memory_space<hbm>>, %arg3: memref<320000xi32, #tpu.memory_space<hbm>>, %arg4: memref<320000xi32, #tpu.memory_space<hbm>>, %arg5: memref<640x128xf32, #tpu.memory_space<hbm>>, %arg6: memref<20480x128xf32, #tpu.memory_space<hbm>>, %arg7: memref<128xi32, #tpu.memory_space<vmem>>, %arg8: memref<128xi32, #tpu.memory_space<vmem>>, %arg9: memref<128xi32, #tpu.memory_space<vmem>>, %arg10: memref<128xi32, #tpu.memory_space<vmem>>, %arg11: memref<128xi32, #tpu.memory_space<vmem>>, %arg12: memref<128xi32, #tpu.memory_space<vmem>>, %arg13: memref<128xi32, #tpu.memory_space<vmem>>, %arg14: memref<128xi32, #tpu.memory_space<vmem>>, %arg15: memref<128x128xf32, #tpu.memory_space<vmem>>, %arg16: memref<128x128xf32, #tpu.memory_space<vmem>>, %arg17: memref<16xi32, #tpu.memory_space<vmem>>, %arg18: memref<16xi32, #tpu.memory_space<vmem>>, %arg19: memref<10240x128xf32, #tpu.memory_space<vmem_shared>>, %arg20: memref<!tpu.dma_semaphore, #tpu.memory_space<semaphore_mem>>, %arg21: memref<!tpu.dma_semaphore, #tpu.memory_space<semaphore_mem>>, %arg22: memref<!tpu.dma_semaphore, #tpu.memory_space<semaphore_mem>>, %arg23: memref<!tpu.dma_semaphore, #tpu.memory_space<semaphore_mem>>, %arg24: memref<!tpu.dma_semaphore, #tpu.memory_space<semaphore_mem>>, %arg25: memref<!tpu.dma_semaphore, #tpu.memory_space<semaphore_mem>>) attributes {dimension_semantics = [#tpu.dimension_semantics<core_parallel>, #tpu.dimension_semantics<subcore_parallel>], iteration_bounds = array<i64: 2, 16>, scalar_prefetch = 0 : i64, scratch_operands = 19 : i64, tpu.core_type = #tpu.core_type<sc_vector_subcore>, window_params = [{transform_indices = #map}, {transform_indices = #map1}, {transform_indices = #map1}, {transform_indices = #map}, {transform_indices = #map}]} {
    %mul3A = arith.constant 16 : i32
    %mul3A_0 = arith.muli %arg0, %mul3A : i32
    %add3A = arith.addi %mul3A_0, %arg1 : i32
    %mul3A_1 = arith.constant 640 : i32
    %mul3A_2 = arith.muli %arg1, %mul3A_1 : i32
    "tpu.region"() ({
      %run_scoped3A = tpu.sem_alloc : memref<!tpu.dma_semaphore, #tpu.memory_space<semaphore_mem>>
      %dma_start3A_78 = arith.constant 0 : i32
      %dma_start3A_79 = tpu.memref_slice %arg19[%mul3A_2, %dma_start3A_78] : memref<10240x128xf32, #tpu.memory_space<vmem_shared>> -> memref<640x128xf32, #tpu.memory_space<vmem_shared>>
      tpu.enqueue_dma source(%arg5 : memref<640x128xf32, #tpu.memory_space<hbm>>) target(%dma_start3A_79 : memref<640x128xf32, #tpu.memory_space<vmem_shared>>) target_semaphore(%run_scoped3A : memref<!tpu.dma_semaphore, #tpu.memory_space<semaphore_mem>>)
      %dma_wait3A_80 = arith.constant 0 : i32
      %dma_wait3A_81 = tpu.memref_slice %arg19[%mul3A_2, %dma_wait3A_80] : memref<10240x128xf32, #tpu.memory_space<vmem_shared>> -> memref<640x128xf32, #tpu.memory_space<vmem_shared>>
      tpu.wait_dma2 semaphore(%run_scoped3A : memref<!tpu.dma_semaphore, #tpu.memory_space<semaphore_mem>>) src(%arg5 : memref<640x128xf32, #tpu.memory_space<hbm>>) dst(%dma_wait3A_81 : memref<640x128xf32, #tpu.memory_space<vmem_shared>>)
      tpu.yield
    }) : () -> ()
    %barrier3A = arith.constant 0 : index
    tpu.barrier barrier_id(%barrier3A)
    %mul3A_3 = arith.constant 10000 : i32
    %mul3A_4 = arith.muli %add3A, %mul3A_3 : i32
    %add3A_5 = arith.constant 0 : i32
    %add3A_6 = arith.addi %mul3A_4, %add3A_5 : i32
    %dma_start3A = tpu.memref_slice %arg3[%add3A_6] : memref<320000xi32, #tpu.memory_space<hbm>> -> memref<128xi32, #tpu.memory_space<hbm>>
    %dma_start3A_7 = tpu.memref_slice %arg3[%add3A_6] : memref<320000xi32, #tpu.memory_space<hbm>> -> memref<128xi32, #tpu.memory_space<hbm>>
    tpu.enqueue_dma source(%dma_start3A_7 : memref<128xi32, #tpu.memory_space<hbm>>) target(%arg7 : memref<128xi32, #tpu.memory_space<vmem>>) target_semaphore(%arg20 : memref<!tpu.dma_semaphore, #tpu.memory_space<semaphore_mem>>)
    %dma_start3A_8 = tpu.memref_slice %arg4[%add3A_6] : memref<320000xi32, #tpu.memory_space<hbm>> -> memref<128xi32, #tpu.memory_space<hbm>>
    %dma_start3A_9 = tpu.memref_slice %arg4[%add3A_6] : memref<320000xi32, #tpu.memory_space<hbm>> -> memref<128xi32, #tpu.memory_space<hbm>>
    tpu.enqueue_dma source(%dma_start3A_9 : memref<128xi32, #tpu.memory_space<hbm>>) target(%arg11 : memref<128xi32, #tpu.memory_space<vmem>>) target_semaphore(%arg20 : memref<!tpu.dma_semaphore, #tpu.memory_space<semaphore_mem>>)
    %add3A_10 = arith.constant 128 : i32
    %add3A_11 = arith.addi %mul3A_4, %add3A_10 : i32
    %dma_start3A_12 = tpu.memref_slice %arg3[%add3A_11] : memref<320000xi32, #tpu.memory_space<hbm>> -> memref<128xi32, #tpu.memory_space<hbm>>
    %dma_start3A_13 = tpu.memref_slice %arg3[%add3A_11] : memref<320000xi32, #tpu.memory_space<hbm>> -> memref<128xi32, #tpu.memory_space<hbm>>
    tpu.enqueue_dma source(%dma_start3A_13 : memref<128xi32, #tpu.memory_space<hbm>>) target(%arg8 : memref<128xi32, #tpu.memory_space<vmem>>) target_semaphore(%arg21 : memref<!tpu.dma_semaphore, #tpu.memory_space<semaphore_mem>>)
    %dma_start3A_14 = tpu.memref_slice %arg4[%add3A_11] : memref<320000xi32, #tpu.memory_space<hbm>> -> memref<128xi32, #tpu.memory_space<hbm>>
    %dma_start3A_15 = tpu.memref_slice %arg4[%add3A_11] : memref<320000xi32, #tpu.memory_space<hbm>> -> memref<128xi32, #tpu.memory_space<hbm>>
    tpu.enqueue_dma source(%dma_start3A_15 : memref<128xi32, #tpu.memory_space<hbm>>) target(%arg12 : memref<128xi32, #tpu.memory_space<vmem>>) target_semaphore(%arg21 : memref<!tpu.dma_semaphore, #tpu.memory_space<semaphore_mem>>)
    %dma_wait3A = arith.constant 0 : i32
    %dma_wait3A_16 = tpu.memref_slice %arg3[%dma_wait3A] : memref<320000xi32, #tpu.memory_space<hbm>> -> memref<128xi32, #tpu.memory_space<hbm>>
    %dma_wait3A_17 = arith.constant 0 : i32
    %dma_wait3A_18 = tpu.memref_slice %arg3[%dma_wait3A_17] : memref<320000xi32, #tpu.memory_space<hbm>> -> memref<128xi32, #tpu.memory_space<hbm>>
    tpu.wait_dma2 semaphore(%arg20 : memref<!tpu.dma_semaphore, #tpu.memory_space<semaphore_mem>>) src(%dma_wait3A_18 : memref<128xi32, #tpu.memory_space<hbm>>) dst(%arg7 : memref<128xi32, #tpu.memory_space<vmem>>)
    %dma_wait3A_19 = arith.constant 0 : i32
    %dma_wait3A_20 = tpu.memref_slice %arg4[%dma_wait3A_19] : memref<320000xi32, #tpu.memory_space<hbm>> -> memref<128xi32, #tpu.memory_space<hbm>>
    %dma_wait3A_21 = arith.constant 0 : i32
    %dma_wait3A_22 = tpu.memref_slice %arg4[%dma_wait3A_21] : memref<320000xi32, #tpu.memory_space<hbm>> -> memref<128xi32, #tpu.memory_space<hbm>>
    tpu.wait_dma2 semaphore(%arg20 : memref<!tpu.dma_semaphore, #tpu.memory_space<semaphore_mem>>) src(%dma_wait3A_22 : memref<128xi32, #tpu.memory_space<hbm>>) dst(%arg11 : memref<128xi32, #tpu.memory_space<vmem>>)
    %dma_start3A_23 = arith.constant 0 : i32
    %dma_start3A_24 = arith.constant 0 : i32
    %dma_start3A_25 = tpu.memref_slice %arg2[%dma_start3A_23, %dma_start3A_24] : memref<10000x128xf32, #tpu.memory_space<hbm>> -> memref<10000x128xf32, #tpu.memory_space<hbm>>
    tpu.enqueue_indirect_dma source(%dma_start3A_25 : memref<10000x128xf32, #tpu.memory_space<hbm>>) target(%arg15 : memref<128x128xf32, #tpu.memory_space<vmem>>) offsets(%arg7 : memref<128xi32, #tpu.memory_space<vmem>>) semaphore(%arg24 : memref<!tpu.dma_semaphore, #tpu.memory_space<semaphore_mem>>)
    %add3A_26 = arith.constant 256 : i32
    %add3A_27 = arith.addi %mul3A_4, %add3A_26 : i32
    %dma_start3A_28 = tpu.memref_slice %arg3[%add3A_27] : memref<320000xi32, #tpu.memory_space<hbm>> -> memref<128xi32, #tpu.memory_space<hbm>>
    %dma_start3A_29 = tpu.memref_slice %arg3[%add3A_27] : memref<320000xi32, #tpu.memory_space<hbm>> -> memref<128xi32, #tpu.memory_space<hbm>>
    tpu.enqueue_dma source(%dma_start3A_29 : memref<128xi32, #tpu.memory_space<hbm>>) target(%arg9 : memref<128xi32, #tpu.memory_space<vmem>>) target_semaphore(%arg22 : memref<!tpu.dma_semaphore, #tpu.memory_space<semaphore_mem>>)
    %dma_start3A_30 = tpu.memref_slice %arg4[%add3A_27] : memref<320000xi32, #tpu.memory_space<hbm>> -> memref<128xi32, #tpu.memory_space<hbm>>
    %dma_start3A_31 = tpu.memref_slice %arg4[%add3A_27] : memref<320000xi32, #tpu.memory_space<hbm>> -> memref<128xi32, #tpu.memory_space<hbm>>
    tpu.enqueue_dma source(%dma_start3A_31 : memref<128xi32, #tpu.memory_space<hbm>>) target(%arg13 : memref<128xi32, #tpu.memory_space<vmem>>) target_semaphore(%arg22 : memref<!tpu.dma_semaphore, #tpu.memory_space<semaphore_mem>>)
    %dma_wait3A_32 = arith.constant 0 : i32
    %dma_wait3A_33 = tpu.memref_slice %arg3[%dma_wait3A_32] : memref<320000xi32, #tpu.memory_space<hbm>> -> memref<128xi32, #tpu.memory_space<hbm>>
    %dma_wait3A_34 = arith.constant 0 : i32
    %dma_wait3A_35 = tpu.memref_slice %arg3[%dma_wait3A_34] : memref<320000xi32, #tpu.memory_space<hbm>> -> memref<128xi32, #tpu.memory_space<hbm>>
    tpu.wait_dma2 semaphore(%arg21 : memref<!tpu.dma_semaphore, #tpu.memory_space<semaphore_mem>>) src(%dma_wait3A_35 : memref<128xi32, #tpu.memory_space<hbm>>) dst(%arg8 : memref<128xi32, #tpu.memory_space<vmem>>)
    %dma_wait3A_36 = arith.constant 0 : i32
    %dma_wait3A_37 = tpu.memref_slice %arg4[%dma_wait3A_36] : memref<320000xi32, #tpu.memory_space<hbm>> -> memref<128xi32, #tpu.memory_space<hbm>>
    %dma_wait3A_38 = arith.constant 0 : i32
    %dma_wait3A_39 = tpu.memref_slice %arg4[%dma_wait3A_38] : memref<320000xi32, #tpu.memory_space<hbm>> -> memref<128xi32, #tpu.memory_space<hbm>>
    tpu.wait_dma2 semaphore(%arg21 : memref<!tpu.dma_semaphore, #tpu.memory_space<semaphore_mem>>) src(%dma_wait3A_39 : memref<128xi32, #tpu.memory_space<hbm>>) dst(%arg12 : memref<128xi32, #tpu.memory_space<vmem>>)
    %dma_start3A_40 = arith.constant 0 : i32
    %dma_start3A_41 = arith.constant 0 : i32
    %dma_start3A_42 = tpu.memref_slice %arg2[%dma_start3A_40, %dma_start3A_41] : memref<10000x128xf32, #tpu.memory_space<hbm>> -> memref<10000x128xf32, #tpu.memory_space<hbm>>
    tpu.enqueue_indirect_dma source(%dma_start3A_42 : memref<10000x128xf32, #tpu.memory_space<hbm>>) target(%arg16 : memref<128x128xf32, #tpu.memory_space<vmem>>) offsets(%arg8 : memref<128xi32, #tpu.memory_space<vmem>>) semaphore(%arg25 : memref<!tpu.dma_semaphore, #tpu.memory_space<semaphore_mem>>)
    %dma_wait3A_43 = arith.constant 0 : i32
    %dma_wait3A_44 = arith.constant 0 : i32
    %dma_wait3A_45 = tpu.memref_slice %arg2[%dma_wait3A_43, %dma_wait3A_44] : memref<10000x128xf32, #tpu.memory_space<hbm>> -> memref<10000x128xf32, #tpu.memory_space<hbm>>
    tpu.wait_indirect_dma semaphore(%arg24 : memref<!tpu.dma_semaphore, #tpu.memory_space<semaphore_mem>>) src(%dma_wait3A_45 : memref<10000x128xf32, #tpu.memory_space<hbm>>) dst(%arg15 : memref<128x128xf32, #tpu.memory_space<vmem>>)
    "tpu.region"() ({
      %run_scoped3A = tpu.sem_alloc : memref<!tpu.dma_semaphore, #tpu.memory_space<semaphore_mem>>
      %dma_start3A_78 = arith.constant 0 : i32
      %dma_start3A_79 = arith.constant 0 : i32
      %dma_start3A_80 = tpu.memref_slice %arg19[%dma_start3A_78, %dma_start3A_79] : memref<10240x128xf32, #tpu.memory_space<vmem_shared>> -> memref<10240x128xf32, #tpu.memory_space<vmem_shared>>
      tpu.enqueue_indirect_dma source(%arg15 : memref<128x128xf32, #tpu.memory_space<vmem>>) target(%dma_start3A_80 : memref<10240x128xf32, #tpu.memory_space<vmem_shared>>) offsets(%arg11 : memref<128xi32, #tpu.memory_space<vmem>>) semaphore(%run_scoped3A : memref<!tpu.dma_semaphore, #tpu.memory_space<semaphore_mem>>) {add = true}
      %dma_wait3A_81 = arith.constant 0 : i32
      %dma_wait3A_82 = arith.constant 0 : i32
      %dma_wait3A_83 = tpu.memref_slice %arg19[%dma_wait3A_81, %dma_wait3A_82] : memref<10240x128xf32, #tpu.memory_space<vmem_shared>> -> memref<10240x128xf32, #tpu.memory_space<vmem_shared>>
      tpu.wait_indirect_dma semaphore(%run_scoped3A : memref<!tpu.dma_semaphore, #tpu.memory_space<semaphore_mem>>) src(%arg15 : memref<128x128xf32, #tpu.memory_space<vmem>>) dst(%dma_wait3A_83 : memref<10240x128xf32, #tpu.memory_space<vmem_shared>>)
      tpu.yield
    }) : () -> ()
    %add3A_46 = arith.constant 384 : i32
    %add3A_47 = arith.addi %mul3A_4, %add3A_46 : i32
    %dma_start3A_48 = tpu.memref_slice %arg3[%add3A_47] : memref<320000xi32, #tpu.memory_space<hbm>> -> memref<128xi32, #tpu.memory_space<hbm>>
    %dma_start3A_49 = tpu.memref_slice %arg3[%add3A_47] : memref<320000xi32, #tpu.memory_space<hbm>> -> memref<128xi32, #tpu.memory_space<hbm>>
    tpu.enqueue_dma source(%dma_start3A_49 : memref<128xi32, #tpu.memory_space<hbm>>) target(%arg10 : memref<128xi32, #tpu.memory_space<vmem>>) target_semaphore(%arg23 : memref<!tpu.dma_semaphore, #tpu.memory_space<semaphore_mem>>)
    %dma_start3A_50 = tpu.memref_slice %arg4[%add3A_47] : memref<320000xi32, #tpu.memory_space<hbm>> -> memref<128xi32, #tpu.memory_space<hbm>>
    %dma_start3A_51 = tpu.memref_slice %arg4[%add3A_47] : memref<320000xi32, #tpu.memory_space<hbm>> -> memref<128xi32, #tpu.memory_space<hbm>>
    tpu.enqueue_dma source(%dma_start3A_51 : memref<128xi32, #tpu.memory_space<hbm>>) target(%arg14 : memref<128xi32, #tpu.memory_space<vmem>>) target_semaphore(%arg23 : memref<!tpu.dma_semaphore, #tpu.memory_space<semaphore_mem>>)
    %scan3A = arith.constant 0 : i32
    %scan3A_52 = arith.constant 0 : i32
    %scan3A_53 = arith.constant 19 : i32
    %scan3A_54 = arith.addi %scan3A_52, %scan3A_53 : i32
    %scan3A_55 = arith.constant 1 : i32
    scf.for %scan3A_78 = %scan3A_52 to %scan3A_54 step %scan3A_55  : i32 {
      %mul3A_79 = arith.constant 4 : i32
      %mul3A_80 = arith.muli %mul3A_79, %scan3A_78 : i32
      %add3A_81 = arith.constant 2 : i32
      %add3A_82 = arith.addi %add3A_81, %mul3A_80 : i32
      %add3A_83 = arith.constant 0 : i32
      %add3A_84 = arith.addi %add3A_82, %add3A_83 : i32
      %add3A_85 = arith.constant 2 : i32
      %add3A_86 = arith.addi %add3A_84, %add3A_85 : i32
      %lt3A = arith.constant 78 : i32
      %lt3A_87 = arith.cmpi slt, %add3A_86, %lt3A : i32
      %dma_wait3A_88 = arith.constant 0 : i32
      %dma_wait3A_89 = tpu.memref_slice %arg3[%dma_wait3A_88] : memref<320000xi32, #tpu.memory_space<hbm>> -> memref<128xi32, #tpu.memory_space<hbm>>
      %dma_wait3A_90 = arith.constant 0 : i32
      %dma_wait3A_91 = tpu.memref_slice %arg3[%dma_wait3A_90] : memref<320000xi32, #tpu.memory_space<hbm>> -> memref<128xi32, #tpu.memory_space<hbm>>
      tpu.wait_dma2 semaphore(%arg22 : memref<!tpu.dma_semaphore, #tpu.memory_space<semaphore_mem>>) src(%dma_wait3A_91 : memref<128xi32, #tpu.memory_space<hbm>>) dst(%arg9 : memref<128xi32, #tpu.memory_space<vmem>>)
      %dma_wait3A_92 = arith.constant 0 : i32
      %dma_wait3A_93 = tpu.memref_slice %arg4[%dma_wait3A_92] : memref<320000xi32, #tpu.memory_space<hbm>> -> memref<128xi32, #tpu.memory_space<hbm>>
      %dma_wait3A_94 = arith.constant 0 : i32
      %dma_wait3A_95 = tpu.memref_slice %arg4[%dma_wait3A_94] : memref<320000xi32, #tpu.memory_space<hbm>> -> memref<128xi32, #tpu.memory_space<hbm>>
      tpu.wait_dma2 semaphore(%arg22 : memref<!tpu.dma_semaphore, #tpu.memory_space<semaphore_mem>>) src(%dma_wait3A_95 : memref<128xi32, #tpu.memory_space<hbm>>) dst(%arg13 : memref<128xi32, #tpu.memory_space<vmem>>)
      %dma_start3A_96 = arith.constant 0 : i32
      %dma_start3A_97 = arith.constant 0 : i32
      %dma_start3A_98 = tpu.memref_slice %arg2[%dma_start3A_96, %dma_start3A_97] : memref<10000x128xf32, #tpu.memory_space<hbm>> -> memref<10000x128xf32, #tpu.memory_space<hbm>>
      tpu.enqueue_indirect_dma source(%dma_start3A_98 : memref<10000x128xf32, #tpu.memory_space<hbm>>) target(%arg15 : memref<128x128xf32, #tpu.memory_space<vmem>>) offsets(%arg9 : memref<128xi32, #tpu.memory_space<vmem>>) semaphore(%arg24 : memref<!tpu.dma_semaphore, #tpu.memory_space<semaphore_mem>>)
      %dma_wait3A_99 = arith.constant 0 : i32
      %dma_wait3A_100 = arith.constant 0 : i32
      %dma_wait3A_101 = tpu.memref_slice %arg2[%dma_wait3A_99, %dma_wait3A_100] : memref<10000x128xf32, #tpu.memory_space<hbm>> -> memref<10000x128xf32, #tpu.memory_space<hbm>>
      tpu.wait_indirect_dma semaphore(%arg25 : memref<!tpu.dma_semaphore, #tpu.memory_space<semaphore_mem>>) src(%dma_wait3A_101 : memref<10000x128xf32, #tpu.memory_space<hbm>>) dst(%arg16 : memref<128x128xf32, #tpu.memory_space<vmem>>)
      "tpu.region"() ({
        %run_scoped3A = tpu.sem_alloc : memref<!tpu.dma_semaphore, #tpu.memory_space<semaphore_mem>>
        %dma_start3A_172 = arith.constant 0 : i32
        %dma_start3A_173 = arith.constant 0 : i32
        %dma_start3A_174 = tpu.memref_slice %arg19[%dma_start3A_172, %dma_start3A_173] : memref<10240x128xf32, #tpu.memory_space<vmem_shared>> -> memref<10240x128xf32, #tpu.memory_space<vmem_shared>>
        tpu.enqueue_indirect_dma source(%arg16 : memref<128x128xf32, #tpu.memory_space<vmem>>) target(%dma_start3A_174 : memref<10240x128xf32, #tpu.memory_space<vmem_shared>>) offsets(%arg12 : memref<128xi32, #tpu.memory_space<vmem>>) semaphore(%run_scoped3A : memref<!tpu.dma_semaphore, #tpu.memory_space<semaphore_mem>>) {add = true}
        %dma_wait3A_175 = arith.constant 0 : i32
        %dma_wait3A_176 = arith.constant 0 : i32
        %dma_wait3A_177 = tpu.memref_slice %arg19[%dma_wait3A_175, %dma_wait3A_176] : memref<10240x128xf32, #tpu.memory_space<vmem_shared>> -> memref<10240x128xf32, #tpu.memory_space<vmem_shared>>
        tpu.wait_indirect_dma semaphore(%run_scoped3A : memref<!tpu.dma_semaphore, #tpu.memory_space<semaphore_mem>>) src(%arg16 : memref<128x128xf32, #tpu.memory_space<vmem>>) dst(%dma_wait3A_177 : memref<10240x128xf32, #tpu.memory_space<vmem_shared>>)
        tpu.yield
      }) : () -> ()
      %convert_element_type3A = arith.extui %lt3A_87 : i1 to i32
      %cond3A = arith.constant 0 : i32
      %cond3A_102 = arith.cmpi ne, %convert_element_type3A, %cond3A : i32
      scf.if %cond3A_102 {
        %add3A_172 = arith.constant 2 : i32
        %add3A_173 = arith.addi %add3A_84, %add3A_172 : i32
        %mul3A_174 = arith.constant 128 : i32
        %mul3A_175 = arith.muli %add3A_173, %mul3A_174 : i32
        %add3A_176 = arith.addi %mul3A_4, %mul3A_175 : i32
        %dma_start3A_177 = tpu.memref_slice %arg3[%add3A_176] : memref<320000xi32, #tpu.memory_space<hbm>> -> memref<128xi32, #tpu.memory_space<hbm>>
        %dma_start3A_178 = tpu.memref_slice %arg3[%add3A_176] : memref<320000xi32, #tpu.memory_space<hbm>> -> memref<128xi32, #tpu.memory_space<hbm>>
        tpu.enqueue_dma source(%dma_start3A_178 : memref<128xi32, #tpu.memory_space<hbm>>) target(%arg7 : memref<128xi32, #tpu.memory_space<vmem>>) target_semaphore(%arg20 : memref<!tpu.dma_semaphore, #tpu.memory_space<semaphore_mem>>)
        %dma_start3A_179 = tpu.memref_slice %arg4[%add3A_176] : memref<320000xi32, #tpu.memory_space<hbm>> -> memref<128xi32, #tpu.memory_space<hbm>>
        %dma_start3A_180 = tpu.memref_slice %arg4[%add3A_176] : memref<320000xi32, #tpu.memory_space<hbm>> -> memref<128xi32, #tpu.memory_space<hbm>>
        tpu.enqueue_dma source(%dma_start3A_180 : memref<128xi32, #tpu.memory_space<hbm>>) target(%arg11 : memref<128xi32, #tpu.memory_space<vmem>>) target_semaphore(%arg20 : memref<!tpu.dma_semaphore, #tpu.memory_space<semaphore_mem>>)
      } else {
      }
      %add3A_103 = arith.constant 1 : i32
      %add3A_104 = arith.addi %add3A_82, %add3A_103 : i32
      %add3A_105 = arith.constant 2 : i32
      %add3A_106 = arith.addi %add3A_104, %add3A_105 : i32
      %lt3A_107 = arith.constant 78 : i32
      %lt3A_108 = arith.cmpi slt, %add3A_106, %lt3A_107 : i32
      %dma_wait3A_109 = arith.constant 0 : i32
      %dma_wait3A_110 = tpu.memref_slice %arg3[%dma_wait3A_109] : memref<320000xi32, #tpu.memory_space<hbm>> -> memref<128xi32, #tpu.memory_space<hbm>>
      %dma_wait3A_111 = arith.constant 0 : i32
      %dma_wait3A_112 = tpu.memref_slice %arg3[%dma_wait3A_111] : memref<320000xi32, #tpu.memory_space<hbm>> -> memref<128xi32, #tpu.memory_space<hbm>>
      tpu.wait_dma2 semaphore(%arg23 : memref<!tpu.dma_semaphore, #tpu.memory_space<semaphore_mem>>) src(%dma_wait3A_112 : memref<128xi32, #tpu.memory_space<hbm>>) dst(%arg10 : memref<128xi32, #tpu.memory_space<vmem>>)
      %dma_wait3A_113 = arith.constant 0 : i32
      %dma_wait3A_114 = tpu.memref_slice %arg4[%dma_wait3A_113] : memref<320000xi32, #tpu.memory_space<hbm>> -> memref<128xi32, #tpu.memory_space<hbm>>
      %dma_wait3A_115 = arith.constant 0 : i32
      %dma_wait3A_116 = tpu.memref_slice %arg4[%dma_wait3A_115] : memref<320000xi32, #tpu.memory_space<hbm>> -> memref<128xi32, #tpu.memory_space<hbm>>
      tpu.wait_dma2 semaphore(%arg23 : memref<!tpu.dma_semaphore, #tpu.memory_space<semaphore_mem>>) src(%dma_wait3A_116 : memref<128xi32, #tpu.memory_space<hbm>>) dst(%arg14 : memref<128xi32, #tpu.memory_space<vmem>>)
      %dma_start3A_117 = arith.constant 0 : i32
      %dma_start3A_118 = arith.constant 0 : i32
      %dma_start3A_119 = tpu.memref_slice %arg2[%dma_start3A_117, %dma_start3A_118] : memref<10000x128xf32, #tpu.memory_space<hbm>> -> memref<10000x128xf32, #tpu.memory_space<hbm>>
      tpu.enqueue_indirect_dma source(%dma_start3A_119 : memref<10000x128xf32, #tpu.memory_space<hbm>>) target(%arg16 : memref<128x128xf32, #tpu.memory_space<vmem>>) offsets(%arg10 : memref<128xi32, #tpu.memory_space<vmem>>) semaphore(%arg25 : memref<!tpu.dma_semaphore, #tpu.memory_space<semaphore_mem>>)
      %dma_wait3A_120 = arith.constant 0 : i32
      %dma_wait3A_121 = arith.constant 0 : i32
      %dma_wait3A_122 = tpu.memref_slice %arg2[%dma_wait3A_120, %dma_wait3A_121] : memref<10000x128xf32, #tpu.memory_space<hbm>> -> memref<10000x128xf32, #tpu.memory_space<hbm>>
      tpu.wait_indirect_dma semaphore(%arg24 : memref<!tpu.dma_semaphore, #tpu.memory_space<semaphore_mem>>) src(%dma_wait3A_122 : memref<10000x128xf32, #tpu.memory_space<hbm>>) dst(%arg15 : memref<128x128xf32, #tpu.memory_space<vmem>>)
      "tpu.region"() ({
        %run_scoped3A = tpu.sem_alloc : memref<!tpu.dma_semaphore, #tpu.memory_space<semaphore_mem>>
        %dma_start3A_172 = arith.constant 0 : i32
        %dma_start3A_173 = arith.constant 0 : i32
        %dma_start3A_174 = tpu.memref_slice %arg19[%dma_start3A_172, %dma_start3A_173] : memref<10240x128xf32, #tpu.memory_space<vmem_shared>> -> memref<10240x128xf32, #tpu.memory_space<vmem_shared>>
        tpu.enqueue_indirect_dma source(%arg15 : memref<128x128xf32, #tpu.memory_space<vmem>>) target(%dma_start3A_174 : memref<10240x128xf32, #tpu.memory_space<vmem_shared>>) offsets(%arg13 : memref<128xi32, #tpu.memory_space<vmem>>) semaphore(%run_scoped3A : memref<!tpu.dma_semaphore, #tpu.memory_space<semaphore_mem>>) {add = true}
        %dma_wait3A_175 = arith.constant 0 : i32
        %dma_wait3A_176 = arith.constant 0 : i32
        %dma_wait3A_177 = tpu.memref_slice %arg19[%dma_wait3A_175, %dma_wait3A_176] : memref<10240x128xf32, #tpu.memory_space<vmem_shared>> -> memref<10240x128xf32, #tpu.memory_space<vmem_shared>>
        tpu.wait_indirect_dma semaphore(%run_scoped3A : memref<!tpu.dma_semaphore, #tpu.memory_space<semaphore_mem>>) src(%arg15 : memref<128x128xf32, #tpu.memory_space<vmem>>) dst(%dma_wait3A_177 : memref<10240x128xf32, #tpu.memory_space<vmem_shared>>)
        tpu.yield
      }) : () -> ()
      %convert_element_type3A_123 = arith.extui %lt3A_108 : i1 to i32
      %cond3A_124 = arith.constant 0 : i32
      %cond3A_125 = arith.cmpi ne, %convert_element_type3A_123, %cond3A_124 : i32
      scf.if %cond3A_125 {
        %add3A_172 = arith.constant 2 : i32
        %add3A_173 = arith.addi %add3A_104, %add3A_172 : i32
        %mul3A_174 = arith.constant 128 : i32
        %mul3A_175 = arith.muli %add3A_173, %mul3A_174 : i32
        %add3A_176 = arith.addi %mul3A_4, %mul3A_175 : i32
        %dma_start3A_177 = tpu.memref_slice %arg3[%add3A_176] : memref<320000xi32, #tpu.memory_space<hbm>> -> memref<128xi32, #tpu.memory_space<hbm>>
        %dma_start3A_178 = tpu.memref_slice %arg3[%add3A_176] : memref<320000xi32, #tpu.memory_space<hbm>> -> memref<128xi32, #tpu.memory_space<hbm>>
        tpu.enqueue_dma source(%dma_start3A_178 : memref<128xi32, #tpu.memory_space<hbm>>) target(%arg8 : memref<128xi32, #tpu.memory_space<vmem>>) target_semaphore(%arg21 : memref<!tpu.dma_semaphore, #tpu.memory_space<semaphore_mem>>)
        %dma_start3A_179 = tpu.memref_slice %arg4[%add3A_176] : memref<320000xi32, #tpu.memory_space<hbm>> -> memref<128xi32, #tpu.memory_space<hbm>>
        %dma_start3A_180 = tpu.memref_slice %arg4[%add3A_176] : memref<320000xi32, #tpu.memory_space<hbm>> -> memref<128xi32, #tpu.memory_space<hbm>>
        tpu.enqueue_dma source(%dma_start3A_180 : memref<128xi32, #tpu.memory_space<hbm>>) target(%arg12 : memref<128xi32, #tpu.memory_space<vmem>>) target_semaphore(%arg21 : memref<!tpu.dma_semaphore, #tpu.memory_space<semaphore_mem>>)
      } else {
      }
      %add3A_126 = arith.constant 2 : i32
      %add3A_127 = arith.addi %add3A_82, %add3A_126 : i32
      %add3A_128 = arith.constant 2 : i32
      %add3A_129 = arith.addi %add3A_127, %add3A_128 : i32
      %lt3A_130 = arith.constant 78 : i32
      %lt3A_131 = arith.cmpi slt, %add3A_129, %lt3A_130 : i32
      %dma_wait3A_132 = arith.constant 0 : i32
      %dma_wait3A_133 = tpu.memref_slice %arg3[%dma_wait3A_132] : memref<320000xi32, #tpu.memory_space<hbm>> -> memref<128xi32, #tpu.memory_space<hbm>>
      %dma_wait3A_134 = arith.constant 0 : i32
      %dma_wait3A_135 = tpu.memref_slice %arg3[%dma_wait3A_134] : memref<320000xi32, #tpu.memory_space<hbm>> -> memref<128xi32, #tpu.memory_space<hbm>>
      tpu.wait_dma2 semaphore(%arg20 : memref<!tpu.dma_semaphore, #tpu.memory_space<semaphore_mem>>) src(%dma_wait3A_135 : memref<128xi32, #tpu.memory_space<hbm>>) dst(%arg7 : memref<128xi32, #tpu.memory_space<vmem>>)
      %dma_wait3A_136 = arith.constant 0 : i32
      %dma_wait3A_137 = tpu.memref_slice %arg4[%dma_wait3A_136] : memref<320000xi32, #tpu.memory_space<hbm>> -> memref<128xi32, #tpu.memory_space<hbm>>
      %dma_wait3A_138 = arith.constant 0 : i32
      %dma_wait3A_139 = tpu.memref_slice %arg4[%dma_wait3A_138] : memref<320000xi32, #tpu.memory_space<hbm>> -> memref<128xi32, #tpu.memory_space<hbm>>
      tpu.wait_dma2 semaphore(%arg20 : memref<!tpu.dma_semaphore, #tpu.memory_space<semaphore_mem>>) src(%dma_wait3A_139 : memref<128xi32, #tpu.memory_space<hbm>>) dst(%arg11 : memref<128xi32, #tpu.memory_space<vmem>>)
      %dma_start3A_140 = arith.constant 0 : i32
      %dma_start3A_141 = arith.constant 0 : i32
      %dma_start3A_142 = tpu.memref_slice %arg2[%dma_start3A_140, %dma_start3A_141] : memref<10000x128xf32, #tpu.memory_space<hbm>> -> memref<10000x128xf32, #tpu.memory_space<hbm>>
      tpu.enqueue_indirect_dma source(%dma_start3A_142 : memref<10000x128xf32, #tpu.memory_space<hbm>>) target(%arg15 : memref<128x128xf32, #tpu.memory_space<vmem>>) offsets(%arg7 : memref<128xi32, #tpu.memory_space<vmem>>) semaphore(%arg24 : memref<!tpu.dma_semaphore, #tpu.memory_space<semaphore_mem>>)
      %dma_wait3A_143 = arith.constant 0 : i32
      %dma_wait3A_144 = arith.constant 0 : i32
      %dma_wait3A_145 = tpu.memref_slice %arg2[%dma_wait3A_143, %dma_wait3A_144] : memref<10000x128xf32, #tpu.memory_space<hbm>> -> memref<10000x128xf32, #tpu.memory_space<hbm>>
      tpu.wait_indirect_dma semaphore(%arg25 : memref<!tpu.dma_semaphore, #tpu.memory_space<semaphore_mem>>) src(%dma_wait3A_145 : memref<10000x128xf32, #tpu.memory_space<hbm>>) dst(%arg16 : memref<128x128xf32, #tpu.memory_space<vmem>>)
      "tpu.region"() ({
        %run_scoped3A = tpu.sem_alloc : memref<!tpu.dma_semaphore, #tpu.memory_space<semaphore_mem>>
        %dma_start3A_172 = arith.constant 0 : i32
        %dma_start3A_173 = arith.constant 0 : i32
        %dma_start3A_174 = tpu.memref_slice %arg19[%dma_start3A_172, %dma_start3A_173] : memref<10240x128xf32, #tpu.memory_space<vmem_shared>> -> memref<10240x128xf32, #tpu.memory_space<vmem_shared>>
        tpu.enqueue_indirect_dma source(%arg16 : memref<128x128xf32, #tpu.memory_space<vmem>>) target(%dma_start3A_174 : memref<10240x128xf32, #tpu.memory_space<vmem_shared>>) offsets(%arg14 : memref<128xi32, #tpu.memory_space<vmem>>) semaphore(%run_scoped3A : memref<!tpu.dma_semaphore, #tpu.memory_space<semaphore_mem>>) {add = true}
        %dma_wait3A_175 = arith.constant 0 : i32
        %dma_wait3A_176 = arith.constant 0 : i32
        %dma_wait3A_177 = tpu.memref_slice %arg19[%dma_wait3A_175, %dma_wait3A_176] : memref<10240x128xf32, #tpu.memory_space<vmem_shared>> -> memref<10240x128xf32, #tpu.memory_space<vmem_shared>>
        tpu.wait_indirect_dma semaphore(%run_scoped3A : memref<!tpu.dma_semaphore, #tpu.memory_space<semaphore_mem>>) src(%arg16 : memref<128x128xf32, #tpu.memory_space<vmem>>) dst(%dma_wait3A_177 : memref<10240x128xf32, #tpu.memory_space<vmem_shared>>)
        tpu.yield
      }) : () -> ()
      %convert_element_type3A_146 = arith.extui %lt3A_131 : i1 to i32
      %cond3A_147 = arith.constant 0 : i32
      %cond3A_148 = arith.cmpi ne, %convert_element_type3A_146, %cond3A_147 : i32
      scf.if %cond3A_148 {
        %add3A_172 = arith.constant 2 : i32
        %add3A_173 = arith.addi %add3A_127, %add3A_172 : i32
        %mul3A_174 = arith.constant 128 : i32
        %mul3A_175 = arith.muli %add3A_173, %mul3A_174 : i32
        %add3A_176 = arith.addi %mul3A_4, %mul3A_175 : i32
        %dma_start3A_177 = tpu.memref_slice %arg3[%add3A_176] : memref<320000xi32, #tpu.memory_space<hbm>> -> memref<128xi32, #tpu.memory_space<hbm>>
        %dma_start3A_178 = tpu.memref_slice %arg3[%add3A_176] : memref<320000xi32, #tpu.memory_space<hbm>> -> memref<128xi32, #tpu.memory_space<hbm>>
        tpu.enqueue_dma source(%dma_start3A_178 : memref<128xi32, #tpu.memory_space<hbm>>) target(%arg9 : memref<128xi32, #tpu.memory_space<vmem>>) target_semaphore(%arg22 : memref<!tpu.dma_semaphore, #tpu.memory_space<semaphore_mem>>)
        %dma_start3A_179 = tpu.memref_slice %arg4[%add3A_176] : memref<320000xi32, #tpu.memory_space<hbm>> -> memref<128xi32, #tpu.memory_space<hbm>>
        %dma_start3A_180 = tpu.memref_slice %arg4[%add3A_176] : memref<320000xi32, #tpu.memory_space<hbm>> -> memref<128xi32, #tpu.memory_space<hbm>>
        tpu.enqueue_dma source(%dma_start3A_180 : memref<128xi32, #tpu.memory_space<hbm>>) target(%arg13 : memref<128xi32, #tpu.memory_space<vmem>>) target_semaphore(%arg22 : memref<!tpu.dma_semaphore, #tpu.memory_space<semaphore_mem>>)
      } else {
      }
      %add3A_149 = arith.constant 3 : i32
      %add3A_150 = arith.addi %add3A_82, %add3A_149 : i32
      %add3A_151 = arith.constant 2 : i32
      %add3A_152 = arith.addi %add3A_150, %add3A_151 : i32
      %lt3A_153 = arith.constant 78 : i32
      %lt3A_154 = arith.cmpi slt, %add3A_152, %lt3A_153 : i32
      %dma_wait3A_155 = arith.constant 0 : i32
      %dma_wait3A_156 = tpu.memref_slice %arg3[%dma_wait3A_155] : memref<320000xi32, #tpu.memory_space<hbm>> -> memref<128xi32, #tpu.memory_space<hbm>>
      %dma_wait3A_157 = arith.constant 0 : i32
      %dma_wait3A_158 = tpu.memref_slice %arg3[%dma_wait3A_157] : memref<320000xi32, #tpu.memory_space<hbm>> -> memref<128xi32, #tpu.memory_space<hbm>>
      tpu.wait_dma2 semaphore(%arg21 : memref<!tpu.dma_semaphore, #tpu.memory_space<semaphore_mem>>) src(%dma_wait3A_158 : memref<128xi32, #tpu.memory_space<hbm>>) dst(%arg8 : memref<128xi32, #tpu.memory_space<vmem>>)
      %dma_wait3A_159 = arith.constant 0 : i32
      %dma_wait3A_160 = tpu.memref_slice %arg4[%dma_wait3A_159] : memref<320000xi32, #tpu.memory_space<hbm>> -> memref<128xi32, #tpu.memory_space<hbm>>
      %dma_wait3A_161 = arith.constant 0 : i32
      %dma_wait3A_162 = tpu.memref_slice %arg4[%dma_wait3A_161] : memref<320000xi32, #tpu.memory_space<hbm>> -> memref<128xi32, #tpu.memory_space<hbm>>
      tpu.wait_dma2 semaphore(%arg21 : memref<!tpu.dma_semaphore, #tpu.memory_space<semaphore_mem>>) src(%dma_wait3A_162 : memref<128xi32, #tpu.memory_space<hbm>>) dst(%arg12 : memref<128xi32, #tpu.memory_space<vmem>>)
      %dma_start3A_163 = arith.constant 0 : i32
      %dma_start3A_164 = arith.constant 0 : i32
      %dma_start3A_165 = tpu.memref_slice %arg2[%dma_start3A_163, %dma_start3A_164] : memref<10000x128xf32, #tpu.memory_space<hbm>> -> memref<10000x128xf32, #tpu.memory_space<hbm>>
      tpu.enqueue_indirect_dma source(%dma_start3A_165 : memref<10000x128xf32, #tpu.memory_space<hbm>>) target(%arg16 : memref<128x128xf32, #tpu.memory_space<vmem>>) offsets(%arg8 : memref<128xi32, #tpu.memory_space<vmem>>) semaphore(%arg25 : memref<!tpu.dma_semaphore, #tpu.memory_space<semaphore_mem>>)
      %dma_wait3A_166 = arith.constant 0 : i32
      %dma_wait3A_167 = arith.constant 0 : i32
      %dma_wait3A_168 = tpu.memref_slice %arg2[%dma_wait3A_166, %dma_wait3A_167] : memref<10000x128xf32, #tpu.memory_space<hbm>> -> memref<10000x128xf32, #tpu.memory_space<hbm>>
      tpu.wait_indirect_dma semaphore(%arg24 : memref<!tpu.dma_semaphore, #tpu.memory_space<semaphore_mem>>) src(%dma_wait3A_168 : memref<10000x128xf32, #tpu.memory_space<hbm>>) dst(%arg15 : memref<128x128xf32, #tpu.memory_space<vmem>>)
      "tpu.region"() ({
        %run_scoped3A = tpu.sem_alloc : memref<!tpu.dma_semaphore, #tpu.memory_space<semaphore_mem>>
        %dma_start3A_172 = arith.constant 0 : i32
        %dma_start3A_173 = arith.constant 0 : i32
        %dma_start3A_174 = tpu.memref_slice %arg19[%dma_start3A_172, %dma_start3A_173] : memref<10240x128xf32, #tpu.memory_space<vmem_shared>> -> memref<10240x128xf32, #tpu.memory_space<vmem_shared>>
        tpu.enqueue_indirect_dma source(%arg15 : memref<128x128xf32, #tpu.memory_space<vmem>>) target(%dma_start3A_174 : memref<10240x128xf32, #tpu.memory_space<vmem_shared>>) offsets(%arg11 : memref<128xi32, #tpu.memory_space<vmem>>) semaphore(%run_scoped3A : memref<!tpu.dma_semaphore, #tpu.memory_space<semaphore_mem>>) {add = true}
        %dma_wait3A_175 = arith.constant 0 : i32
        %dma_wait3A_176 = arith.constant 0 : i32
        %dma_wait3A_177 = tpu.memref_slice %arg19[%dma_wait3A_175, %dma_wait3A_176] : memref<10240x128xf32, #tpu.memory_space<vmem_shared>> -> memref<10240x128xf32, #tpu.memory_space<vmem_shared>>
        tpu.wait_indirect_dma semaphore(%run_scoped3A : memref<!tpu.dma_semaphore, #tpu.memory_space<semaphore_mem>>) src(%arg15 : memref<128x128xf32, #tpu.memory_space<vmem>>) dst(%dma_wait3A_177 : memref<10240x128xf32, #tpu.memory_space<vmem_shared>>)
        tpu.yield
      }) : () -> ()
      %convert_element_type3A_169 = arith.extui %lt3A_154 : i1 to i32
      %cond3A_170 = arith.constant 0 : i32
      %cond3A_171 = arith.cmpi ne, %convert_element_type3A_169, %cond3A_170 : i32
      scf.if %cond3A_171 {
        %add3A_172 = arith.constant 2 : i32
        %add3A_173 = arith.addi %add3A_150, %add3A_172 : i32
        %mul3A_174 = arith.constant 128 : i32
        %mul3A_175 = arith.muli %add3A_173, %mul3A_174 : i32
        %add3A_176 = arith.addi %mul3A_4, %mul3A_175 : i32
        %dma_start3A_177 = tpu.memref_slice %arg3[%add3A_176] : memref<320000xi32, #tpu.memory_space<hbm>> -> memref<128xi32, #tpu.memory_space<hbm>>
        %dma_start3A_178 = tpu.memref_slice %arg3[%add3A_176] : memref<320000xi32, #tpu.memory_space<hbm>> -> memref<128xi32, #tpu.memory_space<hbm>>
        tpu.enqueue_dma source(%dma_start3A_178 : memref<128xi32, #tpu.memory_space<hbm>>) target(%arg10 : memref<128xi32, #tpu.memory_space<vmem>>) target_semaphore(%arg23 : memref<!tpu.dma_semaphore, #tpu.memory_space<semaphore_mem>>)
        %dma_start3A_179 = tpu.memref_slice %arg4[%add3A_176] : memref<320000xi32, #tpu.memory_space<hbm>> -> memref<128xi32, #tpu.memory_space<hbm>>
        %dma_start3A_180 = tpu.memref_slice %arg4[%add3A_176] : memref<320000xi32, #tpu.memory_space<hbm>> -> memref<128xi32, #tpu.memory_space<hbm>>
        tpu.enqueue_dma source(%dma_start3A_180 : memref<128xi32, #tpu.memory_space<hbm>>) target(%arg14 : memref<128xi32, #tpu.memory_space<vmem>>) target_semaphore(%arg23 : memref<!tpu.dma_semaphore, #tpu.memory_space<semaphore_mem>>)
      } else {
      }
    }
    %scan3A_56 = arith.constant 19 : i32
    %dma_wait3A_57 = arith.constant 0 : i32
    %dma_wait3A_58 = arith.constant 0 : i32
    %dma_wait3A_59 = tpu.memref_slice %arg2[%dma_wait3A_57, %dma_wait3A_58] : memref<10000x128xf32, #tpu.memory_space<hbm>> -> memref<10000x128xf32, #tpu.memory_space<hbm>>
    tpu.wait_indirect_dma semaphore(%arg25 : memref<!tpu.dma_semaphore, #tpu.memory_space<semaphore_mem>>) src(%dma_wait3A_59 : memref<10000x128xf32, #tpu.memory_space<hbm>>) dst(%arg16 : memref<128x128xf32, #tpu.memory_space<vmem>>)
    "tpu.region"() ({
      %run_scoped3A = tpu.sem_alloc : memref<!tpu.dma_semaphore, #tpu.memory_space<semaphore_mem>>
      %dma_start3A_78 = arith.constant 0 : i32
      %dma_start3A_79 = arith.constant 0 : i32
      %dma_start3A_80 = tpu.memref_slice %arg19[%dma_start3A_78, %dma_start3A_79] : memref<10240x128xf32, #tpu.memory_space<vmem_shared>> -> memref<10240x128xf32, #tpu.memory_space<vmem_shared>>
      tpu.enqueue_indirect_dma source(%arg16 : memref<128x128xf32, #tpu.memory_space<vmem>>) target(%dma_start3A_80 : memref<10240x128xf32, #tpu.memory_space<vmem_shared>>) offsets(%arg12 : memref<128xi32, #tpu.memory_space<vmem>>) semaphore(%run_scoped3A : memref<!tpu.dma_semaphore, #tpu.memory_space<semaphore_mem>>) {add = true}
      %dma_wait3A_81 = arith.constant 0 : i32
      %dma_wait3A_82 = arith.constant 0 : i32
      %dma_wait3A_83 = tpu.memref_slice %arg19[%dma_wait3A_81, %dma_wait3A_82] : memref<10240x128xf32, #tpu.memory_space<vmem_shared>> -> memref<10240x128xf32, #tpu.memory_space<vmem_shared>>
      tpu.wait_indirect_dma semaphore(%run_scoped3A : memref<!tpu.dma_semaphore, #tpu.memory_space<semaphore_mem>>) src(%arg16 : memref<128x128xf32, #tpu.memory_space<vmem>>) dst(%dma_wait3A_83 : memref<10240x128xf32, #tpu.memory_space<vmem_shared>>)
      tpu.yield
    }) : () -> ()
    %add3A_60 = arith.constant 9984 : i32
    %add3A_61 = arith.addi %mul3A_4, %add3A_60 : i32
    "tpu.region"() ({
      %run_scoped3A = tpu.sem_alloc : memref<!tpu.dma_semaphore, #tpu.memory_space<semaphore_mem>>
      %dma_start3A_78 = tpu.memref_slice %arg3[%add3A_61] : memref<320000xi32, #tpu.memory_space<hbm>> -> memref<16xi32, #tpu.memory_space<hbm>>
      %dma_start3A_79 = tpu.memref_slice %arg3[%add3A_61] : memref<320000xi32, #tpu.memory_space<hbm>> -> memref<16xi32, #tpu.memory_space<hbm>>
      tpu.enqueue_dma source(%dma_start3A_79 : memref<16xi32, #tpu.memory_space<hbm>>) target(%arg17 : memref<16xi32, #tpu.memory_space<vmem>>) target_semaphore(%run_scoped3A : memref<!tpu.dma_semaphore, #tpu.memory_space<semaphore_mem>>)
      %dma_wait3A_80 = tpu.memref_slice %arg3[%add3A_61] : memref<320000xi32, #tpu.memory_space<hbm>> -> memref<16xi32, #tpu.memory_space<hbm>>
      %dma_wait3A_81 = tpu.memref_slice %arg3[%add3A_61] : memref<320000xi32, #tpu.memory_space<hbm>> -> memref<16xi32, #tpu.memory_space<hbm>>
      tpu.wait_dma2 semaphore(%run_scoped3A : memref<!tpu.dma_semaphore, #tpu.memory_space<semaphore_mem>>) src(%dma_wait3A_81 : memref<16xi32, #tpu.memory_space<hbm>>) dst(%arg17 : memref<16xi32, #tpu.memory_space<vmem>>)
      tpu.yield
    }) : () -> ()
    "tpu.region"() ({
      %run_scoped3A = tpu.sem_alloc : memref<!tpu.dma_semaphore, #tpu.memory_space<semaphore_mem>>
      %dma_start3A_78 = tpu.memref_slice %arg4[%add3A_61] : memref<320000xi32, #tpu.memory_space<hbm>> -> memref<16xi32, #tpu.memory_space<hbm>>
      %dma_start3A_79 = tpu.memref_slice %arg4[%add3A_61] : memref<320000xi32, #tpu.memory_space<hbm>> -> memref<16xi32, #tpu.memory_space<hbm>>
      tpu.enqueue_dma source(%dma_start3A_79 : memref<16xi32, #tpu.memory_space<hbm>>) target(%arg18 : memref<16xi32, #tpu.memory_space<vmem>>) target_semaphore(%run_scoped3A : memref<!tpu.dma_semaphore, #tpu.memory_space<semaphore_mem>>)
      %dma_wait3A_80 = tpu.memref_slice %arg4[%add3A_61] : memref<320000xi32, #tpu.memory_space<hbm>> -> memref<16xi32, #tpu.memory_space<hbm>>
      %dma_wait3A_81 = tpu.memref_slice %arg4[%add3A_61] : memref<320000xi32, #tpu.memory_space<hbm>> -> memref<16xi32, #tpu.memory_space<hbm>>
      tpu.wait_dma2 semaphore(%run_scoped3A : memref<!tpu.dma_semaphore, #tpu.memory_space<semaphore_mem>>) src(%dma_wait3A_81 : memref<16xi32, #tpu.memory_space<hbm>>) dst(%arg18 : memref<16xi32, #tpu.memory_space<vmem>>)
      tpu.yield
    }) : () -> ()
    %dma_start3A_62 = arith.constant 0 : i32
    %dma_start3A_63 = arith.constant 0 : i32
    %dma_start3A_64 = tpu.memref_slice %arg15[%dma_start3A_62, %dma_start3A_63] : memref<128x128xf32, #tpu.memory_space<vmem>> -> memref<16x128xf32, #tpu.memory_space<vmem>>
    %dma_start3A_65 = arith.constant 0 : i32
    %dma_start3A_66 = arith.constant 0 : i32
    %dma_start3A_67 = tpu.memref_slice %arg2[%dma_start3A_65, %dma_start3A_66] : memref<10000x128xf32, #tpu.memory_space<hbm>> -> memref<10000x128xf32, #tpu.memory_space<hbm>>
    tpu.enqueue_indirect_dma source(%dma_start3A_67 : memref<10000x128xf32, #tpu.memory_space<hbm>>) target(%dma_start3A_64 : memref<16x128xf32, #tpu.memory_space<vmem>>) offsets(%arg17 : memref<16xi32, #tpu.memory_space<vmem>>) semaphore(%arg24 : memref<!tpu.dma_semaphore, #tpu.memory_space<semaphore_mem>>)
    %dma_wait3A_68 = arith.constant 0 : i32
    %dma_wait3A_69 = arith.constant 0 : i32
    %dma_wait3A_70 = tpu.memref_slice %arg15[%dma_wait3A_68, %dma_wait3A_69] : memref<128x128xf32, #tpu.memory_space<vmem>> -> memref<16x128xf32, #tpu.memory_space<vmem>>
    %dma_wait3A_71 = arith.constant 0 : i32
    %dma_wait3A_72 = arith.constant 0 : i32
    %dma_wait3A_73 = tpu.memref_slice %arg2[%dma_wait3A_71, %dma_wait3A_72] : memref<10000x128xf32, #tpu.memory_space<hbm>> -> memref<10000x128xf32, #tpu.memory_space<hbm>>
    tpu.wait_indirect_dma semaphore(%arg24 : memref<!tpu.dma_semaphore, #tpu.memory_space<semaphore_mem>>) src(%dma_wait3A_73 : memref<10000x128xf32, #tpu.memory_space<hbm>>) dst(%dma_wait3A_70 : memref<16x128xf32, #tpu.memory_space<vmem>>)
    "tpu.region"() ({
      %run_scoped3A = tpu.sem_alloc : memref<!tpu.dma_semaphore, #tpu.memory_space<semaphore_mem>>
      %dma_start3A_78 = arith.constant 0 : i32
      %dma_start3A_79 = arith.constant 0 : i32
      %dma_start3A_80 = tpu.memref_slice %arg15[%dma_start3A_78, %dma_start3A_79] : memref<128x128xf32, #tpu.memory_space<vmem>> -> memref<16x128xf32, #tpu.memory_space<vmem>>
      %dma_start3A_81 = arith.constant 0 : i32
      %dma_start3A_82 = arith.constant 0 : i32
      %dma_start3A_83 = tpu.memref_slice %arg19[%dma_start3A_81, %dma_start3A_82] : memref<10240x128xf32, #tpu.memory_space<vmem_shared>> -> memref<10240x128xf32, #tpu.memory_space<vmem_shared>>
      tpu.enqueue_indirect_dma source(%dma_start3A_80 : memref<16x128xf32, #tpu.memory_space<vmem>>) target(%dma_start3A_83 : memref<10240x128xf32, #tpu.memory_space<vmem_shared>>) offsets(%arg18 : memref<16xi32, #tpu.memory_space<vmem>>) semaphore(%run_scoped3A : memref<!tpu.dma_semaphore, #tpu.memory_space<semaphore_mem>>) {add = true}
      %dma_wait3A_84 = arith.constant 0 : i32
      %dma_wait3A_85 = arith.constant 0 : i32
      %dma_wait3A_86 = tpu.memref_slice %arg15[%dma_wait3A_84, %dma_wait3A_85] : memref<128x128xf32, #tpu.memory_space<vmem>> -> memref<16x128xf32, #tpu.memory_space<vmem>>
      %dma_wait3A_87 = arith.constant 0 : i32
      %dma_wait3A_88 = arith.constant 0 : i32
      %dma_wait3A_89 = tpu.memref_slice %arg19[%dma_wait3A_87, %dma_wait3A_88] : memref<10240x128xf32, #tpu.memory_space<vmem_shared>> -> memref<10240x128xf32, #tpu.memory_space<vmem_shared>>
      tpu.wait_indirect_dma semaphore(%run_scoped3A : memref<!tpu.dma_semaphore, #tpu.memory_space<semaphore_mem>>) src(%dma_wait3A_86 : memref<16x128xf32, #tpu.memory_space<vmem>>) dst(%dma_wait3A_89 : memref<10240x128xf32, #tpu.memory_space<vmem_shared>>)
      tpu.yield
    }) : () -> ()
    %barrier3A_74 = arith.constant 0 : index
    tpu.barrier barrier_id(%barrier3A_74)
    %mul3A_75 = arith.constant 10240 : i32
    %mul3A_76 = arith.muli %arg0, %mul3A_75 : i32
    %add3A_77 = arith.addi %mul3A_76, %mul3A_2 : i32
    "tpu.region"() ({
      %run_scoped3A = tpu.sem_alloc : memref<!tpu.dma_semaphore, #tpu.memory_space<semaphore_mem>>
      %dma_start3A_78 = arith.constant 0 : i32
      %dma_start3A_79 = tpu.memref_slice %arg6[%add3A_77, %dma_start3A_78] : memref<20480x128xf32, #tpu.memory_space<hbm>> -> memref<640x128xf32, #tpu.memory_space<hbm>>
      %dma_start3A_80 = arith.constant 0 : i32
      %dma_start3A_81 = tpu.memref_slice %arg19[%mul3A_2, %dma_start3A_80] : memref<10240x128xf32, #tpu.memory_space<vmem_shared>> -> memref<640x128xf32, #tpu.memory_space<vmem_shared>>
      tpu.enqueue_dma source(%dma_start3A_81 : memref<640x128xf32, #tpu.memory_space<vmem_shared>>) target(%dma_start3A_79 : memref<640x128xf32, #tpu.memory_space<hbm>>) target_semaphore(%run_scoped3A : memref<!tpu.dma_semaphore, #tpu.memory_space<semaphore_mem>>)
      %dma_wait3A_82 = arith.constant 0 : i32
      %dma_wait3A_83 = tpu.memref_slice %arg6[%add3A_77, %dma_wait3A_82] : memref<20480x128xf32, #tpu.memory_space<hbm>> -> memref<640x128xf32, #tpu.memory_space<hbm>>
      %dma_wait3A_84 = arith.constant 0 : i32
      %dma_wait3A_85 = tpu.memref_slice %arg19[%mul3A_2, %dma_wait3A_84] : memref<10240x128xf32, #tpu.memory_space<vmem_shared>> -> memref<640x128xf32, #tpu.memory_space<vmem_shared>>
      tpu.wait_dma2 semaphore(%run_scoped3A : memref<!tpu.dma_semaphore, #tpu.memory_space<semaphore_mem>>) src(%dma_wait3A_85 : memref<640x128xf32, #tpu.memory_space<vmem_shared>>) dst(%dma_wait3A_83 : memref<640x128xf32, #tpu.memory_space<hbm>>)
      tpu.yield
    }) : () -> ()
    return
  }
}

module attributes {stable_mosaic.version = 14 : i64} {
  func.func @_combine_body(%arg0: i32, %arg1: memref<2x1000x128xf32, #tpu.memory_space<vmem>>, %arg2: memref<1000x128xf32, #tpu.memory_space<vmem>>, %arg3: memref<128x128xf32, #tpu.memory_space<vmem>>, %arg4: memref<128x128xf32, #tpu.memory_space<vmem>>, %arg5: memref<1x128xf32, #tpu.memory_space<vmem>>, %arg6: memref<1000x128xf32, #tpu.memory_space<vmem>>) attributes {dimension_semantics = [#tpu.dimension_semantics<arbitrary>], iteration_bounds = array<i64: 10>, scalar_prefetch = 0 : i64, scratch_operands = 0 : i64, tpu.core_type = #tpu.core_type<tc>, window_params = [{transform_indices = @transform_0, window_bounds = array<i64: 2, 1000, 128>}, {transform_indices = @transform_1, window_bounds = array<i64: 1000, 128>}, {pipeline_mode = #tpu.pipeline_mode<synchronous>, transform_indices = @transform_2, window_bounds = array<i64: 128, 128>}, {pipeline_mode = #tpu.pipeline_mode<synchronous>, transform_indices = @transform_3, window_bounds = array<i64: 128, 128>}, {pipeline_mode = #tpu.pipeline_mode<synchronous>, transform_indices = @transform_4, window_bounds = array<i64: 1, 128>}, {transform_indices = @transform_5, window_bounds = array<i64: 1000, 128>}]} {
    %get3A = arith.constant 0 : index
    %get3A_0 = arith.constant 0 : index
    %get3A_1 = arith.constant 0 : index
    %get3A_2 = vector.load %arg1[%get3A, %get3A_0, %get3A_1] : memref<2x1000x128xf32, #tpu.memory_space<vmem>>, vector<1x1000x128xf32>
    %get3A_3 = vector.shape_cast %get3A_2 : vector<1x1000x128xf32> to vector<1000x128xf32>
    %get3A_4 = arith.constant 1 : index
    %get3A_5 = arith.constant 0 : index
    %get3A_6 = arith.constant 0 : index
    %get3A_7 = vector.load %arg1[%get3A_4, %get3A_5, %get3A_6] : memref<2x1000x128xf32, #tpu.memory_space<vmem>>, vector<1x1000x128xf32>
    %get3A_8 = vector.shape_cast %get3A_7 : vector<1x1000x128xf32> to vector<1000x128xf32>
    %add3A = arith.addf %get3A_3, %get3A_8 : vector<1000x128xf32>
    %get3A_9 = arith.constant 0 : index
    %get3A_10 = arith.constant 0 : index
    %get3A_11 = vector.load %arg3[%get3A_9, %get3A_10] : memref<128x128xf32, #tpu.memory_space<vmem>>, vector<128x128xf32>
    %dot_general3A = arith.constant dense<0.000000e+00> : vector<1000x128xf32>
    %dot_general3A_12 = tpu.matmul %add3A, %get3A_11, %dot_general3A {dimension_numbers = #tpu.dot_dimension_numbers<[1], [0], [0], [1], [0, 0, 1, 1], [], []>, transpose_lhs_hint = false} : vector<1000x128xf32>, vector<128x128xf32>, vector<1000x128xf32> -> vector<1000x128xf32>
    %get3A_13 = arith.constant 0 : index
    %get3A_14 = arith.constant 0 : index
    %get3A_15 = vector.load %arg2[%get3A_13, %get3A_14] : memref<1000x128xf32, #tpu.memory_space<vmem>>, vector<1000x128xf32>
    %get3A_16 = arith.constant 0 : index
    %get3A_17 = arith.constant 0 : index
    %get3A_18 = vector.load %arg4[%get3A_16, %get3A_17] : memref<128x128xf32, #tpu.memory_space<vmem>>, vector<128x128xf32>
    %dot_general3A_19 = arith.constant dense<0.000000e+00> : vector<1000x128xf32>
    %dot_general3A_20 = tpu.matmul %get3A_15, %get3A_18, %dot_general3A_19 {dimension_numbers = #tpu.dot_dimension_numbers<[1], [0], [0], [1], [0, 0, 1, 1], [], []>, transpose_lhs_hint = false} : vector<1000x128xf32>, vector<128x128xf32>, vector<1000x128xf32> -> vector<1000x128xf32>
    %add3A_21 = arith.addf %dot_general3A_12, %dot_general3A_20 : vector<1000x128xf32>
    %get3A_22 = arith.constant 0 : index
    %get3A_23 = arith.constant 0 : index
    %get3A_24 = vector.load %arg5[%get3A_22, %get3A_23] : memref<1x128xf32, #tpu.memory_space<vmem>>, vector<1x128xf32>
    %add3A_25 = vector.broadcast %get3A_24 : vector<1x128xf32> to vector<1000x128xf32>
    %add3A_26 = arith.addf %add3A_21, %add3A_25 : vector<1000x128xf32>
    %max3A = arith.constant 0.000000e+00 : f32
    %max3A_27 = vector.broadcast %max3A : f32 to vector<1000x128xf32>
    %max3A_28 = arith.maximumf %add3A_26, %max3A_27 : vector<1000x128xf32>
    %swap3A = arith.constant 0 : index
    %swap3A_29 = arith.constant 0 : index
    %swap3A_30 = vector.load %arg6[%swap3A, %swap3A_29] : memref<1000x128xf32, #tpu.memory_space<vmem>>, vector<1000x128xf32>
    tpu.vector_store %arg6[%swap3A, %swap3A_29], %max3A_28 {strides = array<i32>} : memref<1000x128xf32, #tpu.memory_space<vmem>>, vector<1000x128xf32>,
    return
  }
  func.func @transform_0(%arg0: i32) -> (i32, i32, i32) {
    %c0_i32 = arith.constant 0 : i32
    %c0_i32_0 = arith.constant 0 : i32
    %c0_i32_1 = arith.constant 0 : i32
    return %c0_i32, %arg0, %c0_i32_0 : i32, i32, i32
  }
  func.func @transform_1(%arg0: i32) -> (i32, i32) {
    %c0_i32 = arith.constant 0 : i32
    %c0_i32_0 = arith.constant 0 : i32
    return %arg0, %c0_i32 : i32, i32
  }
  func.func @transform_2(%arg0: i32) -> (i32, i32) {
    %c0_i32 = arith.constant 0 : i32
    %c0_i32_0 = arith.constant 0 : i32
    %c0_i32_1 = arith.constant 0 : i32
    return %c0_i32, %c0_i32_0 : i32, i32
  }
  func.func @transform_3(%arg0: i32) -> (i32, i32) {
    %c0_i32 = arith.constant 0 : i32
    %c0_i32_0 = arith.constant 0 : i32
    %c0_i32_1 = arith.constant 0 : i32
    return %c0_i32, %c0_i32_0 : i32, i32
  }
  func.func @transform_4(%arg0: i32) -> (i32, i32) {
    %c0_i32 = arith.constant 0 : i32
    %c0_i32_0 = arith.constant 0 : i32
    %c0_i32_1 = arith.constant 0 : i32
    return %c0_i32, %c0_i32_0 : i32, i32
  }
  func.func @transform_5(%arg0: i32) -> (i32, i32) {
    %c0_i32 = arith.constant 0 : i32
    %c0_i32_0 = arith.constant 0 : i32
    return %arg0, %c0_i32 : i32, i32
  }
}

module attributes {stable_mosaic.version = 14 : i64} {
  func.func @_final_body(%arg0: i32, %arg1: memref<2x1000x128xf32, #tpu.memory_space<vmem>>, %arg2: memref<1000x128xf32, #tpu.memory_space<vmem>>, %arg3: memref<128x128xf32, #tpu.memory_space<vmem>>, %arg4: memref<128x128xf32, #tpu.memory_space<vmem>>, %arg5: memref<1x128xf32, #tpu.memory_space<vmem>>, %arg6: memref<1x1x1000xi32, #tpu.memory_space<vmem>>, %arg7: memref<128x128xf32, #tpu.memory_space<vmem>>, %arg8: memref<1x128xf32, #tpu.memory_space<vmem>>, %arg9: memref<64x128xf32, #tpu.memory_space<vmem>>, %arg10: memref<64x128xf32, #tpu.memory_space<vmem>>, %arg11: memref<64x128xf32, #tpu.memory_space<vmem>>) attributes {dimension_semantics = [#tpu.dimension_semantics<arbitrary>], iteration_bounds = array<i64: 10>, scalar_prefetch = 0 : i64, scratch_operands = 2 : i64, tpu.core_type = #tpu.core_type<tc>, window_params = [{transform_indices = @transform_0, window_bounds = array<i64: 2, 1000, 128>}, {transform_indices = @transform_1, window_bounds = array<i64: 1000, 128>}, {pipeline_mode = #tpu.pipeline_mode<synchronous>, transform_indices = @transform_2, window_bounds = array<i64: 128, 128>}, {pipeline_mode = #tpu.pipeline_mode<synchronous>, transform_indices = @transform_3, window_bounds = array<i64: 128, 128>}, {pipeline_mode = #tpu.pipeline_mode<synchronous>, transform_indices = @transform_4, window_bounds = array<i64: 1, 128>}, {transform_indices = @transform_5, window_bounds = array<i64: 1, 1, 1000>}, {pipeline_mode = #tpu.pipeline_mode<synchronous>, transform_indices = @transform_6, window_bounds = array<i64: 128, 128>}, {pipeline_mode = #tpu.pipeline_mode<synchronous>, transform_indices = @transform_7, window_bounds = array<i64: 1, 128>}, {pipeline_mode = #tpu.pipeline_mode<synchronous>, transform_indices = @transform_8, window_bounds = array<i64: 64, 128>}]} {
    %eq3A = arith.constant 0 : i32
    %eq3A_0 = arith.cmpi eq, %arg0, %eq3A : i32
    %convert_element_type3A = arith.extui %eq3A_0 : i1 to i32
    %cond3A = arith.constant 0 : i32
    %cond3A_1 = arith.cmpi ne, %convert_element_type3A, %cond3A : i32
    scf.if %cond3A_1 {
      %broadcast_in_dim3A_60 = arith.constant 0.000000e+00 : f32
      %broadcast_in_dim3A_61 = vector.broadcast %broadcast_in_dim3A_60 : f32 to vector<64x128xf32>
      %swap3A_62 = arith.constant 0 : index
      %swap3A_63 = arith.constant 0 : index
      %swap3A_64 = vector.load %arg10[%swap3A_62, %swap3A_63] : memref<64x128xf32, #tpu.memory_space<vmem>>, vector<64x128xf32>
      tpu.vector_store %arg10[%swap3A_62, %swap3A_63], %broadcast_in_dim3A_61 {strides = array<i32>} : memref<64x128xf32, #tpu.memory_space<vmem>>, vector<64x128xf32>,
      %broadcast_in_dim3A_65 = arith.constant 0.000000e+00 : f32
      %broadcast_in_dim3A_66 = vector.broadcast %broadcast_in_dim3A_65 : f32 to vector<64x128xf32>
      %swap3A_67 = arith.constant 0 : index
      %swap3A_68 = arith.constant 0 : index
      %swap3A_69 = vector.load %arg11[%swap3A_67, %swap3A_68] : memref<64x128xf32, #tpu.memory_space<vmem>>, vector<64x128xf32>
      tpu.vector_store %arg11[%swap3A_67, %swap3A_68], %broadcast_in_dim3A_66 {strides = array<i32>} : memref<64x128xf32, #tpu.memory_space<vmem>>, vector<64x128xf32>,
    } else {
    }
    %get3A = arith.constant 0 : index
    %get3A_2 = arith.constant 0 : index
    %get3A_3 = arith.constant 0 : index
    %get3A_4 = vector.load %arg1[%get3A, %get3A_2, %get3A_3] : memref<2x1000x128xf32, #tpu.memory_space<vmem>>, vector<1x1000x128xf32>
    %get3A_5 = vector.shape_cast %get3A_4 : vector<1x1000x128xf32> to vector<1000x128xf32>
    %get3A_6 = arith.constant 1 : index
    %get3A_7 = arith.constant 0 : index
    %get3A_8 = arith.constant 0 : index
    %get3A_9 = vector.load %arg1[%get3A_6, %get3A_7, %get3A_8] : memref<2x1000x128xf32, #tpu.memory_space<vmem>>, vector<1x1000x128xf32>
    %get3A_10 = vector.shape_cast %get3A_9 : vector<1x1000x128xf32> to vector<1000x128xf32>
    %add3A = arith.addf %get3A_5, %get3A_10 : vector<1000x128xf32>
    %get3A_11 = arith.constant 0 : index
    %get3A_12 = arith.constant 0 : index
    %get3A_13 = vector.load %arg3[%get3A_11, %get3A_12] : memref<128x128xf32, #tpu.memory_space<vmem>>, vector<128x128xf32>
    %dot_general3A = arith.constant dense<0.000000e+00> : vector<1000x128xf32>
    %dot_general3A_14 = tpu.matmul %add3A, %get3A_13, %dot_general3A {dimension_numbers = #tpu.dot_dimension_numbers<[1], [0], [0], [1], [0, 0, 1, 1], [], []>, transpose_lhs_hint = false} : vector<1000x128xf32>, vector<128x128xf32>, vector<1000x128xf32> -> vector<1000x128xf32>
    %get3A_15 = arith.constant 0 : index
    %get3A_16 = arith.constant 0 : index
    %get3A_17 = vector.load %arg2[%get3A_15, %get3A_16] : memref<1000x128xf32, #tpu.memory_space<vmem>>, vector<1000x128xf32>
    %get3A_18 = arith.constant 0 : index
    %get3A_19 = arith.constant 0 : index
    %get3A_20 = vector.load %arg4[%get3A_18, %get3A_19] : memref<128x128xf32, #tpu.memory_space<vmem>>, vector<128x128xf32>
    %dot_general3A_21 = arith.constant dense<0.000000e+00> : vector<1000x128xf32>
    %dot_general3A_22 = tpu.matmul %get3A_17, %get3A_20, %dot_general3A_21 {dimension_numbers = #tpu.dot_dimension_numbers<[1], [0], [0], [1], [0, 0, 1, 1], [], []>, transpose_lhs_hint = false} : vector<1000x128xf32>, vector<128x128xf32>, vector<1000x128xf32> -> vector<1000x128xf32>
    %add3A_23 = arith.addf %dot_general3A_14, %dot_general3A_22 : vector<1000x128xf32>
    %get3A_24 = arith.constant 0 : index
    %get3A_25 = arith.constant 0 : index
    %get3A_26 = vector.load %arg5[%get3A_24, %get3A_25] : memref<1x128xf32, #tpu.memory_space<vmem>>, vector<1x128xf32>
    %add3A_27 = vector.broadcast %get3A_26 : vector<1x128xf32> to vector<1000x128xf32>
    %add3A_28 = arith.addf %add3A_23, %add3A_27 : vector<1000x128xf32>
    %get3A_29 = arith.constant 0 : index
    %get3A_30 = arith.constant 0 : index
    %get3A_31 = arith.constant 0 : index
    %get3A_32 = vector.load %arg6[%get3A_29, %get3A_30, %get3A_31] : memref<1x1x1000xi32, #tpu.memory_space<vmem>>, vector<1x1x1000xi32>
    %get3A_33 = vector.shape_cast %get3A_32 : vector<1x1x1000xi32> to vector<1x1000xi32>
    %iota3A = tpu.iota {dimensions = array<i32: 0>} : vector<64x1000xi32>
    %eq3A_34 = vector.broadcast %get3A_33 : vector<1x1000xi32> to vector<64x1000xi32>
    %eq3A_35 = arith.cmpi eq, %iota3A, %eq3A_34 : vector<64x1000xi32>
    %convert_element_type3A_36 = arith.extui %eq3A_35 : vector<64x1000xi1> to vector<64x1000xi32>
    %convert_element_type3A_37 = arith.sitofp %convert_element_type3A_36 : vector<64x1000xi32> to vector<64x1000xf32>
    %get3A_38 = arith.constant 0 : index
    %get3A_39 = arith.constant 0 : index
    %get3A_40 = vector.load %arg10[%get3A_38, %get3A_39] : memref<64x128xf32, #tpu.memory_space<vmem>>, vector<64x128xf32>
    %dot_general3A_41 = arith.constant dense<0.000000e+00> : vector<64x128xf32>
    %dot_general3A_42 = tpu.matmul %convert_element_type3A_37, %add3A_28, %dot_general3A_41 {dimension_numbers = #tpu.dot_dimension_numbers<[1], [0], [0], [1], [0, 0, 1, 1], [], []>, precision = #tpu.contract_precision<fp32>, transpose_lhs_hint = false} : vector<64x1000xf32>, vector<1000x128xf32>, vector<64x128xf32> -> vector<64x128xf32>
    %add3A_43 = arith.addf %get3A_40, %dot_general3A_42 : vector<64x128xf32>
    %swap3A = arith.constant 0 : index
    %swap3A_44 = arith.constant 0 : index
    %swap3A_45 = vector.load %arg10[%swap3A, %swap3A_44] : memref<64x128xf32, #tpu.memory_space<vmem>>, vector<64x128xf32>
    tpu.vector_store %arg10[%swap3A, %swap3A_44], %add3A_43 {strides = array<i32>} : memref<64x128xf32, #tpu.memory_space<vmem>>, vector<64x128xf32>,
    %get3A_46 = arith.constant 0 : index
    %get3A_47 = arith.constant 0 : index
    %get3A_48 = vector.load %arg11[%get3A_46, %get3A_47] : memref<64x128xf32, #tpu.memory_space<vmem>>, vector<64x128xf32>
    %reduce_sum3A = arith.constant dense<0.000000e+00> : vector<64xf32>
    %reduce_sum3A_49 = vector.multi_reduction <add>, %convert_element_type3A_37, %reduce_sum3A [1] : vector<64x1000xf32> to vector<64xf32>
    %broadcast_in_dim3A = vector.shape_cast %reduce_sum3A_49 : vector<64xf32> to vector<64x1xf32>
    %add3A_50 = vector.broadcast %broadcast_in_dim3A : vector<64x1xf32> to vector<64x128xf32>
    %add3A_51 = arith.addf %get3A_48, %add3A_50 : vector<64x128xf32>
    %swap3A_52 = arith.constant 0 : index
    %swap3A_53 = arith.constant 0 : index
    %swap3A_54 = vector.load %arg11[%swap3A_52, %swap3A_53] : memref<64x128xf32, #tpu.memory_space<vmem>>, vector<64x128xf32>
    tpu.vector_store %arg11[%swap3A_52, %swap3A_53], %add3A_51 {strides = array<i32>} : memref<64x128xf32, #tpu.memory_space<vmem>>, vector<64x128xf32>,
    %eq3A_55 = arith.constant 9 : i32
    %eq3A_56 = arith.cmpi eq, %arg0, %eq3A_55 : i32
    %convert_element_type3A_57 = arith.extui %eq3A_56 : i1 to i32
    %cond3A_58 = arith.constant 0 : i32
    %cond3A_59 = arith.cmpi ne, %convert_element_type3A_57, %cond3A_58 : i32
    scf.if %cond3A_59 {
      %get3A_60 = arith.constant 0 : index
      %get3A_61 = arith.constant 0 : index
      %get3A_62 = vector.load %arg10[%get3A_60, %get3A_61] : memref<64x128xf32, #tpu.memory_space<vmem>>, vector<64x128xf32>
      %get3A_63 = arith.constant 0 : index
      %get3A_64 = arith.constant 0 : index
      %get3A_65 = vector.load %arg11[%get3A_63, %get3A_64] : memref<64x128xf32, #tpu.memory_space<vmem>>, vector<64x128xf32>
      %max3A = arith.constant 1.000000e+00 : f32
      %max3A_66 = vector.broadcast %max3A : f32 to vector<64x128xf32>
      %max3A_67 = arith.maximumf %get3A_65, %max3A_66 : vector<64x128xf32>
      %div3A = arith.divf %get3A_62, %max3A_67 : vector<64x128xf32>
      %get3A_68 = arith.constant 0 : index
      %get3A_69 = arith.constant 0 : index
      %get3A_70 = vector.load %arg7[%get3A_68, %get3A_69] : memref<128x128xf32, #tpu.memory_space<vmem>>, vector<128x128xf32>
      %dot_general3A_71 = arith.constant dense<0.000000e+00> : vector<64x128xf32>
      %dot_general3A_72 = tpu.matmul %div3A, %get3A_70, %dot_general3A_71 {dimension_numbers = #tpu.dot_dimension_numbers<[1], [0], [0], [1], [0, 0, 1, 1], [], []>, transpose_lhs_hint = false} : vector<64x128xf32>, vector<128x128xf32>, vector<64x128xf32> -> vector<64x128xf32>
      %get3A_73 = arith.constant 0 : index
      %get3A_74 = arith.constant 0 : index
      %get3A_75 = vector.load %arg8[%get3A_73, %get3A_74] : memref<1x128xf32, #tpu.memory_space<vmem>>, vector<1x128xf32>
      %add3A_76 = vector.broadcast %get3A_75 : vector<1x128xf32> to vector<64x128xf32>
      %add3A_77 = arith.addf %dot_general3A_72, %add3A_76 : vector<64x128xf32>
      %swap3A_78 = arith.constant 0 : index
      %swap3A_79 = arith.constant 0 : index
      %swap3A_80 = vector.load %arg9[%swap3A_78, %swap3A_79] : memref<64x128xf32, #tpu.memory_space<vmem>>, vector<64x128xf32>
      tpu.vector_store %arg9[%swap3A_78, %swap3A_79], %add3A_77 {strides = array<i32>} : memref<64x128xf32, #tpu.memory_space<vmem>>, vector<64x128xf32>,
    } else {
    }
    return
  }
  func.func @transform_0(%arg0: i32) -> (i32, i32, i32) {
    %c0_i32 = arith.constant 0 : i32
    %c0_i32_0 = arith.constant 0 : i32
    %c0_i32_1 = arith.constant 0 : i32
    return %c0_i32, %arg0, %c0_i32_0 : i32, i32, i32
  }
  func.func @transform_1(%arg0: i32) -> (i32, i32) {
    %c0_i32 = arith.constant 0 : i32
    %c0_i32_0 = arith.constant 0 : i32
    return %arg0, %c0_i32 : i32, i32
  }
  func.func @transform_2(%arg0: i32) -> (i32, i32) {
    %c0_i32 = arith.constant 0 : i32
    %c0_i32_0 = arith.constant 0 : i32
    %c0_i32_1 = arith.constant 0 : i32
    return %c0_i32, %c0_i32_0 : i32, i32
  }
  func.func @transform_3(%arg0: i32) -> (i32, i32) {
    %c0_i32 = arith.constant 0 : i32
    %c0_i32_0 = arith.constant 0 : i32
    %c0_i32_1 = arith.constant 0 : i32
    return %c0_i32, %c0_i32_0 : i32, i32
  }
  func.func @transform_4(%arg0: i32) -> (i32, i32) {
    %c0_i32 = arith.constant 0 : i32
    %c0_i32_0 = arith.constant 0 : i32
    %c0_i32_1 = arith.constant 0 : i32
    return %c0_i32, %c0_i32_0 : i32, i32
  }
  func.func @transform_5(%arg0: i32) -> (i32, i32, i32) {
    %c0_i32 = arith.constant 0 : i32
    %c0_i32_0 = arith.constant 0 : i32
    %c0_i32_1 = arith.constant 0 : i32
    return %arg0, %c0_i32, %c0_i32_0 : i32, i32, i32
  }
  func.func @transform_6(%arg0: i32) -> (i32, i32) {
    %c0_i32 = arith.constant 0 : i32
    %c0_i32_0 = arith.constant 0 : i32
    %c0_i32_1 = arith.constant 0 : i32
    return %c0_i32, %c0_i32_0 : i32, i32
  }
  func.func @transform_7(%arg0: i32) -> (i32, i32) {
    %c0_i32 = arith.constant 0 : i32
    %c0_i32_0 = arith.constant 0 : i32
    %c0_i32_1 = arith.constant 0 : i32
    return %c0_i32, %c0_i32_0 : i32, i32
  }
  func.func @transform_8(%arg0: i32) -> (i32, i32) {
    %c0_i32 = arith.constant 0 : i32
    %c0_i32_0 = arith.constant 0 : i32
    %c0_i32_1 = arith.constant 0 : i32
    return %c0_i32, %c0_i32_0 : i32, i32
  }
}

</mosaic_0001>

<sc_bundles>
// kernel: kernel.11.cloned.1.call-start
scs
__scs_entry_jumppad:
0x0: {  	(pc) =	sbr.rel $0x88, $3  }
0x1: {  	(tag) =	ssettag $0x0;
	lr =	simm.s32 $0x1  }
0x2: {  	[smem:$0x3F93] =	sst lr;
	_ =	strace $0xD0000000  }
0x3: {  	_ = 	snop  }
0x4: {  	_ = 	snop  }
0x5: {  	_ = 	snop  }
0x6: {  	_ = 	snop  }
0x7: {  	_ = 	snop  }
__scs_overlays_trampoline_lowered:
0x8: {  	[smem:$0x3FA2] =	sst s0  }
0x9: {  	[smem:$0x3FA3] =	sst s1  }
0xa: {  	[smem:$0x3FA4] =	sst s2  }
0xb: {  	[smem:$0x3FA5] =	sst s3  }
0xc: {  	[smem:$0x3FA6] =	sst s4  }
0xd: {  	[smem:$0x3FA7] =	sst s5  }
0xe: {  	[smem:$0x3FA8] =	sst s6  }
0xf: {  	[smem:$0x3FA9] =	sst s7  }
0x10: {  	[smem:$0x3FAA] =	sst s8  }
0x11: {  	[smem:$0x3FAB] =	sst s9;
	s0 =	simm.s32 @!p0 $0x0  }
0x12: {  	s1 =	sld [smem:$0x3F91];
	s0 =	simm.s32 @p0 $0x1  }
0x13: {  	[smem:$0x3FAC] =	sst s0;
	s0 =	simm.s32 @!p1 $0x0  }
0x14: {  	s2 =	sld [smem:$0x3F90];
	s0 =	simm.s32 @p1 $0x1  }
0x15: {  	[smem:$0x3FAD] =	sst s0;
	s0 =	simm.s32 @!p2 $0x0  }
0x16: {  	s3 =	sld [smem:$0x3FDB];
	s0 =	simm.s32 @p2 $0x1  }
0x17: {  	s4 =	simm.s32 $0x1BF5;
	[smem:$0x3FAF] =	sst s0  }
0x18: {  	s0 =	sld [smem:$0x3F92];
	_ =	swait.ge [sflag:s4], $0x0  }
0x19: {  	s7 =	sld [smem:$0x3F93]  }
0x1a: {  	s8 =	sadd.s32 $0xFFFFE003, lr  }
0x1b: {  	s9 =	sadd.s32 $0xFFFFFEF7, lr;
	s5 =	simm.s32 $0xFFFFFFFF;
	p2 =	slt.u32 s8, $0xFFFFF086  }
0x1c: {  	p1 =	slt.u32 s9, $0xF7A;
	s5 =	simm.s32 @!p2 $0x0  }
0x1d: {  	s5 =	simm.s32 @p1 $0x1;
	p0 =	seq.s32 s7, s2  }
0x1e: {  	s7 =	smul.u32 @!p0 $0xF7A, s2;
	p2 =	seq.s32 @!p0 s5, $0x0  }
0x1f: {  	s9 =	smul.u32 $0xF7A, s1;
	s8 =	simm.s32 @!p0 $0x1BF5;
	p2 =	por !p2, p0  }
0x20: {  	[sflag:s8] =	ssyncset.s32 @!p0 $0xFFFFF086;
	s6 =	sadd.s32 @!p0 s3, s7;
	s7 =	simm.s32 @!p0 $0x108  }
0x21: {  	s3 =	sadd.s32 s3, s9;
	s6 =	sadd.s32 @!p0 $0x88, s6;
	s7 =	simm.s32 @p2 $0x1082  }
0x22: {  	[simem:s7], [sflag:s8] =	dma.local @!p0 [hbm:s6], $0xF7A  }
0x23: {  	s9 =	sor.u32 $0xD0000000, s2;
	s6 =	simm.s32 $0x108;
	_ =	swait.ge @!p0 [sflag:s8], $0x0  }
0x24: {  	s3 =	sadd.s32 $0x88, s3;
	s6 =	simm.s32 @!p1 $0x1082;
	[sflag:s4] =	ssyncset.s32 $0xFFFFF086  }
0x25: {  	[simem:s6], [sflag:s4] =	dma.local [hbm:s3], $0xF7A  }
0x26: {  	[smem:$0x3F93] =	sst s1;
	(tag) =	ssettag s2;
	_ =	strace s9  }
0x27: {  	s1 =	sld [smem:$0x3FA3]  }
0x28: {  	s2 =	sld [smem:$0x3FA4]  }
0x29: {  	s4 =	sld [smem:$0x3FA6]  }
0x2a: {  	p0 =	seq.s32 s5, $0x0;
	s5 =	sld [smem:$0x3FA7]  }
0x2b: {  	s6 =	sld [smem:$0x3FA8]  }
0x2c: {  	s7 =	sld [smem:$0x3FA9]  }
0x2d: {  	s3 =	simm.s32 $0x108;
	s8 =	sld [smem:$0x3FAA]  }
0x2e: {  	s3 =	simm.s32 @!p0 $0x1082;
	s9 =	sld [smem:$0x3FAB]  }
0x2f: {  	lr =	sadd.s32 s0, s3;
	s0 =	sld [smem:$0x3FA2]  }
0x30: {  	s3 =	sld [smem:$0x3FA5]  }
0x31: {  	[smem:$0x3FAE] =	sst s10  }
0x32: {  	s10 =	sld [smem:$0x3FAC];
	_ =	sdelay $0x3  }
0x33: {  	p0 =	seq.s32 s10, $0x1;
	s10 =	sld [smem:$0x3FAE];
	_ =	sdelay $0x3  }
0x34: {  	[smem:$0x3FAE] =	sst s10  }
0x35: {  	s10 =	sld [smem:$0x3FAD];
	_ =	sdelay $0x3  }
0x36: {  	p1 =	seq.s32 s10, $0x1;
	s10 =	sld [smem:$0x3FAE];
	_ =	sdelay $0x3  }
0x37: {  	[smem:$0x3FAE] =	sst s10  }
0x38: {  	s10 =	sld [smem:$0x3FAF]  }
0x39: {  	_ = 	snop;
	(pc) =	sbr.ind lr, $3  }
0x3a: {  	_ = 	snop  }
0x3b: {  	_ = 	snop  }
0x3c: {  	p2 =	seq.s32 s10, $0x1;
	s10 =	sld [smem:$0x3FAE]  }
0x3d: {  	_ =	shalt  }
0x3e: {  	_ =	shalt  }
0x3f: {  	_ =	shalt  }
0x40: {  	_ =	shalt  }
0x41: {  	_ =	shalt  }
0x42: {  	_ =	shalt  }
0x43: {  	_ =	shalt  }
0x44: {  	_ =	shalt  }
0x45: {  	_ =	shalt  }
0x46: {  	_ =	shalt  }
0x47: {  	_ =	shalt  }
0x48: {  	_ =	shalt  }
0x49: {  	_ =	shalt  }
0x4a: {  	_ =	shalt  }
0x4b: {  	_ =	shalt  }
0x4c: {  	_ =	shalt  }
0x4d: {  	_ =	shalt  }
0x4e: {  	_ =	shalt  }
0x4f: {  	_ =	shalt  }
0x50: {  	_ =	shalt  }
0x51: {  	_ =	shalt  }
0x52: {  	_ =	shalt  }
0x53: {  	_ =	shalt  }
0x54: {  	_ =	shalt  }
0x55: {  	_ =	shalt  }
0x56: {  	_ =	shalt  }
0x57: {  	_ =	shalt  }
0x58: {  	_ =	shalt  }
0x59: {  	_ =	shalt  }
0x5a: {  	_ =	shalt  }
0x5b: {  	_ =	shalt  }
0x5c: {  	_ =	shalt  }
0x5d: {  	_ =	shalt  }
0x5e: {  	_ =	shalt  }
0x5f: {  	_ =	shalt  }
0x60: {  	_ =	shalt  }
0x61: {  	_ =	shalt  }
0x62: {  	_ =	shalt  }
0x63: {  	_ =	shalt  }
0x64: {  	_ =	shalt  }
0x65: {  	_ =	shalt  }
0x66: {  	_ =	shalt  }
0x67: {  	_ =	shalt  }
0x68: {  	_ =	shalt  }
0x69: {  	_ =	shalt  }
0x6a: {  	_ =	shalt  }
0x6b: {  	_ =	shalt  }
0x6c: {  	_ =	shalt  }
0x6d: {  	_ =	shalt  }
0x6e: {  	_ =	shalt  }
0x6f: {  	_ =	shalt  }
0x70: {  	_ =	shalt  }
0x71: {  	_ =	shalt  }
0x72: {  	_ =	shalt  }
0x73: {  	_ =	shalt  }
0x74: {  	_ =	shalt  }
0x75: {  	_ =	shalt  }
0x76: {  	_ =	shalt  }
0x77: {  	_ =	shalt  }
0x78: {  	_ =	shalt  }
0x79: {  	_ =	shalt  }
0x7a: {  	_ =	shalt  }
0x7b: {  	_ =	shalt  }
0x7c: {  	_ =	shalt  }
0x7d: {  	_ =	shalt  }
0x7e: {  	_ =	shalt  }
0x7f: {  	_ =	shalt  }
0x80: {  	_ =	shalt  }
0x81: {  	_ =	shalt  }
0x82: {  	_ =	shalt  }
0x83: {  	_ =	shalt  }
0x84: {  	_ =	shalt  }
0x85: {  	_ =	shalt  }
0x86: {  	_ =	shalt  }
0x87: {  	_ =	shalt  }
.Lfunc_end0:
.L_simem_size_0:
called_computation.1_lowered:
.L_overlay_start_0:
0x88: {  	s2 =	sld [smem:$0x3FD9]  }
0x89: {  	s3 =	sld [smem:$0x3FFE];
	_ =	sdelay $0x1  }
0x8a: {  	s1 =	srdreg.scid  }
0x8b: {  	s0 =	sand.u32 $0x1, s1  }
0x8c: {  	s16 =	sshll.u32 s0, $0xA;
	s2 =	sadd.s32 s3, s2  }
0x8d: {  	s2 =	sadd.s32 s2, s16  }
0x8e: {  	[smem:$0x3FBA] =	sst s2  }
0x8f: {  	_ = 	snop  }
0x90: {  	(tm) =	ssettm $0x1  }
0x91: {  	s17 =	sld [smem:$0x3FFB];
	_ =	sdelay $0x3  }
0x92: {  	_ =	strace s17  }
0x93: {  	s2 =	sld [smem:$0x3FFC];
	_ =	sdelay $0x3  }
0x94: {  	_ =	strace s2  }
0x95: {  	s2 =	sld [smem:$0x3FFD];
	_ =	sdelay $0x3  }
0x96: {  	_ =	strace s2  }
0x97: {  	_ =	strace $0x8FFFFFFF  }
0x98: {  	s18 =	sld [smem:$0x3FDB];
	_ =	sdelay $0x1  }
0x99: {  	s19 =	simm.s32 $_scs_section_size  }
0x9a: {  	s4 =	simm.s32 $_size__tile_overlayer_lowered;
	s5 =	simm.s32 $_tile_overlayer_lowered  }
0x9b: {  	s22 =	simm.s32 $0x1BFF;
	s21 =	sshll.u32 s5, $0x1;
	s2 =	sadd.s32 s19, s18  }
0x9c: {  	s6 =	simm.s32 $0x0;
	s20 =	sshll.u32 s4, $0x1;
	s4 =	sadd.s32 s21, s2  }
0x9d: {  	[timem:s6], [sflag:s22] =	dma.local [hbm:s4], s20  }
0x9e: {  	_ =	swait.ge [sflag:s22], s20  }
0x9f: {  	s3 =	ssub.s32 $0x0, s20;
	[sflag:s22] =	ssyncset.done $0x0  }
0xa0: {  	[sflag:s22] =	ssyncadd.s32 s3;
	_ =	sdelay $0x1  }
0xa1: {  	s23 =	simm.s32 $0x1B8B  }
0xa2: {  	_ =	swait.ge [sflag:s23], $0x1  }
0xa3: {  	[sflag:s23] =	ssyncset.done $0x0  }
0xa4: {  	s25 =	simm.s32 $0x1B8E;
	s24 =	sld [smem:$0x3FFE];
	[sflag:s23] =	ssyncadd.s32 $0xFFFFFFFF  }
0xa5: {  	s26 =	simm.s32 $execute0_lowered;
	[smem:$0x3FD2] =	sst s25  }
0xa6: {  	s4 =	sshll.u32 s26, $0x1;
	_ =	strace $0x80000049;
	[dreg:$0x1] =	wrdreg $0xFFFFFFFF  }
0xa7: {  	s28 =	simm.s32 $_size_execute0_lowered;
	s2 =	sadd.s32 s2, s4;
	[dreg:$0x0] =	wrdreg $0x0  }
0xa8: {  	s4 =	sshll.u32 s28, $0x1;
	[dreg:$0x2] =	wrdreg s2  }
0xa9: {  	[dreg:$0x3] =	wrdreg s4  }
0xaa: {  	[dreg:$0x4] =	wrdreg $0xC0  }
0xab: {  	_ =	task [dreg:s6], $0x5FFFF  }
0xac: {  	[dreg:$0x1] =	wrdreg $0xFFFFFFFF  }
0xad: {  	[dreg:$0x0] =	wrdreg $0x60  }
0xae: {  	[dreg:$0x2] =	wrdreg s24  }
0xaf: {  	[dreg:$0x3] =	wrdreg $0x85000  }
0xb0: {  	[dreg:$0x4] =	wrdreg $0x9  }
0xb1: {  	_ =	task.clear_ibuf [dreg:s6], $0x5FFFF;
	_ =	strace $0x90000049  }
0xb2: {  	s29 =	simm.s32 $0x9;
	_ =	strace $0x8000004B  }
0xb3: {  	_ =	swait.ge [sflag:s29], $0x1  }
0xb4: {  	[sflag:s29] =	ssyncadd.s32 $0xFFFFFFFF  }
0xb5: {  	_ =	strace $0x9000004B  }
0xb6: {  	_ =	sfence  }
0xb7: {  	s30 =	sld [smem:$0x0];
	_ =	sdelay $0x2  }
0xb8: {  	s31 =	sshll.u32 s1, $0xD;
	s1 =	sshrl.u32 s1, $0x2  }
0xb9: {  	s3 =	sand.u32 $0x4000, s31;
	s1 =	sadd.s32 s1, s30  }
0xba: {  	s0 =	sor.u32 s3, s0;
	s1 =	sshll.u32 s1, $0x11  }
0xbb: {  	s0 =	sor.u32 s1, s0  }
0xbc: {  	s0 =	sadd.s32 $0x8F2B, s0  }
0xbd: {  	[sflag:s0] =	ssyncadd.remote.s32 $0x1  }
0xbe: {  	_ =	sfence.sel $0xFFFF  }
0xbf: {  	[dreg:$0x0] =	wrdreg $0xFFFFFFFF;
	(pc) =	sbr.abs _section_cstart, $3  }
0xc0: {  	[dreg:$0x1] =	wrdreg $0xFFFFFFFF  }
0xc1: {  	_ =	task.clear_ibuf [dreg:s6], $0x2FFFF;
	_ =	strace $0x9FFFFFFF  }
0xc2: {  	(tm) =	ssettm $0x7FFFFFFF  }
0xc3: {  	_ =	shalt  }
tec
execute0_lowered:
.L_overlay_start_1:
0x0: {  	(tag) =	ssettag $0x1  }
0x1: {  	s0 =	rddreg [dreg:$0x0]  }
0x2: {  	s1 =	rddreg [dreg:$0x1];
	s2 =	simm.s32 $0x0  }
0x3: {  	s3 =	srdreg.scid;
	s12 =	stileid.u32;
	s30 =	simm.s32 $0x7  }
0x4: {  	s31 =	simm.s32 $0x200;
	[smem:$0x7FF] =	sst s2;
	s4 =	sadd.s32 $0x19000, s0  }
0x5: {  	s5 =	sadd.s32 $0xCA00, s0;
	s3 =	sand.u32 $0x1, s3;
	s7 =	smul.u32 $0x2800, s12  }
0x6: {  	s6 =	sadd.s32 $0x2C00, s0;
	s11 =	smul.u32 $0x50000, s12;
	s13 =	sadd.s32 $0x16800, s0  }
0x7: {  	s21 =	sshll.u32 s12, $0x6;
	_ =	strace $0x8000004A;
	s8 =	smul.u32 $0x28000, s3  }
0x8: {  	s9 =	sshll.u32 s3, $0x4;
	s10 =	ssub.s32 $0x2, s3;
	[dreg:$0x3] =	wrdreg s13  }
0x9: {  	s3 =	smul.u32 $0x27100, s3;
	s9 =	sor.u32 s12, s9;
	s18 =	sshrl.u32 s10, $0x1  }
0xa: {  	s20 =	sshrl.u32 s11, $0x2;
	s12 =	smul.u32 $0x2710, s12;
	s7 =	sadd.s32 s7, s8  }
0xb: {  	s9 =	smul.u32 $0x2710, s9;
	s19 =	ssub.s32 s10, s18;
	s8 =	sadd.s32 s20, s1  }
0xc: {  	s20 =	sor.u32 $0x1C07, s21;
	s10 =	simm.s32 $0x0;
	s0 =	sadd.s32 s7, s0  }
0xd: {  	[dreg:$0x4] =	wrdreg s8;
	s3 =	sadd.s32 s12, s3;
	s7 =	smax.u32 s19, $0x1  }
0xe: {  	s12 =	simm.s32 $0x2;
	[dreg:$0x5] =	wrdreg s20;
	s9 =	sshrl.u32 s9, $0x3  }
0xf: {  	s0 =	sadd.s32 $0x40200, s0;
	s17 =	sadd.s32 $0x380, s3;
	[dreg:$0x11] =	wrdreg s7  }
0x10: {  	s18 =	sadd.s32 $0x300, s3;
	s19 =	sadd.s32 $0x280, s3;
	s22 =	sadd.s32 $0x10, s9  }
0x11: {  	s23 =	sadd.s32 s5, s9;
	s24 =	sadd.s32 s6, s9;
	s26 =	sadd.s32 $0x20, s9  }
0x12: {  	s11 =	sadd.s32 $0x30, s9;
	s14 =	sadd.s32 $0x4E0, s9;
	[dreg:$0x10] =	wrdreg s0  }
0x13: {  	s0 =	sshrl.u32 s17, $0x3;
	s7 =	sshrl.u32 s18, $0x3;
	s21 =	sshrl.u32 s19, $0x3  }
0x14: {  	s17 =	simm.s32 $0x3;
	s18 =	simm.s32 $0x6;
	[dreg:$0x6] =	wrdreg s23  }
0x15: {  	s19 =	simm.s32 $0x4;
	[dreg:$0x7] =	wrdreg s24;
	s25 =	sadd.s32 s5, s22  }
0x16: {  	s8 =	sadd.s32 s6, s22;
	s29 =	sadd.s32 s5, s26;
	[dreg:$0x8] =	wrdreg s25  }
0x17: {  	s13 =	sadd.s32 s5, s11;
	s15 =	sadd.s32 s6, s11;
	[dreg:$0x9] =	wrdreg s8  }
0x18: {  	s16 =	sadd.s32 s5, s14;
	s22 =	sadd.s32 s0, s6;
	[dreg:$0xa] =	wrdreg s29  }
0x19: {  	s23 =	sadd.s32 s0, s5;
	s24 =	sadd.s32 s7, s6;
	[dreg:$0xc] =	wrdreg s13  }
0x1a: {  	s28 =	sadd.s32 s21, s5;
	s0 =	simm.s32 $0x80;
	[dreg:$0xd] =	wrdreg s15  }
0x1b: {  	s11 =	simm.s32 $0x300;
	s8 =	sadd.s32 s6, s26;
	[dreg:$0xe] =	wrdreg s16  }
.Ltmp0:
0x1c: {  	s25 =	sadd.s32 s7, s5;
	s26 =	sadd.s32 s21, s6;
	(pc) =	sbr.rel .LBB2_1-.Ltmp0, $4  }
0x1d: {  	s29 =	sadd.s32 $0x200, s3;
	s3 =	simm.s32 $0x280;
	s7 =	simm.s32 $0x1  }
0x1e: {  	s13 =	simm.s32 $0x4400;
	s15 =	simm.s32 $0x180;
	[dreg:$0xb] =	wrdreg s8  }
0x1f: {  	s16 =	simm.s32 $0x380;
	s8 =	sadd.s32 s6, s14;
	[dreg:$0x12] =	wrdreg s29  }
0x20: {  	s14 =	simm.s32 $0x5;
	[dreg:$0xf] =	wrdreg s8;
	s8 =	simm.s32 $0x400  }
.LBB2_4:
0x21: {  	_ =	swait.ge [sflag:s18], $0x4000  }
0x22: {  	[sflag:s18] =	ssyncset.done $0x0  }
0x23: {  	[sflag:s18] =	ssyncadd.s32 $0xFFFFC000  }
0x24: {  	[spmem:s1] =	stream.indirect.scatter.add.f32 [tilespmem:s13], [sflag:$0x7], $0x80, s3, s0, $0xb8;
	[tilespmem:$0x1C500] =	vst v63  }
0x25: {  	_ =	swait.ge [sflag:s30], $0x4000  }
0x26: {  	[sflag:s30] =	ssyncset.done $0x0  }
0x27: {  	s10 =	simm.s32 $0x8400;
	s9 =	rddreg [dreg:$0xe];
	[sflag:s30] =	ssyncadd.s32 $0xFFFFC000  }
0x28: {  	[tilespmem:s10], [sflag:$0x7] =	stream.linear.gather [hbm4b:s9+s2], $0x10, $0x38;
	[tilespmem:$0x1C500] =	vst v63  }
0x29: {  	_ =	swait.ge [sflag:s30], $0x10  }
0x2a: {  	[sflag:s30] =	ssyncset.done $0x0  }
0x2b: {  	s20 =	simm.s32 $0x8480;
	s21 =	rddreg [dreg:$0xf];
	[sflag:s30] =	ssyncadd.s32 $0xFFFFFFF0  }
0x2c: {  	[tilespmem:s20], [sflag:$0x7] =	stream.linear.gather [hbm4b:s21+s2], $0x10, $0x38;
	[tilespmem:$0x1C500] =	vst v63  }
0x2d: {  	_ =	swait.ge [sflag:s30], $0x10  }
0x2e: {  	[sflag:s30] =	ssyncset.done $0x0  }
0x2f: {  	s29 =	simm.s32 $0x10;
	[sflag:s30] =	ssyncadd.s32 $0xFFFFFFF0  }
0x30: {  	[tilespmem:s8], [sflag:$0x5] =	stream.indirect.gather [hbm4b:s4+s29], $0x80, s10, s29, $0xb8;
	[tilespmem:$0x1C500] =	vst v63  }
0x31: {  	_ =	swait.ge [sflag:s14], $0x800  }
0x32: {  	[sflag:s14] =	ssyncset.done $0x0  }
0x33: {  	[sflag:s14] =	ssyncadd.s32 $0xFFFFF800  }
0x34: {  	[spmem:s1] =	stream.indirect.scatter.add.f32 [tilespmem:s8], [sflag:$0x7], $0x80, s20, s29, $0xb8;
	[tilespmem:$0x1C500] =	vst v63  }
0x35: {  	_ =	swait.ge [sflag:s30], $0x800  }
0x36: {  	[sflag:s30] =	ssyncset.done $0x0  }
0x37: {  	[sflag:s30] =	ssyncadd.s32 $0xFFFFF800  }
0x38: {  	[bflag:$0x0] =	sbarrier.arrive $0xFFFF  }
0x39: {  	s20 =	rddreg [dreg:$0x5]  }
0x3a: {  	s21 =	rddreg [dreg:$0x10]  }
0x3b: {  	s29 =	rddreg [dreg:$0x14]  }
0x3c: {  	[hbm:s21], [sflag:s20] =	dma.local [spmem:s29], $0x2800  }
0x3d: {  	_ =	swait.ge [sflag:s30], $0x2800  }
0x3e: {  	s21 =	rddreg [dreg:$0x13]  }
0x3f: {  	s29 =	rddreg [dreg:$0x11];
	s10 =	sadd.s32 $0x1, s21  }
0x40: {  	p0 =	sne.s32 s10, s29  }
.Ltmp1:
0x41: {  	_ = 	snop;
	(pc) =	sbr.rel @!p0 .LBB2_5-.Ltmp1, $3  }
0x42: {  	_ =	sdelay $0x1  }
0x43: {  	[sflag:s30] =	ssyncset.done $0x0  }
0x44: {  	[sflag:s30] =	ssyncadd.s32 $0xFFFFD800  }
.LBB2_1:
0x45: {  	[dreg:$0x13] =	wrdreg s10  }
0x46: {  	s9 =	rddreg [dreg:$0x4]  }
0x47: {  	s21 =	rddreg [dreg:$0x3];
	s9 =	sshrl.u32 s9, $0x3  }
0x48: {  	[dreg:$0x14] =	wrdreg s9  }
0x49: {  	[spmem:s9], [sflag:s20] =	dma.local [hbm:s21], $0x2800  }
0x4a: {  	_ =	swait.ge [sflag:s30], $0x2800  }
0x4b: {  	[sflag:s30] =	ssyncset.done $0x0  }
0x4c: {  	[sflag:s30] =	ssyncadd.s32 $0xFFFFD800  }
0x4d: {  	[bflag:$0x0] =	sbarrier.arrive $0xFFFF  }
0x4e: {  	s10 =	rddreg [dreg:$0x6]  }
0x4f: {  	[tilespmem:s2], [sflag:$0x1] =	stream.linear.gather [hbm4b:s10+s2], $0x80, $0x38;
	[tilespmem:$0x1C500] =	vst v63  }
0x50: {  	s20 =	rddreg [dreg:$0x7]  }
0x51: {  	[tilespmem:s31], [sflag:$0x1] =	stream.linear.gather [hbm4b:s20+s2], $0x80, $0x38;
	[tilespmem:$0x1C500] =	vst v63  }
0x52: {  	s21 =	rddreg [dreg:$0x8]  }
0x53: {  	[tilespmem:s0], [sflag:$0x2] =	stream.linear.gather [hbm4b:s21+s2], $0x80, $0x38;
	[tilespmem:$0x1C500] =	vst v63  }
0x54: {  	s10 =	rddreg [dreg:$0x9]  }
0x55: {  	[tilespmem:s3], [sflag:$0x2] =	stream.linear.gather [hbm4b:s10+s2], $0x80, $0x38;
	[tilespmem:$0x1C500] =	vst v63  }
0x56: {  	_ =	swait.ge [sflag:s7], $0x80  }
0x57: {  	[sflag:s7] =	ssyncset.done $0x0  }
0x58: {  	[sflag:s7] =	ssyncadd.s32 $0xFFFFFF80  }
0x59: {  	_ =	swait.ge [sflag:s7], $0x80  }
0x5a: {  	[sflag:s7] =	ssyncset.done $0x0  }
0x5b: {  	[sflag:s7] =	ssyncadd.s32 $0xFFFFFF80  }
0x5c: {  	[tilespmem:s8], [sflag:$0x5] =	stream.indirect.gather [hbm4b:s4+s0], $0x80, s2, s0, $0xb8;
	[tilespmem:$0x1C500] =	vst v63  }
0x5d: {  	s21 =	simm.s32 $0x100;
	s20 =	rddreg [dreg:$0xa]  }
0x5e: {  	[tilespmem:s21], [sflag:$0x3] =	stream.linear.gather [hbm4b:s20+s2], $0x80, $0x38;
	[tilespmem:$0x1C500] =	vst v63  }
0x5f: {  	s10 =	rddreg [dreg:$0xb]  }
0x60: {  	[tilespmem:s11], [sflag:$0x3] =	stream.linear.gather [hbm4b:s10+s2], $0x80, $0x38;
	[tilespmem:$0x1C500] =	vst v63  }
0x61: {  	_ =	swait.ge [sflag:s12], $0x80  }
0x62: {  	[sflag:s12] =	ssyncset.done $0x0  }
0x63: {  	[sflag:s12] =	ssyncadd.s32 $0xFFFFFF80  }
0x64: {  	_ =	swait.ge [sflag:s12], $0x80  }
0x65: {  	[sflag:s12] =	ssyncset.done $0x0  }
0x66: {  	[sflag:s12] =	ssyncadd.s32 $0xFFFFFF80  }
0x67: {  	[tilespmem:s13], [sflag:$0x6] =	stream.indirect.gather [hbm4b:s4+s0], $0x80, s0, s0, $0xb8;
	[tilespmem:$0x1C500] =	vst v63  }
0x68: {  	_ =	swait.ge [sflag:s14], $0x4000  }
0x69: {  	[sflag:s14] =	ssyncset.done $0x0  }
0x6a: {  	[sflag:s14] =	ssyncadd.s32 $0xFFFFC000  }
0x6b: {  	[spmem:s1] =	stream.indirect.scatter.add.f32 [tilespmem:s8], [sflag:$0x7], $0x80, s31, s0, $0xb8;
	[tilespmem:$0x1C500] =	vst v63  }
0x6c: {  	_ =	swait.ge [sflag:s30], $0x4000  }
0x6d: {  	[sflag:s30] =	ssyncset.done $0x0;
	s20 =	rddreg [dreg:$0xc]  }
0x6e: {  	s21 =	rddreg [dreg:$0xd];
	[sflag:s30] =	ssyncadd.s32 $0xFFFFC000  }
0x6f: {  	[tilespmem:s15], [sflag:$0x4] =	stream.linear.gather [hbm4b:s20+s2], $0x80, $0x38;
	[tilespmem:$0x1C500] =	vst v63  }
0x70: {  	s9 =	simm.s32 $0x0;
	s29 =	rddreg [dreg:$0x12]  }
0x71: {  	[tilespmem:s16], [sflag:$0x4] =	stream.linear.gather [hbm4b:s21+s2], $0x80, $0x38;
	[tilespmem:$0x1C500] =	vst v63  }
.LBB2_2:
0x72: {  	_ =	swait.ge [sflag:s17], $0x80  }
0x73: {  	[sflag:s17] =	ssyncset.done $0x0  }
0x74: {  	[sflag:s17] =	ssyncadd.s32 $0xFFFFFF80  }
0x75: {  	_ =	swait.ge [sflag:s17], $0x80  }
0x76: {  	[sflag:s17] =	ssyncset.done $0x0  }
0x77: {  	s10 =	simm.s32 $0x100;
	[sflag:s17] =	ssyncadd.s32 $0xFFFFFF80  }
0x78: {  	[tilespmem:s8], [sflag:$0x5] =	stream.indirect.gather [hbm4b:s4+s0], $0x80, s10, s0, $0xb8;
	[tilespmem:$0x1C500] =	vst v63  }
0x79: {  	_ =	swait.ge [sflag:s18], $0x4000  }
0x7a: {  	[sflag:s18] =	ssyncset.done $0x0  }
0x7b: {  	[sflag:s18] =	ssyncadd.s32 $0xFFFFC000  }
0x7c: {  	[spmem:s1] =	stream.indirect.scatter.add.f32 [tilespmem:s13], [sflag:$0x7], $0x80, s3, s0, $0xb8;
	[tilespmem:$0x1C500] =	vst v63  }
0x7d: {  	_ =	swait.ge [sflag:s30], $0x4000  }
0x7e: {  	s21 =	sshrl.u32 s29, $0x3;
	[sflag:s30] =	ssyncset.done $0x0  }
0x7f: {  	s20 =	sadd.s32 s5, s21;
	[sflag:s30] =	ssyncadd.s32 $0xFFFFC000  }
0x80: {  	[tilespmem:s2], [sflag:$0x1] =	stream.linear.gather [hbm4b:s20+s2], $0x80, $0x38;
	[tilespmem:$0x1C500] =	vst v63  }
0x81: {  	s21 =	sadd.s32 s6, s21  }
0x82: {  	[tilespmem:s31], [sflag:$0x1] =	stream.linear.gather [hbm4b:s21+s2], $0x80, $0x38;
	[tilespmem:$0x1C500] =	vst v63  }
0x83: {  	_ =	swait.ge [sflag:s19], $0x80  }
0x84: {  	[sflag:s19] =	ssyncset.done $0x0  }
0x85: {  	[sflag:s19] =	ssyncadd.s32 $0xFFFFFF80  }
0x86: {  	_ =	swait.ge [sflag:s19], $0x80  }
0x87: {  	[sflag:s19] =	ssyncset.done $0x0  }
0x88: {  	[sflag:s19] =	ssyncadd.s32 $0xFFFFFF80  }
0x89: {  	[tilespmem:s13], [sflag:$0x6] =	stream.indirect.gather [hbm4b:s4+s0], $0x80, s15, s0, $0xb8;
	[tilespmem:$0x1C500] =	vst v63  }
0x8a: {  	_ =	swait.ge [sflag:s14], $0x4000  }
0x8b: {  	[sflag:s14] =	ssyncset.done $0x0  }
0x8c: {  	[sflag:s14] =	ssyncadd.s32 $0xFFFFC000  }
0x8d: {  	[spmem:s1] =	stream.indirect.scatter.add.f32 [tilespmem:s8], [sflag:$0x7], $0x80, s11, s0, $0xb8;
	[tilespmem:$0x1C500] =	vst v63  }
0x8e: {  	_ =	swait.ge [sflag:s30], $0x4000  }
0x8f: {  	[sflag:s30] =	ssyncset.done $0x0  }
0x90: {  	s10 =	sadd.s32 s9, s28;
	[sflag:s30] =	ssyncadd.s32 $0xFFFFC000  }
0x91: {  	[tilespmem:s0], [sflag:$0x2] =	stream.linear.gather [hbm4b:s10+s2], $0x80, $0x38;
	[tilespmem:$0x1C500] =	vst v63  }
0x92: {  	s21 =	sadd.s32 s9, s26  }
0x93: {  	[tilespmem:s3], [sflag:$0x2] =	stream.linear.gather [hbm4b:s21+s2], $0x80, $0x38;
	[tilespmem:$0x1C500] =	vst v63  }
0x94: {  	_ =	swait.ge [sflag:s7], $0x80  }
0x95: {  	[sflag:s7] =	ssyncset.done $0x0  }
0x96: {  	[sflag:s7] =	ssyncadd.s32 $0xFFFFFF80  }
0x97: {  	_ =	swait.ge [sflag:s7], $0x80  }
0x98: {  	[sflag:s7] =	ssyncset.done $0x0  }
0x99: {  	[sflag:s7] =	ssyncadd.s32 $0xFFFFFF80  }
0x9a: {  	[tilespmem:s8], [sflag:$0x5] =	stream.indirect.gather [hbm4b:s4+s0], $0x80, s2, s0, $0xb8;
	[tilespmem:$0x1C500] =	vst v63  }
0x9b: {  	_ =	swait.ge [sflag:s18], $0x4000  }
0x9c: {  	[sflag:s18] =	ssyncset.done $0x0  }
0x9d: {  	[sflag:s18] =	ssyncadd.s32 $0xFFFFC000  }
0x9e: {  	[spmem:s1] =	stream.indirect.scatter.add.f32 [tilespmem:s13], [sflag:$0x7], $0x80, s16, s0, $0xb8;
	[tilespmem:$0x1C500] =	vst v63  }
0x9f: {  	p0 =	seq.s32 s9, $0x480;
	_ =	swait.ge [sflag:s30], $0x4000  }
0xa0: {  	s20 =	sadd.s32 @!p0 s9, s25;
	[sflag:s30] =	ssyncset.done $0x0  }
0xa1: {  	s10 =	simm.s32 @!p0 $0x100;
	s21 =	simm.s32 @!p0 $0x0;
	[sflag:s30] =	ssyncadd.s32 $0xFFFFC000  }
0xa2: {  	[tilespmem:s10], [sflag:$0x3] =	stream.linear.gather @!p0 [hbm4b:s20+s21], $0x80, $0x38;
	[tilespmem:$0x1C500] =	vst v63  }
0xa3: {  	s10 =	sadd.s32 @!p0 s9, s24;
	s20 =	simm.s32 @!p0 $0x300  }
0xa4: {  	[tilespmem:s20], [sflag:$0x3] =	stream.linear.gather @!p0 [hbm4b:s10+s21], $0x80, $0x38;
	[tilespmem:$0x1C500] =	vst v63  }
0xa5: {  	_ =	swait.ge [sflag:s12], $0x80  }
0xa6: {  	[sflag:s12] =	ssyncset.done $0x0  }
0xa7: {  	[sflag:s12] =	ssyncadd.s32 $0xFFFFFF80  }
0xa8: {  	_ =	swait.ge [sflag:s12], $0x80  }
0xa9: {  	[sflag:s12] =	ssyncset.done $0x0  }
0xaa: {  	[sflag:s12] =	ssyncadd.s32 $0xFFFFFF80  }
0xab: {  	[tilespmem:s13], [sflag:$0x6] =	stream.indirect.gather [hbm4b:s4+s0], $0x80, s0, s0, $0xb8;
	[tilespmem:$0x1C500] =	vst v63  }
0xac: {  	_ =	swait.ge [sflag:s14], $0x4000  }
0xad: {  	[sflag:s14] =	ssyncset.done $0x0  }
.Ltmp2:
0xae: {  	[sflag:s14] =	ssyncadd.s32 $0xFFFFC000;
	(pc) =	sbr.rel @p0 .LBB2_4-.Ltmp2, $4  }
0xaf: {  	[spmem:s1] =	stream.indirect.scatter.add.f32 [tilespmem:s8], [sflag:$0x7], $0x80, s31, s0, $0xb8;
	[tilespmem:$0x1C500] =	vst v63  }
0xb0: {  	_ =	swait.ge [sflag:s30], $0x4000  }
0xb1: {  	[sflag:s30] =	ssyncset.done $0x0  }
0xb2: {  	[sflag:s30] =	ssyncadd.s32 $0xFFFFC000  }
.Ltmp3:
0xb3: {  	(pc) =	sbr.rel .LBB2_2-.Ltmp3, $4  }
0xb4: {  	s10 =	sadd.s32 s9, s23  }
0xb5: {  	[tilespmem:s15], [sflag:$0x4] =	stream.linear.gather [hbm4b:s10+s2], $0x80, $0x38;
	[tilespmem:$0x1C500] =	vst v63  }
0xb6: {  	s21 =	sadd.s32 s9, s22;
	s9 =	sadd.s32 $0x40, s9;
	s29 =	sadd.s32 $0x200, s29  }
0xb7: {  	[tilespmem:s16], [sflag:$0x4] =	stream.linear.gather [hbm4b:s21+s2], $0x80, $0x38;
	[tilespmem:$0x1C500] =	vst v63  }
.LBB2_5:
0xb8: {  	_ =	sfence.sel $0x180000  }
0xb9: {  	[bflag:$0x0] =	sbarrier.arrive $0xFFFF  }
0xba: {  	_ =	strace $0x9000004A  }
0xbb: {  	s0 =	stileid.u32;
	[bflag:$0x2] =	sbarrier.arrive $0xFFFF  }
0xbc: {  	p0 =	sne.s32 s0, $0x0;
	s0 =	rddreg [dreg:$0x2]  }
0xbd: {  	s0 =	sadd.s32 @!p0 $0x100000, s0  }
0xbe: {  	[sflag:s0] =	ssyncadd.tile.s32 @!p0 $0x1;
	_ =	shalt  }
.Lfunc_end2:
_tile_overlayer_lowered:
.L_overlay_start_2:
0xbf: {  	(tag) =	ssettag $0x2  }
0xc0: {  	s0 =	rddreg [dreg:$0x0];
	s2 =	stileid.u32  }
0xc1: {  	s1 =	rddreg [dreg:$0x1];
	p0 =	sne.s32 s2, $0x0  }
0xc2: {  	s3 =	rddreg [dreg:$0x2];
	[bflag:$0x3] =	sbarrier.arrive $0xFFFF;
	s2 =	simm.s32 @!p0 $0x1C07  }
0xc3: {  	[timem:s3], [sflag:s2] =	dma.local @!p0 [hbm:s0], s1  }
0xc4: {  	s0 =	simm.s32 @!p0 $0x7  }
0xc5: {  	_ =	swait.ge @!p0 [sflag:s0], s1  }
0xc6: {  	s1 =	ssub.s32 @!p0 $0x0, s1;
	[sflag:s0] =	ssyncset.done @!p0 $0x0  }
0xc7: {  	[sflag:s0] =	ssyncadd.s32 @!p0 s1  }
0xc8: {  	[bflag:$0x3] =	sbarrier.arrive $0xFFFF  }
0xc9: {  	_ =	shalt  }

// kernel: kernel.14.cloned.1.call-start
scs
__scs_entry_jumppad:
0x0: {  	(pc) =	sbr.rel $0x88, $3  }
0x1: {  	(tag) =	ssettag $0x0;
	lr =	simm.s32 $0x1  }
0x2: {  	[smem:$0x3F93] =	sst lr;
	_ =	strace $0xD0000000  }
0x3: {  	_ = 	snop  }
0x4: {  	_ = 	snop  }
0x5: {  	_ = 	snop  }
0x6: {  	_ = 	snop  }
0x7: {  	_ = 	snop  }
__scs_overlays_trampoline_lowered:
0x8: {  	[smem:$0x3FA2] =	sst s0  }
0x9: {  	[smem:$0x3FA3] =	sst s1  }
0xa: {  	[smem:$0x3FA4] =	sst s2  }
0xb: {  	[smem:$0x3FA5] =	sst s3  }
0xc: {  	[smem:$0x3FA6] =	sst s4  }
0xd: {  	[smem:$0x3FA7] =	sst s5  }
0xe: {  	[smem:$0x3FA8] =	sst s6  }
0xf: {  	[smem:$0x3FA9] =	sst s7  }
0x10: {  	[smem:$0x3FAA] =	sst s8  }
0x11: {  	[smem:$0x3FAB] =	sst s9;
	s0 =	simm.s32 @!p0 $0x0  }
0x12: {  	s1 =	sld [smem:$0x3F91];
	s0 =	simm.s32 @p0 $0x1  }
0x13: {  	[smem:$0x3FAC] =	sst s0;
	s0 =	simm.s32 @!p1 $0x0  }
0x14: {  	s2 =	sld [smem:$0x3F90];
	s0 =	simm.s32 @p1 $0x1  }
0x15: {  	[smem:$0x3FAD] =	sst s0;
	s0 =	simm.s32 @!p2 $0x0  }
0x16: {  	s3 =	sld [smem:$0x3FDB];
	s0 =	simm.s32 @p2 $0x1  }
0x17: {  	s4 =	simm.s32 $0x1BF5;
	[smem:$0x3FAF] =	sst s0  }
0x18: {  	s0 =	sld [smem:$0x3F92];
	_ =	swait.ge [sflag:s4], $0x0  }
0x19: {  	s7 =	sld [smem:$0x3F93]  }
0x1a: {  	s8 =	sadd.s32 $0xFFFFE003, lr  }
0x1b: {  	s9 =	sadd.s32 $0xFFFFFEF7, lr;
	s5 =	simm.s32 $0xFFFFFFFF;
	p2 =	slt.u32 s8, $0xFFFFF086  }
0x1c: {  	p1 =	slt.u32 s9, $0xF7A;
	s5 =	simm.s32 @!p2 $0x0  }
0x1d: {  	s5 =	simm.s32 @p1 $0x1;
	p0 =	seq.s32 s7, s2  }
0x1e: {  	s7 =	smul.u32 @!p0 $0xF7A, s2;
	p2 =	seq.s32 @!p0 s5, $0x0  }
0x1f: {  	s9 =	smul.u32 $0xF7A, s1;
	s8 =	simm.s32 @!p0 $0x1BF5;
	p2 =	por !p2, p0  }
0x20: {  	[sflag:s8] =	ssyncset.s32 @!p0 $0xFFFFF086;
	s6 =	sadd.s32 @!p0 s3, s7;
	s7 =	simm.s32 @!p0 $0x108  }
0x21: {  	s3 =	sadd.s32 s3, s9;
	s6 =	sadd.s32 @!p0 $0x88, s6;
	s7 =	simm.s32 @p2 $0x1082  }
0x22: {  	[simem:s7], [sflag:s8] =	dma.local @!p0 [hbm:s6], $0xF7A  }
0x23: {  	s9 =	sor.u32 $0xD0000000, s2;
	s6 =	simm.s32 $0x108;
	_ =	swait.ge @!p0 [sflag:s8], $0x0  }
0x24: {  	s3 =	sadd.s32 $0x88, s3;
	s6 =	simm.s32 @!p1 $0x1082;
	[sflag:s4] =	ssyncset.s32 $0xFFFFF086  }
0x25: {  	[simem:s6], [sflag:s4] =	dma.local [hbm:s3], $0xF7A  }
0x26: {  	[smem:$0x3F93] =	sst s1;
	(tag) =	ssettag s2;
	_ =	strace s9  }
0x27: {  	s1 =	sld [smem:$0x3FA3]  }
0x28: {  	s2 =	sld [smem:$0x3FA4]  }
0x29: {  	s4 =	sld [smem:$0x3FA6]  }
0x2a: {  	p0 =	seq.s32 s5, $0x0;
	s5 =	sld [smem:$0x3FA7]  }
0x2b: {  	s6 =	sld [smem:$0x3FA8]  }
0x2c: {  	s7 =	sld [smem:$0x3FA9]  }
0x2d: {  	s3 =	simm.s32 $0x108;
	s8 =	sld [smem:$0x3FAA]  }
0x2e: {  	s3 =	simm.s32 @!p0 $0x1082;
	s9 =	sld [smem:$0x3FAB]  }
0x2f: {  	lr =	sadd.s32 s0, s3;
	s0 =	sld [smem:$0x3FA2]  }
0x30: {  	s3 =	sld [smem:$0x3FA5]  }
0x31: {  	[smem:$0x3FAE] =	sst s10  }
0x32: {  	s10 =	sld [smem:$0x3FAC];
	_ =	sdelay $0x3  }
0x33: {  	p0 =	seq.s32 s10, $0x1;
	s10 =	sld [smem:$0x3FAE];
	_ =	sdelay $0x3  }
0x34: {  	[smem:$0x3FAE] =	sst s10  }
0x35: {  	s10 =	sld [smem:$0x3FAD];
	_ =	sdelay $0x3  }
0x36: {  	p1 =	seq.s32 s10, $0x1;
	s10 =	sld [smem:$0x3FAE];
	_ =	sdelay $0x3  }
0x37: {  	[smem:$0x3FAE] =	sst s10  }
0x38: {  	s10 =	sld [smem:$0x3FAF]  }
0x39: {  	_ = 	snop;
	(pc) =	sbr.ind lr, $3  }
0x3a: {  	_ = 	snop  }
0x3b: {  	_ = 	snop  }
0x3c: {  	p2 =	seq.s32 s10, $0x1;
	s10 =	sld [smem:$0x3FAE]  }
0x3d: {  	_ =	shalt  }
0x3e: {  	_ =	shalt  }
0x3f: {  	_ =	shalt  }
0x40: {  	_ =	shalt  }
0x41: {  	_ =	shalt  }
0x42: {  	_ =	shalt  }
0x43: {  	_ =	shalt  }
0x44: {  	_ =	shalt  }
0x45: {  	_ =	shalt  }
0x46: {  	_ =	shalt  }
0x47: {  	_ =	shalt  }
0x48: {  	_ =	shalt  }
0x49: {  	_ =	shalt  }
0x4a: {  	_ =	shalt  }
0x4b: {  	_ =	shalt  }
0x4c: {  	_ =	shalt  }
0x4d: {  	_ =	shalt  }
0x4e: {  	_ =	shalt  }
0x4f: {  	_ =	shalt  }
0x50: {  	_ =	shalt  }
0x51: {  	_ =	shalt  }
0x52: {  	_ =	shalt  }
0x53: {  	_ =	shalt  }
0x54: {  	_ =	shalt  }
0x55: {  	_ =	shalt  }
0x56: {  	_ =	shalt  }
0x57: {  	_ =	shalt  }
0x58: {  	_ =	shalt  }
0x59: {  	_ =	shalt  }
0x5a: {  	_ =	shalt  }
0x5b: {  	_ =	shalt  }
0x5c: {  	_ =	shalt  }
0x5d: {  	_ =	shalt  }
0x5e: {  	_ =	shalt  }
0x5f: {  	_ =	shalt  }
0x60: {  	_ =	shalt  }
0x61: {  	_ =	shalt  }
0x62: {  	_ =	shalt  }
0x63: {  	_ =	shalt  }
0x64: {  	_ =	shalt  }
0x65: {  	_ =	shalt  }
0x66: {  	_ =	shalt  }
0x67: {  	_ =	shalt  }
0x68: {  	_ =	shalt  }
0x69: {  	_ =	shalt  }
0x6a: {  	_ =	shalt  }
0x6b: {  	_ =	shalt  }
0x6c: {  	_ =	shalt  }
0x6d: {  	_ =	shalt  }
0x6e: {  	_ =	shalt  }
0x6f: {  	_ =	shalt  }
0x70: {  	_ =	shalt  }
0x71: {  	_ =	shalt  }
0x72: {  	_ =	shalt  }
0x73: {  	_ =	shalt  }
0x74: {  	_ =	shalt  }
0x75: {  	_ =	shalt  }
0x76: {  	_ =	shalt  }
0x77: {  	_ =	shalt  }
0x78: {  	_ =	shalt  }
0x79: {  	_ =	shalt  }
0x7a: {  	_ =	shalt  }
0x7b: {  	_ =	shalt  }
0x7c: {  	_ =	shalt  }
0x7d: {  	_ =	shalt  }
0x7e: {  	_ =	shalt  }
0x7f: {  	_ =	shalt  }
0x80: {  	_ =	shalt  }
0x81: {  	_ =	shalt  }
0x82: {  	_ =	shalt  }
0x83: {  	_ =	shalt  }
0x84: {  	_ =	shalt  }
0x85: {  	_ =	shalt  }
0x86: {  	_ =	shalt  }
0x87: {  	_ =	shalt  }
.Lfunc_end0:
.L_simem_size_0:
called_computation.2_lowered:
.L_overlay_start_0:
0x88: {  	s2 =	sld [smem:$0x3FD9]  }
0x89: {  	s3 =	sld [smem:$0x3FFE];
	_ =	sdelay $0x1  }
0x8a: {  	s1 =	srdreg.scid  }
0x8b: {  	s0 =	sand.u32 $0x1, s1  }
0x8c: {  	s16 =	sshll.u32 s0, $0xA;
	s2 =	sadd.s32 s3, s2  }
0x8d: {  	s2 =	sadd.s32 s2, s16  }
0x8e: {  	[smem:$0x3FBA] =	sst s2  }
0x8f: {  	_ = 	snop  }
0x90: {  	(tm) =	ssettm $0x1  }
0x91: {  	s17 =	sld [smem:$0x3FFB];
	_ =	sdelay $0x3  }
0x92: {  	_ =	strace s17  }
0x93: {  	s2 =	sld [smem:$0x3FFC];
	_ =	sdelay $0x3  }
0x94: {  	_ =	strace s2  }
0x95: {  	s2 =	sld [smem:$0x3FFD];
	_ =	sdelay $0x3  }
0x96: {  	_ =	strace s2  }
0x97: {  	_ =	strace $0x8FFFFFFF  }
0x98: {  	s18 =	sld [smem:$0x3FDB];
	_ =	sdelay $0x1  }
0x99: {  	s19 =	simm.s32 $_scs_section_size  }
0x9a: {  	s4 =	simm.s32 $_size__tile_overlayer_lowered;
	s5 =	simm.s32 $_tile_overlayer_lowered  }
0x9b: {  	s22 =	simm.s32 $0x1BFF;
	s21 =	sshll.u32 s5, $0x1;
	s2 =	sadd.s32 s19, s18  }
0x9c: {  	s6 =	simm.s32 $0x0;
	s20 =	sshll.u32 s4, $0x1;
	s4 =	sadd.s32 s21, s2  }
0x9d: {  	[timem:s6], [sflag:s22] =	dma.local [hbm:s4], s20  }
0x9e: {  	_ =	swait.ge [sflag:s22], s20  }
0x9f: {  	s3 =	ssub.s32 $0x0, s20;
	[sflag:s22] =	ssyncset.done $0x0  }
0xa0: {  	[sflag:s22] =	ssyncadd.s32 s3;
	_ =	sdelay $0x1  }
0xa1: {  	s23 =	simm.s32 $0x1B8B  }
0xa2: {  	_ =	swait.ge [sflag:s23], $0x1  }
0xa3: {  	[sflag:s23] =	ssyncset.done $0x0  }
0xa4: {  	s25 =	simm.s32 $0x1B8E;
	s24 =	sld [smem:$0x3FFE];
	[sflag:s23] =	ssyncadd.s32 $0xFFFFFFFF  }
0xa5: {  	s26 =	simm.s32 $execute0_lowered;
	[smem:$0x3FD2] =	sst s25  }
0xa6: {  	s4 =	sshll.u32 s26, $0x1;
	_ =	strace $0x8000004C;
	[dreg:$0x1] =	wrdreg $0xFFFFFFFF  }
0xa7: {  	s28 =	simm.s32 $_size_execute0_lowered;
	s2 =	sadd.s32 s2, s4;
	[dreg:$0x0] =	wrdreg $0x0  }
0xa8: {  	s4 =	sshll.u32 s28, $0x1;
	[dreg:$0x2] =	wrdreg s2  }
0xa9: {  	[dreg:$0x3] =	wrdreg s4  }
0xaa: {  	[dreg:$0x4] =	wrdreg $0xC0  }
0xab: {  	_ =	task [dreg:s6], $0x5FFFF  }
0xac: {  	[dreg:$0x1] =	wrdreg $0xFFFFFFFF  }
0xad: {  	[dreg:$0x0] =	wrdreg $0x60  }
0xae: {  	[dreg:$0x2] =	wrdreg s24  }
0xaf: {  	[dreg:$0x3] =	wrdreg $0x85000  }
0xb0: {  	[dreg:$0x4] =	wrdreg $0x9  }
0xb1: {  	_ =	task.clear_ibuf [dreg:s6], $0x5FFFF;
	_ =	strace $0x9000004C  }
0xb2: {  	s29 =	simm.s32 $0x9;
	_ =	strace $0x8000004E  }
0xb3: {  	_ =	swait.ge [sflag:s29], $0x1  }
0xb4: {  	[sflag:s29] =	ssyncadd.s32 $0xFFFFFFFF  }
0xb5: {  	_ =	strace $0x9000004E  }
0xb6: {  	_ =	sfence  }
0xb7: {  	s30 =	sld [smem:$0x0];
	_ =	sdelay $0x2  }
0xb8: {  	s31 =	sshll.u32 s1, $0xD;
	s1 =	sshrl.u32 s1, $0x2  }
0xb9: {  	s3 =	sand.u32 $0x4000, s31;
	s1 =	sadd.s32 s1, s30  }
0xba: {  	s0 =	sor.u32 s3, s0;
	s1 =	sshll.u32 s1, $0x11  }
0xbb: {  	s0 =	sor.u32 s1, s0  }
0xbc: {  	s0 =	sadd.s32 $0x8F2B, s0  }
0xbd: {  	[sflag:s0] =	ssyncadd.remote.s32 $0x1  }
0xbe: {  	_ =	sfence.sel $0xFFFF  }
0xbf: {  	[dreg:$0x0] =	wrdreg $0xFFFFFFFF;
	(pc) =	sbr.abs _section_cstart, $3  }
0xc0: {  	[dreg:$0x1] =	wrdreg $0xFFFFFFFF  }
0xc1: {  	_ =	task.clear_ibuf [dreg:s6], $0x2FFFF;
	_ =	strace $0x9FFFFFFF  }
0xc2: {  	(tm) =	ssettm $0x7FFFFFFF  }
0xc3: {  	_ =	shalt  }
tec
execute0_lowered:
.L_overlay_start_1:
0x0: {  	(tag) =	ssettag $0x1  }
0x1: {  	s0 =	rddreg [dreg:$0x0]  }
0x2: {  	s1 =	rddreg [dreg:$0x1];
	s2 =	simm.s32 $0x0  }
0x3: {  	s3 =	srdreg.scid;
	s12 =	stileid.u32;
	s30 =	simm.s32 $0x7  }
0x4: {  	s31 =	simm.s32 $0x200;
	[smem:$0x7FF] =	sst s2;
	s4 =	sadd.s32 $0x19000, s0  }
0x5: {  	s5 =	sadd.s32 $0xCA00, s0;
	s3 =	sand.u32 $0x1, s3;
	s7 =	smul.u32 $0x2800, s12  }
0x6: {  	s6 =	sadd.s32 $0x2C00, s0;
	s11 =	smul.u32 $0x50000, s12;
	s13 =	sadd.s32 $0x16800, s0  }
0x7: {  	s21 =	sshll.u32 s12, $0x6;
	_ =	strace $0x8000004D;
	s8 =	smul.u32 $0x28000, s3  }
0x8: {  	s9 =	sshll.u32 s3, $0x4;
	s10 =	ssub.s32 $0x2, s3;
	[dreg:$0x3] =	wrdreg s13  }
0x9: {  	s3 =	smul.u32 $0x27100, s3;
	s9 =	sor.u32 s12, s9;
	s18 =	sshrl.u32 s10, $0x1  }
0xa: {  	s20 =	sshrl.u32 s11, $0x2;
	s12 =	smul.u32 $0x2710, s12;
	s7 =	sadd.s32 s7, s8  }
0xb: {  	s9 =	smul.u32 $0x2710, s9;
	s19 =	ssub.s32 s10, s18;
	s8 =	sadd.s32 s20, s1  }
0xc: {  	s20 =	sor.u32 $0x1C07, s21;
	s10 =	simm.s32 $0x0;
	s0 =	sadd.s32 s7, s0  }
0xd: {  	[dreg:$0x4] =	wrdreg s8;
	s3 =	sadd.s32 s12, s3;
	s7 =	smax.u32 s19, $0x1  }
0xe: {  	s12 =	simm.s32 $0x2;
	[dreg:$0x5] =	wrdreg s20;
	s9 =	sshrl.u32 s9, $0x3  }
0xf: {  	s0 =	sadd.s32 $0x40200, s0;
	s17 =	sadd.s32 $0x380, s3;
	[dreg:$0x11] =	wrdreg s7  }
0x10: {  	s18 =	sadd.s32 $0x300, s3;
	s19 =	sadd.s32 $0x280, s3;
	s22 =	sadd.s32 $0x10, s9  }
0x11: {  	s23 =	sadd.s32 s5, s9;
	s24 =	sadd.s32 s6, s9;
	s26 =	sadd.s32 $0x20, s9  }
0x12: {  	s11 =	sadd.s32 $0x30, s9;
	s14 =	sadd.s32 $0x4E0, s9;
	[dreg:$0x10] =	wrdreg s0  }
0x13: {  	s0 =	sshrl.u32 s17, $0x3;
	s7 =	sshrl.u32 s18, $0x3;
	s21 =	sshrl.u32 s19, $0x3  }
0x14: {  	s17 =	simm.s32 $0x3;
	s18 =	simm.s32 $0x6;
	[dreg:$0x6] =	wrdreg s23  }
0x15: {  	s19 =	simm.s32 $0x4;
	[dreg:$0x7] =	wrdreg s24;
	s25 =	sadd.s32 s5, s22  }
0x16: {  	s8 =	sadd.s32 s6, s22;
	s29 =	sadd.s32 s5, s26;
	[dreg:$0x8] =	wrdreg s25  }
0x17: {  	s13 =	sadd.s32 s5, s11;
	s15 =	sadd.s32 s6, s11;
	[dreg:$0x9] =	wrdreg s8  }
0x18: {  	s16 =	sadd.s32 s5, s14;
	s22 =	sadd.s32 s0, s6;
	[dreg:$0xa] =	wrdreg s29  }
0x19: {  	s23 =	sadd.s32 s0, s5;
	s24 =	sadd.s32 s7, s6;
	[dreg:$0xc] =	wrdreg s13  }
0x1a: {  	s28 =	sadd.s32 s21, s5;
	s0 =	simm.s32 $0x80;
	[dreg:$0xd] =	wrdreg s15  }
0x1b: {  	s11 =	simm.s32 $0x300;
	s8 =	sadd.s32 s6, s26;
	[dreg:$0xe] =	wrdreg s16  }
.Ltmp0:
0x1c: {  	s25 =	sadd.s32 s7, s5;
	s26 =	sadd.s32 s21, s6;
	(pc) =	sbr.rel .LBB2_1-.Ltmp0, $4  }
0x1d: {  	s29 =	sadd.s32 $0x200, s3;
	s3 =	simm.s32 $0x280;
	s7 =	simm.s32 $0x1  }
0x1e: {  	s13 =	simm.s32 $0x4400;
	s15 =	simm.s32 $0x180;
	[dreg:$0xb] =	wrdreg s8  }
0x1f: {  	s16 =	simm.s32 $0x380;
	s8 =	sadd.s32 s6, s14;
	[dreg:$0x12] =	wrdreg s29  }
0x20: {  	s14 =	simm.s32 $0x5;
	[dreg:$0xf] =	wrdreg s8;
	s8 =	simm.s32 $0x400  }
.LBB2_4:
0x21: {  	_ =	swait.ge [sflag:s18], $0x4000  }
0x22: {  	[sflag:s18] =	ssyncset.done $0x0  }
0x23: {  	[sflag:s18] =	ssyncadd.s32 $0xFFFFC000  }
0x24: {  	[spmem:s1] =	stream.indirect.scatter.add.f32 [tilespmem:s13], [sflag:$0x7], $0x80, s3, s0, $0xb8;
	[tilespmem:$0x1C500] =	vst v63  }
0x25: {  	_ =	swait.ge [sflag:s30], $0x4000  }
0x26: {  	[sflag:s30] =	ssyncset.done $0x0  }
0x27: {  	s10 =	simm.s32 $0x8400;
	s9 =	rddreg [dreg:$0xe];
	[sflag:s30] =	ssyncadd.s32 $0xFFFFC000  }
0x28: {  	[tilespmem:s10], [sflag:$0x7] =	stream.linear.gather [hbm4b:s9+s2], $0x10, $0x38;
	[tilespmem:$0x1C500] =	vst v63  }
0x29: {  	_ =	swait.ge [sflag:s30], $0x10  }
0x2a: {  	[sflag:s30] =	ssyncset.done $0x0  }
0x2b: {  	s20 =	simm.s32 $0x8480;
	s21 =	rddreg [dreg:$0xf];
	[sflag:s30] =	ssyncadd.s32 $0xFFFFFFF0  }
0x2c: {  	[tilespmem:s20], [sflag:$0x7] =	stream.linear.gather [hbm4b:s21+s2], $0x10, $0x38;
	[tilespmem:$0x1C500] =	vst v63  }
0x2d: {  	_ =	swait.ge [sflag:s30], $0x10  }
0x2e: {  	[sflag:s30] =	ssyncset.done $0x0  }
0x2f: {  	s29 =	simm.s32 $0x10;
	[sflag:s30] =	ssyncadd.s32 $0xFFFFFFF0  }
0x30: {  	[tilespmem:s8], [sflag:$0x5] =	stream.indirect.gather [hbm4b:s4+s29], $0x80, s10, s29, $0xb8;
	[tilespmem:$0x1C500] =	vst v63  }
0x31: {  	_ =	swait.ge [sflag:s14], $0x800  }
0x32: {  	[sflag:s14] =	ssyncset.done $0x0  }
0x33: {  	[sflag:s14] =	ssyncadd.s32 $0xFFFFF800  }
0x34: {  	[spmem:s1] =	stream.indirect.scatter.add.f32 [tilespmem:s8], [sflag:$0x7], $0x80, s20, s29, $0xb8;
	[tilespmem:$0x1C500] =	vst v63  }
0x35: {  	_ =	swait.ge [sflag:s30], $0x800  }
0x36: {  	[sflag:s30] =	ssyncset.done $0x0  }
0x37: {  	[sflag:s30] =	ssyncadd.s32 $0xFFFFF800  }
0x38: {  	[bflag:$0x0] =	sbarrier.arrive $0xFFFF  }
0x39: {  	s20 =	rddreg [dreg:$0x5]  }
0x3a: {  	s21 =	rddreg [dreg:$0x10]  }
0x3b: {  	s29 =	rddreg [dreg:$0x14]  }
0x3c: {  	[hbm:s21], [sflag:s20] =	dma.local [spmem:s29], $0x2800  }
0x3d: {  	_ =	swait.ge [sflag:s30], $0x2800  }
0x3e: {  	s21 =	rddreg [dreg:$0x13]  }
0x3f: {  	s29 =	rddreg [dreg:$0x11];
	s10 =	sadd.s32 $0x1, s21  }
0x40: {  	p0 =	sne.s32 s10, s29  }
.Ltmp1:
0x41: {  	_ = 	snop;
	(pc) =	sbr.rel @!p0 .LBB2_5-.Ltmp1, $3  }
0x42: {  	_ =	sdelay $0x1  }
0x43: {  	[sflag:s30] =	ssyncset.done $0x0  }
0x44: {  	[sflag:s30] =	ssyncadd.s32 $0xFFFFD800  }
.LBB2_1:
0x45: {  	[dreg:$0x13] =	wrdreg s10  }
0x46: {  	s9 =	rddreg [dreg:$0x4]  }
0x47: {  	s21 =	rddreg [dreg:$0x3];
	s9 =	sshrl.u32 s9, $0x3  }
0x48: {  	[dreg:$0x14] =	wrdreg s9  }
0x49: {  	[spmem:s9], [sflag:s20] =	dma.local [hbm:s21], $0x2800  }
0x4a: {  	_ =	swait.ge [sflag:s30], $0x2800  }
0x4b: {  	[sflag:s30] =	ssyncset.done $0x0  }
0x4c: {  	[sflag:s30] =	ssyncadd.s32 $0xFFFFD800  }
0x4d: {  	[bflag:$0x0] =	sbarrier.arrive $0xFFFF  }
0x4e: {  	s10 =	rddreg [dreg:$0x6]  }
0x4f: {  	[tilespmem:s2], [sflag:$0x1] =	stream.linear.gather [hbm4b:s10+s2], $0x80, $0x38;
	[tilespmem:$0x1C500] =	vst v63  }
0x50: {  	s20 =	rddreg [dreg:$0x7]  }
0x51: {  	[tilespmem:s31], [sflag:$0x1] =	stream.linear.gather [hbm4b:s20+s2], $0x80, $0x38;
	[tilespmem:$0x1C500] =	vst v63  }
0x52: {  	s21 =	rddreg [dreg:$0x8]  }
0x53: {  	[tilespmem:s0], [sflag:$0x2] =	stream.linear.gather [hbm4b:s21+s2], $0x80, $0x38;
	[tilespmem:$0x1C500] =	vst v63  }
0x54: {  	s10 =	rddreg [dreg:$0x9]  }
0x55: {  	[tilespmem:s3], [sflag:$0x2] =	stream.linear.gather [hbm4b:s10+s2], $0x80, $0x38;
	[tilespmem:$0x1C500] =	vst v63  }
0x56: {  	_ =	swait.ge [sflag:s7], $0x80  }
0x57: {  	[sflag:s7] =	ssyncset.done $0x0  }
0x58: {  	[sflag:s7] =	ssyncadd.s32 $0xFFFFFF80  }
0x59: {  	_ =	swait.ge [sflag:s7], $0x80  }
0x5a: {  	[sflag:s7] =	ssyncset.done $0x0  }
0x5b: {  	[sflag:s7] =	ssyncadd.s32 $0xFFFFFF80  }
0x5c: {  	[tilespmem:s8], [sflag:$0x5] =	stream.indirect.gather [hbm4b:s4+s0], $0x80, s2, s0, $0xb8;
	[tilespmem:$0x1C500] =	vst v63  }
0x5d: {  	s21 =	simm.s32 $0x100;
	s20 =	rddreg [dreg:$0xa]  }
0x5e: {  	[tilespmem:s21], [sflag:$0x3] =	stream.linear.gather [hbm4b:s20+s2], $0x80, $0x38;
	[tilespmem:$0x1C500] =	vst v63  }
0x5f: {  	s10 =	rddreg [dreg:$0xb]  }
0x60: {  	[tilespmem:s11], [sflag:$0x3] =	stream.linear.gather [hbm4b:s10+s2], $0x80, $0x38;
	[tilespmem:$0x1C500] =	vst v63  }
0x61: {  	_ =	swait.ge [sflag:s12], $0x80  }
0x62: {  	[sflag:s12] =	ssyncset.done $0x0  }
0x63: {  	[sflag:s12] =	ssyncadd.s32 $0xFFFFFF80  }
0x64: {  	_ =	swait.ge [sflag:s12], $0x80  }
0x65: {  	[sflag:s12] =	ssyncset.done $0x0  }
0x66: {  	[sflag:s12] =	ssyncadd.s32 $0xFFFFFF80  }
0x67: {  	[tilespmem:s13], [sflag:$0x6] =	stream.indirect.gather [hbm4b:s4+s0], $0x80, s0, s0, $0xb8;
	[tilespmem:$0x1C500] =	vst v63  }
0x68: {  	_ =	swait.ge [sflag:s14], $0x4000  }
0x69: {  	[sflag:s14] =	ssyncset.done $0x0  }
0x6a: {  	[sflag:s14] =	ssyncadd.s32 $0xFFFFC000  }
0x6b: {  	[spmem:s1] =	stream.indirect.scatter.add.f32 [tilespmem:s8], [sflag:$0x7], $0x80, s31, s0, $0xb8;
	[tilespmem:$0x1C500] =	vst v63  }
0x6c: {  	_ =	swait.ge [sflag:s30], $0x4000  }
0x6d: {  	[sflag:s30] =	ssyncset.done $0x0;
	s20 =	rddreg [dreg:$0xc]  }
0x6e: {  	s21 =	rddreg [dreg:$0xd];
	[sflag:s30] =	ssyncadd.s32 $0xFFFFC000  }
0x6f: {  	[tilespmem:s15], [sflag:$0x4] =	stream.linear.gather [hbm4b:s20+s2], $0x80, $0x38;
	[tilespmem:$0x1C500] =	vst v63  }
0x70: {  	s9 =	simm.s32 $0x0;
	s29 =	rddreg [dreg:$0x12]  }
0x71: {  	[tilespmem:s16], [sflag:$0x4] =	stream.linear.gather [hbm4b:s21+s2], $0x80, $0x38;
	[tilespmem:$0x1C500] =	vst v63  }
.LBB2_2:
0x72: {  	_ =	swait.ge [sflag:s17], $0x80  }
0x73: {  	[sflag:s17] =	ssyncset.done $0x0  }
0x74: {  	[sflag:s17] =	ssyncadd.s32 $0xFFFFFF80  }
0x75: {  	_ =	swait.ge [sflag:s17], $0x80  }
0x76: {  	[sflag:s17] =	ssyncset.done $0x0  }
0x77: {  	s10 =	simm.s32 $0x100;
	[sflag:s17] =	ssyncadd.s32 $0xFFFFFF80  }
0x78: {  	[tilespmem:s8], [sflag:$0x5] =	stream.indirect.gather [hbm4b:s4+s0], $0x80, s10, s0, $0xb8;
	[tilespmem:$0x1C500] =	vst v63  }
0x79: {  	_ =	swait.ge [sflag:s18], $0x4000  }
0x7a: {  	[sflag:s18] =	ssyncset.done $0x0  }
0x7b: {  	[sflag:s18] =	ssyncadd.s32 $0xFFFFC000  }
0x7c: {  	[spmem:s1] =	stream.indirect.scatter.add.f32 [tilespmem:s13], [sflag:$0x7], $0x80, s3, s0, $0xb8;
	[tilespmem:$0x1C500] =	vst v63  }
0x7d: {  	_ =	swait.ge [sflag:s30], $0x4000  }
0x7e: {  	s21 =	sshrl.u32 s29, $0x3;
	[sflag:s30] =	ssyncset.done $0x0  }
0x7f: {  	s20 =	sadd.s32 s5, s21;
	[sflag:s30] =	ssyncadd.s32 $0xFFFFC000  }
0x80: {  	[tilespmem:s2], [sflag:$0x1] =	stream.linear.gather [hbm4b:s20+s2], $0x80, $0x38;
	[tilespmem:$0x1C500] =	vst v63  }
0x81: {  	s21 =	sadd.s32 s6, s21  }
0x82: {  	[tilespmem:s31], [sflag:$0x1] =	stream.linear.gather [hbm4b:s21+s2], $0x80, $0x38;
	[tilespmem:$0x1C500] =	vst v63  }
0x83: {  	_ =	swait.ge [sflag:s19], $0x80  }
0x84: {  	[sflag:s19] =	ssyncset.done $0x0  }
0x85: {  	[sflag:s19] =	ssyncadd.s32 $0xFFFFFF80  }
0x86: {  	_ =	swait.ge [sflag:s19], $0x80  }
0x87: {  	[sflag:s19] =	ssyncset.done $0x0  }
0x88: {  	[sflag:s19] =	ssyncadd.s32 $0xFFFFFF80  }
0x89: {  	[tilespmem:s13], [sflag:$0x6] =	stream.indirect.gather [hbm4b:s4+s0], $0x80, s15, s0, $0xb8;
	[tilespmem:$0x1C500] =	vst v63  }
0x8a: {  	_ =	swait.ge [sflag:s14], $0x4000  }
0x8b: {  	[sflag:s14] =	ssyncset.done $0x0  }
0x8c: {  	[sflag:s14] =	ssyncadd.s32 $0xFFFFC000  }
0x8d: {  	[spmem:s1] =	stream.indirect.scatter.add.f32 [tilespmem:s8], [sflag:$0x7], $0x80, s11, s0, $0xb8;
	[tilespmem:$0x1C500] =	vst v63  }
0x8e: {  	_ =	swait.ge [sflag:s30], $0x4000  }
0x8f: {  	[sflag:s30] =	ssyncset.done $0x0  }
0x90: {  	s10 =	sadd.s32 s9, s28;
	[sflag:s30] =	ssyncadd.s32 $0xFFFFC000  }
0x91: {  	[tilespmem:s0], [sflag:$0x2] =	stream.linear.gather [hbm4b:s10+s2], $0x80, $0x38;
	[tilespmem:$0x1C500] =	vst v63  }
0x92: {  	s21 =	sadd.s32 s9, s26  }
0x93: {  	[tilespmem:s3], [sflag:$0x2] =	stream.linear.gather [hbm4b:s21+s2], $0x80, $0x38;
	[tilespmem:$0x1C500] =	vst v63  }
0x94: {  	_ =	swait.ge [sflag:s7], $0x80  }
0x95: {  	[sflag:s7] =	ssyncset.done $0x0  }
0x96: {  	[sflag:s7] =	ssyncadd.s32 $0xFFFFFF80  }
0x97: {  	_ =	swait.ge [sflag:s7], $0x80  }
0x98: {  	[sflag:s7] =	ssyncset.done $0x0  }
0x99: {  	[sflag:s7] =	ssyncadd.s32 $0xFFFFFF80  }
0x9a: {  	[tilespmem:s8], [sflag:$0x5] =	stream.indirect.gather [hbm4b:s4+s0], $0x80, s2, s0, $0xb8;
	[tilespmem:$0x1C500] =	vst v63  }
0x9b: {  	_ =	swait.ge [sflag:s18], $0x4000  }
0x9c: {  	[sflag:s18] =	ssyncset.done $0x0  }
0x9d: {  	[sflag:s18] =	ssyncadd.s32 $0xFFFFC000  }
0x9e: {  	[spmem:s1] =	stream.indirect.scatter.add.f32 [tilespmem:s13], [sflag:$0x7], $0x80, s16, s0, $0xb8;
	[tilespmem:$0x1C500] =	vst v63  }
0x9f: {  	p0 =	seq.s32 s9, $0x480;
	_ =	swait.ge [sflag:s30], $0x4000  }
0xa0: {  	s20 =	sadd.s32 @!p0 s9, s25;
	[sflag:s30] =	ssyncset.done $0x0  }
0xa1: {  	s10 =	simm.s32 @!p0 $0x100;
	s21 =	simm.s32 @!p0 $0x0;
	[sflag:s30] =	ssyncadd.s32 $0xFFFFC000  }
0xa2: {  	[tilespmem:s10], [sflag:$0x3] =	stream.linear.gather @!p0 [hbm4b:s20+s21], $0x80, $0x38;
	[tilespmem:$0x1C500] =	vst v63  }
0xa3: {  	s10 =	sadd.s32 @!p0 s9, s24;
	s20 =	simm.s32 @!p0 $0x300  }
0xa4: {  	[tilespmem:s20], [sflag:$0x3] =	stream.linear.gather @!p0 [hbm4b:s10+s21], $0x80, $0x38;
	[tilespmem:$0x1C500] =	vst v63  }
0xa5: {  	_ =	swait.ge [sflag:s12], $0x80  }
0xa6: {  	[sflag:s12] =	ssyncset.done $0x0  }
0xa7: {  	[sflag:s12] =	ssyncadd.s32 $0xFFFFFF80  }
0xa8: {  	_ =	swait.ge [sflag:s12], $0x80  }
0xa9: {  	[sflag:s12] =	ssyncset.done $0x0  }
0xaa: {  	[sflag:s12] =	ssyncadd.s32 $0xFFFFFF80  }
0xab: {  	[tilespmem:s13], [sflag:$0x6] =	stream.indirect.gather [hbm4b:s4+s0], $0x80, s0, s0, $0xb8;
	[tilespmem:$0x1C500] =	vst v63  }
0xac: {  	_ =	swait.ge [sflag:s14], $0x4000  }
0xad: {  	[sflag:s14] =	ssyncset.done $0x0  }
.Ltmp2:
0xae: {  	[sflag:s14] =	ssyncadd.s32 $0xFFFFC000;
	(pc) =	sbr.rel @p0 .LBB2_4-.Ltmp2, $4  }
0xaf: {  	[spmem:s1] =	stream.indirect.scatter.add.f32 [tilespmem:s8], [sflag:$0x7], $0x80, s31, s0, $0xb8;
	[tilespmem:$0x1C500] =	vst v63  }
0xb0: {  	_ =	swait.ge [sflag:s30], $0x4000  }
0xb1: {  	[sflag:s30] =	ssyncset.done $0x0  }
0xb2: {  	[sflag:s30] =	ssyncadd.s32 $0xFFFFC000  }
.Ltmp3:
0xb3: {  	(pc) =	sbr.rel .LBB2_2-.Ltmp3, $4  }
0xb4: {  	s10 =	sadd.s32 s9, s23  }
0xb5: {  	[tilespmem:s15], [sflag:$0x4] =	stream.linear.gather [hbm4b:s10+s2], $0x80, $0x38;
	[tilespmem:$0x1C500] =	vst v63  }
0xb6: {  	s21 =	sadd.s32 s9, s22;
	s9 =	sadd.s32 $0x40, s9;
	s29 =	sadd.s32 $0x200, s29  }
0xb7: {  	[tilespmem:s16], [sflag:$0x4] =	stream.linear.gather [hbm4b:s21+s2], $0x80, $0x38;
	[tilespmem:$0x1C500] =	vst v63  }
.LBB2_5:
0xb8: {  	_ =	sfence.sel $0x180000  }
0xb9: {  	[bflag:$0x0] =	sbarrier.arrive $0xFFFF  }
0xba: {  	_ =	strace $0x9000004D  }
0xbb: {  	s0 =	stileid.u32;
	[bflag:$0x2] =	sbarrier.arrive $0xFFFF  }
0xbc: {  	p0 =	sne.s32 s0, $0x0;
	s0 =	rddreg [dreg:$0x2]  }
0xbd: {  	s0 =	sadd.s32 @!p0 $0x100000, s0  }
0xbe: {  	[sflag:s0] =	ssyncadd.tile.s32 @!p0 $0x1;
	_ =	shalt  }
.Lfunc_end2:
_tile_overlayer_lowered:
.L_overlay_start_2:
0xbf: {  	(tag) =	ssettag $0x2  }
0xc0: {  	s0 =	rddreg [dreg:$0x0];
	s2 =	stileid.u32  }
0xc1: {  	s1 =	rddreg [dreg:$0x1];
	p0 =	sne.s32 s2, $0x0  }
0xc2: {  	s3 =	rddreg [dreg:$0x2];
	[bflag:$0x3] =	sbarrier.arrive $0xFFFF;
	s2 =	simm.s32 @!p0 $0x1C07  }
0xc3: {  	[timem:s3], [sflag:s2] =	dma.local @!p0 [hbm:s0], s1  }
0xc4: {  	s0 =	simm.s32 @!p0 $0x7  }
0xc5: {  	_ =	swait.ge @!p0 [sflag:s0], s1  }
0xc6: {  	s1 =	ssub.s32 @!p0 $0x0, s1;
	[sflag:s0] =	ssyncset.done @!p0 $0x0  }
0xc7: {  	[sflag:s0] =	ssyncadd.s32 @!p0 s1  }
0xc8: {  	[bflag:$0x3] =	sbarrier.arrive $0xFFFF  }
0xc9: {  	_ =	shalt  }

// kernel: kernel.8.cloned.1.call-start
scs
__scs_entry_jumppad:
0x0: {  	(pc) =	sbr.rel $0x88, $3  }
0x1: {  	(tag) =	ssettag $0x0;
	lr =	simm.s32 $0x1  }
0x2: {  	[smem:$0x3F93] =	sst lr;
	_ =	strace $0xD0000000  }
0x3: {  	_ = 	snop  }
0x4: {  	_ = 	snop  }
0x5: {  	_ = 	snop  }
0x6: {  	_ = 	snop  }
0x7: {  	_ = 	snop  }
__scs_overlays_trampoline_lowered:
0x8: {  	[smem:$0x3FA2] =	sst s0  }
0x9: {  	[smem:$0x3FA3] =	sst s1  }
0xa: {  	[smem:$0x3FA4] =	sst s2  }
0xb: {  	[smem:$0x3FA5] =	sst s3  }
0xc: {  	[smem:$0x3FA6] =	sst s4  }
0xd: {  	[smem:$0x3FA7] =	sst s5  }
0xe: {  	[smem:$0x3FA8] =	sst s6  }
0xf: {  	[smem:$0x3FA9] =	sst s7  }
0x10: {  	[smem:$0x3FAA] =	sst s8  }
0x11: {  	[smem:$0x3FAB] =	sst s9;
	s0 =	simm.s32 @!p0 $0x0  }
0x12: {  	s1 =	sld [smem:$0x3F91];
	s0 =	simm.s32 @p0 $0x1  }
0x13: {  	[smem:$0x3FAC] =	sst s0;
	s0 =	simm.s32 @!p1 $0x0  }
0x14: {  	s2 =	sld [smem:$0x3F90];
	s0 =	simm.s32 @p1 $0x1  }
0x15: {  	[smem:$0x3FAD] =	sst s0;
	s0 =	simm.s32 @!p2 $0x0  }
0x16: {  	s3 =	sld [smem:$0x3FDB];
	s0 =	simm.s32 @p2 $0x1  }
0x17: {  	s4 =	simm.s32 $0x1BF5;
	[smem:$0x3FAF] =	sst s0  }
0x18: {  	s0 =	sld [smem:$0x3F92];
	_ =	swait.ge [sflag:s4], $0x0  }
0x19: {  	s7 =	sld [smem:$0x3F93]  }
0x1a: {  	s8 =	sadd.s32 $0xFFFFE003, lr  }
0x1b: {  	s9 =	sadd.s32 $0xFFFFFEF7, lr;
	s5 =	simm.s32 $0xFFFFFFFF;
	p2 =	slt.u32 s8, $0xFFFFF086  }
0x1c: {  	p1 =	slt.u32 s9, $0xF7A;
	s5 =	simm.s32 @!p2 $0x0  }
0x1d: {  	s5 =	simm.s32 @p1 $0x1;
	p0 =	seq.s32 s7, s2  }
0x1e: {  	s7 =	smul.u32 @!p0 $0xF7A, s2;
	p2 =	seq.s32 @!p0 s5, $0x0  }
0x1f: {  	s9 =	smul.u32 $0xF7A, s1;
	s8 =	simm.s32 @!p0 $0x1BF5;
	p2 =	por !p2, p0  }
0x20: {  	[sflag:s8] =	ssyncset.s32 @!p0 $0xFFFFF086;
	s6 =	sadd.s32 @!p0 s3, s7;
	s7 =	simm.s32 @!p0 $0x108  }
0x21: {  	s3 =	sadd.s32 s3, s9;
	s6 =	sadd.s32 @!p0 $0x88, s6;
	s7 =	simm.s32 @p2 $0x1082  }
0x22: {  	[simem:s7], [sflag:s8] =	dma.local @!p0 [hbm:s6], $0xF7A  }
0x23: {  	s9 =	sor.u32 $0xD0000000, s2;
	s6 =	simm.s32 $0x108;
	_ =	swait.ge @!p0 [sflag:s8], $0x0  }
0x24: {  	s3 =	sadd.s32 $0x88, s3;
	s6 =	simm.s32 @!p1 $0x1082;
	[sflag:s4] =	ssyncset.s32 $0xFFFFF086  }
0x25: {  	[simem:s6], [sflag:s4] =	dma.local [hbm:s3], $0xF7A  }
0x26: {  	[smem:$0x3F93] =	sst s1;
	(tag) =	ssettag s2;
	_ =	strace s9  }
0x27: {  	s1 =	sld [smem:$0x3FA3]  }
0x28: {  	s2 =	sld [smem:$0x3FA4]  }
0x29: {  	s4 =	sld [smem:$0x3FA6]  }
0x2a: {  	p0 =	seq.s32 s5, $0x0;
	s5 =	sld [smem:$0x3FA7]  }
0x2b: {  	s6 =	sld [smem:$0x3FA8]  }
0x2c: {  	s7 =	sld [smem:$0x3FA9]  }
0x2d: {  	s3 =	simm.s32 $0x108;
	s8 =	sld [smem:$0x3FAA]  }
0x2e: {  	s3 =	simm.s32 @!p0 $0x1082;
	s9 =	sld [smem:$0x3FAB]  }
0x2f: {  	lr =	sadd.s32 s0, s3;
	s0 =	sld [smem:$0x3FA2]  }
0x30: {  	s3 =	sld [smem:$0x3FA5]  }
0x31: {  	[smem:$0x3FAE] =	sst s10  }
0x32: {  	s10 =	sld [smem:$0x3FAC];
	_ =	sdelay $0x3  }
0x33: {  	p0 =	seq.s32 s10, $0x1;
	s10 =	sld [smem:$0x3FAE];
	_ =	sdelay $0x3  }
0x34: {  	[smem:$0x3FAE] =	sst s10  }
0x35: {  	s10 =	sld [smem:$0x3FAD];
	_ =	sdelay $0x3  }
0x36: {  	p1 =	seq.s32 s10, $0x1;
	s10 =	sld [smem:$0x3FAE];
	_ =	sdelay $0x3  }
0x37: {  	[smem:$0x3FAE] =	sst s10  }
0x38: {  	s10 =	sld [smem:$0x3FAF]  }
0x39: {  	_ = 	snop;
	(pc) =	sbr.ind lr, $3  }
0x3a: {  	_ = 	snop  }
0x3b: {  	_ = 	snop  }
0x3c: {  	p2 =	seq.s32 s10, $0x1;
	s10 =	sld [smem:$0x3FAE]  }
0x3d: {  	_ =	shalt  }
0x3e: {  	_ =	shalt  }
0x3f: {  	_ =	shalt  }
0x40: {  	_ =	shalt  }
0x41: {  	_ =	shalt  }
0x42: {  	_ =	shalt  }
0x43: {  	_ =	shalt  }
0x44: {  	_ =	shalt  }
0x45: {  	_ =	shalt  }
0x46: {  	_ =	shalt  }
0x47: {  	_ =	shalt  }
0x48: {  	_ =	shalt  }
0x49: {  	_ =	shalt  }
0x4a: {  	_ =	shalt  }
0x4b: {  	_ =	shalt  }
0x4c: {  	_ =	shalt  }
0x4d: {  	_ =	shalt  }
0x4e: {  	_ =	shalt  }
0x4f: {  	_ =	shalt  }
0x50: {  	_ =	shalt  }
0x51: {  	_ =	shalt  }
0x52: {  	_ =	shalt  }
0x53: {  	_ =	shalt  }
0x54: {  	_ =	shalt  }
0x55: {  	_ =	shalt  }
0x56: {  	_ =	shalt  }
0x57: {  	_ =	shalt  }
0x58: {  	_ =	shalt  }
0x59: {  	_ =	shalt  }
0x5a: {  	_ =	shalt  }
0x5b: {  	_ =	shalt  }
0x5c: {  	_ =	shalt  }
0x5d: {  	_ =	shalt  }
0x5e: {  	_ =	shalt  }
0x5f: {  	_ =	shalt  }
0x60: {  	_ =	shalt  }
0x61: {  	_ =	shalt  }
0x62: {  	_ =	shalt  }
0x63: {  	_ =	shalt  }
0x64: {  	_ =	shalt  }
0x65: {  	_ =	shalt  }
0x66: {  	_ =	shalt  }
0x67: {  	_ =	shalt  }
0x68: {  	_ =	shalt  }
0x69: {  	_ =	shalt  }
0x6a: {  	_ =	shalt  }
0x6b: {  	_ =	shalt  }
0x6c: {  	_ =	shalt  }
0x6d: {  	_ =	shalt  }
0x6e: {  	_ =	shalt  }
0x6f: {  	_ =	shalt  }
0x70: {  	_ =	shalt  }
0x71: {  	_ =	shalt  }
0x72: {  	_ =	shalt  }
0x73: {  	_ =	shalt  }
0x74: {  	_ =	shalt  }
0x75: {  	_ =	shalt  }
0x76: {  	_ =	shalt  }
0x77: {  	_ =	shalt  }
0x78: {  	_ =	shalt  }
0x79: {  	_ =	shalt  }
0x7a: {  	_ =	shalt  }
0x7b: {  	_ =	shalt  }
0x7c: {  	_ =	shalt  }
0x7d: {  	_ =	shalt  }
0x7e: {  	_ =	shalt  }
0x7f: {  	_ =	shalt  }
0x80: {  	_ =	shalt  }
0x81: {  	_ =	shalt  }
0x82: {  	_ =	shalt  }
0x83: {  	_ =	shalt  }
0x84: {  	_ =	shalt  }
0x85: {  	_ =	shalt  }
0x86: {  	_ =	shalt  }
0x87: {  	_ =	shalt  }
.Lfunc_end0:
.L_simem_size_0:
called_computation_lowered:
.L_overlay_start_0:
0x88: {  	s2 =	sld [smem:$0x3FD9]  }
0x89: {  	s3 =	sld [smem:$0x3FFE];
	_ =	sdelay $0x1  }
0x8a: {  	s1 =	srdreg.scid  }
0x8b: {  	s0 =	sand.u32 $0x1, s1  }
0x8c: {  	s17 =	sshll.u32 s0, $0xA;
	s2 =	sadd.s32 s3, s2  }
0x8d: {  	s2 =	sadd.s32 s2, s17  }
0x8e: {  	[smem:$0x3FBA] =	sst s2  }
0x8f: {  	_ = 	snop  }
0x90: {  	s2 =	sld [smem:$0x3FC9];
	(tm) =	ssettm $0x1  }
0x91: {  	s18 =	sld [smem:$0x3FFB];
	_ =	sdelay $0x3  }
0x92: {  	_ =	strace s18  }
0x93: {  	s3 =	sld [smem:$0x3FFC];
	_ =	sdelay $0x3  }
0x94: {  	_ =	strace s3  }
0x95: {  	s3 =	sld [smem:$0x3FFD];
	_ =	sdelay $0x3  }
0x96: {  	_ =	strace s3  }
0x97: {  	_ =	strace $0x8FFFFFFF  }
0x98: {  	s19 =	sld [smem:$0x3FDB];
	_ =	sdelay $0x1  }
0x99: {  	s4 =	simm.s32 $_scs_section_size  }
0x9a: {  	s5 =	simm.s32 $_size__tile_overlayer_lowered;
	s6 =	simm.s32 $_tile_overlayer_lowered  }
0x9b: {  	s22 =	simm.s32 $0x1BFF;
	s21 =	sshll.u32 s6, $0x1;
	s3 =	sadd.s32 s4, s19  }
0x9c: {  	s7 =	simm.s32 $0x0;
	s20 =	sshll.u32 s5, $0x1;
	s5 =	sadd.s32 s21, s3  }
0x9d: {  	[timem:s7], [sflag:s22] =	dma.local [hbm:s5], s20  }
0x9e: {  	_ =	swait.ge [sflag:s22], s20  }
0x9f: {  	s4 =	ssub.s32 $0x0, s20;
	[sflag:s22] =	ssyncset.done $0x0  }
0xa0: {  	[sflag:s22] =	ssyncadd.s32 s4;
	_ =	sdelay $0x1  }
0xa1: {  	s23 =	simm.s32 $0x1B8B  }
0xa2: {  	_ =	swait.ge [sflag:s23], $0x1  }
0xa3: {  	[sflag:s23] =	ssyncset.done $0x0  }
0xa4: {  	s25 =	simm.s32 $0x1B8E;
	s24 =	sld [smem:$0x3FFE];
	[sflag:s23] =	ssyncadd.s32 $0xFFFFFFFF  }
0xa5: {  	s26 =	simm.s32 $execute0_lowered;
	[smem:$0x3FD2] =	sst s25  }
0xa6: {  	s5 =	sshll.u32 s26, $0x1;
	_ =	strace $0x80000046;
	[dreg:$0x1] =	wrdreg $0xFFFFFFFF  }
0xa7: {  	s28 =	simm.s32 $_size_execute0_lowered;
	s3 =	sadd.s32 s3, s5;
	[dreg:$0x0] =	wrdreg $0x0  }
0xa8: {  	s5 =	sshll.u32 s28, $0x1;
	[dreg:$0x2] =	wrdreg s3  }
0xa9: {  	[dreg:$0x3] =	wrdreg s5  }
0xaa: {  	[dreg:$0x4] =	wrdreg $0xC0  }
0xab: {  	_ =	task [dreg:s7], $0x5FFFF  }
0xac: {  	[dreg:$0x1] =	wrdreg $0xFFFFFFFF  }
0xad: {  	[dreg:$0x0] =	wrdreg $0x60  }
0xae: {  	[dreg:$0x2] =	wrdreg s2  }
0xaf: {  	[dreg:$0x3] =	wrdreg s24  }
0xb0: {  	[dreg:$0x4] =	wrdreg $0x85000  }
0xb1: {  	[dreg:$0x5] =	wrdreg $0x9  }
0xb2: {  	_ =	task.clear_ibuf [dreg:s7], $0x6FFFF;
	_ =	strace $0x90000046  }
0xb3: {  	s29 =	simm.s32 $0x9;
	_ =	strace $0x80000048  }
0xb4: {  	_ =	swait.ge [sflag:s29], $0x1  }
0xb5: {  	[sflag:s29] =	ssyncadd.s32 $0xFFFFFFFF  }
0xb6: {  	_ =	strace $0x90000048  }
0xb7: {  	_ =	sfence  }
0xb8: {  	s30 =	sld [smem:$0x0];
	_ =	sdelay $0x2  }
0xb9: {  	s31 =	sshll.u32 s1, $0xD;
	s1 =	sshrl.u32 s1, $0x2  }
0xba: {  	s3 =	sand.u32 $0x4000, s31;
	s1 =	sadd.s32 s1, s30  }
0xbb: {  	s0 =	sor.u32 s3, s0;
	s1 =	sshll.u32 s1, $0x11  }
0xbc: {  	s0 =	sor.u32 s1, s0  }
0xbd: {  	s0 =	sadd.s32 $0x8F2B, s0  }
0xbe: {  	[sflag:s0] =	ssyncadd.remote.s32 $0x1  }
0xbf: {  	_ =	sfence.sel $0xFFFF  }
0xc0: {  	[dreg:$0x0] =	wrdreg $0xFFFFFFFF;
	(pc) =	sbr.abs _section_cstart, $3  }
0xc1: {  	[dreg:$0x1] =	wrdreg $0xFFFFFFFF  }
0xc2: {  	_ =	task.clear_ibuf [dreg:s7], $0x2FFFF;
	_ =	strace $0x9FFFFFFF  }
0xc3: {  	(tm) =	ssettm $0x7FFFFFFF  }
tec
execute0_lowered:
.L_overlay_start_1:
0x0: {  	(tag) =	ssettag $0x1  }
0x1: {  	s1 =	rddreg [dreg:$0x0]  }
0x2: {  	s0 =	rddreg [dreg:$0x1]  }
0x3: {  	s2 =	rddreg [dreg:$0x2]  }
0x4: {  	s4 =	simm.s32 $0x0;
	s3 =	srdreg.scid;
	s12 =	stileid.u32  }
0x5: {  	s30 =	simm.s32 $0x7;
	s31 =	simm.s32 $0x200;
	[smem:$0x7FF] =	sst s4  }
0x6: {  	s5 =	sadd.s32 $0xCA00, s0;
	s3 =	sand.u32 $0x1, s3;
	s7 =	smul.u32 $0x2800, s12  }
0x7: {  	s6 =	sadd.s32 $0x2C00, s0;
	s11 =	smul.u32 $0x50000, s12;
	s13 =	sadd.s32 $0x16800, s0  }
0x8: {  	s21 =	sshll.u32 s12, $0x6;
	_ =	strace $0x80000047;
	s8 =	smul.u32 $0x28000, s3  }
0x9: {  	s9 =	sshll.u32 s3, $0x4;
	s10 =	ssub.s32 $0x2, s3;
	[dreg:$0x4] =	wrdreg s13  }
0xa: {  	s3 =	smul.u32 $0x27100, s3;
	s9 =	sor.u32 s12, s9;
	s18 =	sshrl.u32 s10, $0x1  }
0xb: {  	s20 =	sshrl.u32 s11, $0x2;
	s12 =	smul.u32 $0x2710, s12;
	s7 =	sadd.s32 s7, s8  }
0xc: {  	s9 =	smul.u32 $0x2710, s9;
	s19 =	ssub.s32 s10, s18;
	s8 =	sadd.s32 s20, s2  }
0xd: {  	s20 =	sor.u32 $0x1C07, s21;
	s10 =	simm.s32 $0x0;
	s0 =	sadd.s32 s7, s0  }
0xe: {  	[dreg:$0x5] =	wrdreg s8;
	s3 =	sadd.s32 s12, s3;
	s7 =	smax.u32 s19, $0x1  }
0xf: {  	s12 =	simm.s32 $0x2;
	[dreg:$0x6] =	wrdreg s20;
	s9 =	sshrl.u32 s9, $0x3  }
0x10: {  	s0 =	sadd.s32 $0x19000, s0;
	s17 =	sadd.s32 $0x380, s3;
	[dreg:$0x12] =	wrdreg s7  }
0x11: {  	s18 =	sadd.s32 $0x300, s3;
	s19 =	sadd.s32 $0x280, s3;
	s22 =	sadd.s32 $0x10, s9  }
0x12: {  	s23 =	sadd.s32 s5, s9;
	s24 =	sadd.s32 s6, s9;
	s26 =	sadd.s32 $0x20, s9  }
0x13: {  	s11 =	sadd.s32 $0x30, s9;
	s14 =	sadd.s32 $0x4E0, s9;
	[dreg:$0x11] =	wrdreg s0  }
0x14: {  	s0 =	sshrl.u32 s17, $0x3;
	s7 =	sshrl.u32 s18, $0x3;
	s21 =	sshrl.u32 s19, $0x3  }
0x15: {  	s17 =	simm.s32 $0x3;
	s18 =	simm.s32 $0x6;
	[dreg:$0x7] =	wrdreg s23  }
0x16: {  	s19 =	simm.s32 $0x4;
	[dreg:$0x8] =	wrdreg s24;
	s25 =	sadd.s32 s5, s22  }
0x17: {  	s8 =	sadd.s32 s6, s22;
	s29 =	sadd.s32 s5, s26;
	[dreg:$0x9] =	wrdreg s25  }
0x18: {  	s13 =	sadd.s32 s5, s11;
	s15 =	sadd.s32 s6, s11;
	[dreg:$0xa] =	wrdreg s8  }
0x19: {  	s16 =	sadd.s32 s5, s14;
	s22 =	sadd.s32 s0, s6;
	[dreg:$0xb] =	wrdreg s29  }
0x1a: {  	s23 =	sadd.s32 s0, s5;
	s24 =	sadd.s32 s7, s6;
	[dreg:$0xd] =	wrdreg s13  }
0x1b: {  	s28 =	sadd.s32 s21, s5;
	s0 =	simm.s32 $0x80;
	[dreg:$0xe] =	wrdreg s15  }
0x1c: {  	s11 =	simm.s32 $0x300;
	s8 =	sadd.s32 s6, s26;
	[dreg:$0xf] =	wrdreg s16  }
.Ltmp0:
0x1d: {  	s25 =	sadd.s32 s7, s5;
	s26 =	sadd.s32 s21, s6;
	(pc) =	sbr.rel .LBB2_1-.Ltmp0, $4  }
0x1e: {  	s29 =	sadd.s32 $0x200, s3;
	s3 =	simm.s32 $0x280;
	s7 =	simm.s32 $0x1  }
0x1f: {  	s13 =	simm.s32 $0x4400;
	s15 =	simm.s32 $0x180;
	[dreg:$0xc] =	wrdreg s8  }
0x20: {  	s16 =	simm.s32 $0x380;
	s8 =	sadd.s32 s6, s14;
	[dreg:$0x13] =	wrdreg s29  }
0x21: {  	s14 =	simm.s32 $0x5;
	[dreg:$0x10] =	wrdreg s8;
	s8 =	simm.s32 $0x400  }
.LBB2_4:
0x22: {  	_ =	swait.ge [sflag:s18], $0x4000  }
0x23: {  	[sflag:s18] =	ssyncset.done $0x0  }
0x24: {  	[sflag:s18] =	ssyncadd.s32 $0xFFFFC000  }
0x25: {  	[spmem:s2] =	stream.indirect.scatter.add.f32 [tilespmem:s13], [sflag:$0x7], $0x80, s3, s0, $0xb8;
	[tilespmem:$0x1C500] =	vst v63  }
0x26: {  	_ =	swait.ge [sflag:s30], $0x4000  }
0x27: {  	[sflag:s30] =	ssyncset.done $0x0  }
0x28: {  	s10 =	simm.s32 $0x8400;
	s9 =	rddreg [dreg:$0xf];
	[sflag:s30] =	ssyncadd.s32 $0xFFFFC000  }
0x29: {  	[tilespmem:s10], [sflag:$0x7] =	stream.linear.gather [hbm4b:s9+s4], $0x10, $0x38;
	[tilespmem:$0x1C500] =	vst v63  }
0x2a: {  	_ =	swait.ge [sflag:s30], $0x10  }
0x2b: {  	[sflag:s30] =	ssyncset.done $0x0  }
0x2c: {  	s20 =	simm.s32 $0x8480;
	s21 =	rddreg [dreg:$0x10];
	[sflag:s30] =	ssyncadd.s32 $0xFFFFFFF0  }
0x2d: {  	[tilespmem:s20], [sflag:$0x7] =	stream.linear.gather [hbm4b:s21+s4], $0x10, $0x38;
	[tilespmem:$0x1C500] =	vst v63  }
0x2e: {  	_ =	swait.ge [sflag:s30], $0x10  }
0x2f: {  	[sflag:s30] =	ssyncset.done $0x0  }
0x30: {  	s29 =	simm.s32 $0x10;
	[sflag:s30] =	ssyncadd.s32 $0xFFFFFFF0  }
0x31: {  	[tilespmem:s8], [sflag:$0x5] =	stream.indirect.gather [hbm4b:s1+s29], $0x80, s10, s29, $0xb8;
	[tilespmem:$0x1C500] =	vst v63  }
0x32: {  	_ =	swait.ge [sflag:s14], $0x800  }
0x33: {  	[sflag:s14] =	ssyncset.done $0x0  }
0x34: {  	[sflag:s14] =	ssyncadd.s32 $0xFFFFF800  }
0x35: {  	[spmem:s2] =	stream.indirect.scatter.add.f32 [tilespmem:s8], [sflag:$0x7], $0x80, s20, s29, $0xb8;
	[tilespmem:$0x1C500] =	vst v63  }
0x36: {  	_ =	swait.ge [sflag:s30], $0x800  }
0x37: {  	[sflag:s30] =	ssyncset.done $0x0  }
0x38: {  	[sflag:s30] =	ssyncadd.s32 $0xFFFFF800  }
0x39: {  	[bflag:$0x0] =	sbarrier.arrive $0xFFFF  }
0x3a: {  	s20 =	rddreg [dreg:$0x6]  }
0x3b: {  	s21 =	rddreg [dreg:$0x11]  }
0x3c: {  	s29 =	rddreg [dreg:$0x15]  }
0x3d: {  	[hbm:s21], [sflag:s20] =	dma.local [spmem:s29], $0x2800  }
0x3e: {  	_ =	swait.ge [sflag:s30], $0x2800  }
0x3f: {  	s21 =	rddreg [dreg:$0x14]  }
0x40: {  	s29 =	rddreg [dreg:$0x12];
	s10 =	sadd.s32 $0x1, s21  }
0x41: {  	p0 =	sne.s32 s10, s29  }
.Ltmp1:
0x42: {  	_ = 	snop;
	(pc) =	sbr.rel @!p0 .LBB2_5-.Ltmp1, $3  }
0x43: {  	_ =	sdelay $0x1  }
0x44: {  	[sflag:s30] =	ssyncset.done $0x0  }
0x45: {  	[sflag:s30] =	ssyncadd.s32 $0xFFFFD800  }
.LBB2_1:
0x46: {  	[dreg:$0x14] =	wrdreg s10  }
0x47: {  	s9 =	rddreg [dreg:$0x5]  }
0x48: {  	s21 =	rddreg [dreg:$0x4];
	s9 =	sshrl.u32 s9, $0x3  }
0x49: {  	[dreg:$0x15] =	wrdreg s9  }
0x4a: {  	[spmem:s9], [sflag:s20] =	dma.local [hbm:s21], $0x2800  }
0x4b: {  	_ =	swait.ge [sflag:s30], $0x2800  }
0x4c: {  	[sflag:s30] =	ssyncset.done $0x0  }
0x4d: {  	[sflag:s30] =	ssyncadd.s32 $0xFFFFD800  }
0x4e: {  	[bflag:$0x0] =	sbarrier.arrive $0xFFFF  }
0x4f: {  	s10 =	rddreg [dreg:$0x7]  }
0x50: {  	[tilespmem:s4], [sflag:$0x1] =	stream.linear.gather [hbm4b:s10+s4], $0x80, $0x38;
	[tilespmem:$0x1C500] =	vst v63  }
0x51: {  	s20 =	rddreg [dreg:$0x8]  }
0x52: {  	[tilespmem:s31], [sflag:$0x1] =	stream.linear.gather [hbm4b:s20+s4], $0x80, $0x38;
	[tilespmem:$0x1C500] =	vst v63  }
0x53: {  	s21 =	rddreg [dreg:$0x9]  }
0x54: {  	[tilespmem:s0], [sflag:$0x2] =	stream.linear.gather [hbm4b:s21+s4], $0x80, $0x38;
	[tilespmem:$0x1C500] =	vst v63  }
0x55: {  	s10 =	rddreg [dreg:$0xa]  }
0x56: {  	[tilespmem:s3], [sflag:$0x2] =	stream.linear.gather [hbm4b:s10+s4], $0x80, $0x38;
	[tilespmem:$0x1C500] =	vst v63  }
0x57: {  	_ =	swait.ge [sflag:s7], $0x80  }
0x58: {  	[sflag:s7] =	ssyncset.done $0x0  }
0x59: {  	[sflag:s7] =	ssyncadd.s32 $0xFFFFFF80  }
0x5a: {  	_ =	swait.ge [sflag:s7], $0x80  }
0x5b: {  	[sflag:s7] =	ssyncset.done $0x0  }
0x5c: {  	[sflag:s7] =	ssyncadd.s32 $0xFFFFFF80  }
0x5d: {  	[tilespmem:s8], [sflag:$0x5] =	stream.indirect.gather [hbm4b:s1+s0], $0x80, s4, s0, $0xb8;
	[tilespmem:$0x1C500] =	vst v63  }
0x5e: {  	s21 =	simm.s32 $0x100;
	s20 =	rddreg [dreg:$0xb]  }
0x5f: {  	[tilespmem:s21], [sflag:$0x3] =	stream.linear.gather [hbm4b:s20+s4], $0x80, $0x38;
	[tilespmem:$0x1C500] =	vst v63  }
0x60: {  	s10 =	rddreg [dreg:$0xc]  }
0x61: {  	[tilespmem:s11], [sflag:$0x3] =	stream.linear.gather [hbm4b:s10+s4], $0x80, $0x38;
	[tilespmem:$0x1C500] =	vst v63  }
0x62: {  	_ =	swait.ge [sflag:s12], $0x80  }
0x63: {  	[sflag:s12] =	ssyncset.done $0x0  }
0x64: {  	[sflag:s12] =	ssyncadd.s32 $0xFFFFFF80  }
0x65: {  	_ =	swait.ge [sflag:s12], $0x80  }
0x66: {  	[sflag:s12] =	ssyncset.done $0x0  }
0x67: {  	[sflag:s12] =	ssyncadd.s32 $0xFFFFFF80  }
0x68: {  	[tilespmem:s13], [sflag:$0x6] =	stream.indirect.gather [hbm4b:s1+s0], $0x80, s0, s0, $0xb8;
	[tilespmem:$0x1C500] =	vst v63  }
0x69: {  	_ =	swait.ge [sflag:s14], $0x4000  }
0x6a: {  	[sflag:s14] =	ssyncset.done $0x0  }
0x6b: {  	[sflag:s14] =	ssyncadd.s32 $0xFFFFC000  }
0x6c: {  	[spmem:s2] =	stream.indirect.scatter.add.f32 [tilespmem:s8], [sflag:$0x7], $0x80, s31, s0, $0xb8;
	[tilespmem:$0x1C500] =	vst v63  }
0x6d: {  	_ =	swait.ge [sflag:s30], $0x4000  }
0x6e: {  	[sflag:s30] =	ssyncset.done $0x0;
	s20 =	rddreg [dreg:$0xd]  }
0x6f: {  	s21 =	rddreg [dreg:$0xe];
	[sflag:s30] =	ssyncadd.s32 $0xFFFFC000  }
0x70: {  	[tilespmem:s15], [sflag:$0x4] =	stream.linear.gather [hbm4b:s20+s4], $0x80, $0x38;
	[tilespmem:$0x1C500] =	vst v63  }
0x71: {  	s9 =	simm.s32 $0x0;
	s29 =	rddreg [dreg:$0x13]  }
0x72: {  	[tilespmem:s16], [sflag:$0x4] =	stream.linear.gather [hbm4b:s21+s4], $0x80, $0x38;
	[tilespmem:$0x1C500] =	vst v63  }
.LBB2_2:
0x73: {  	_ =	swait.ge [sflag:s17], $0x80  }
0x74: {  	[sflag:s17] =	ssyncset.done $0x0  }
0x75: {  	[sflag:s17] =	ssyncadd.s32 $0xFFFFFF80  }
0x76: {  	_ =	swait.ge [sflag:s17], $0x80  }
0x77: {  	[sflag:s17] =	ssyncset.done $0x0  }
0x78: {  	s10 =	simm.s32 $0x100;
	[sflag:s17] =	ssyncadd.s32 $0xFFFFFF80  }
0x79: {  	[tilespmem:s8], [sflag:$0x5] =	stream.indirect.gather [hbm4b:s1+s0], $0x80, s10, s0, $0xb8;
	[tilespmem:$0x1C500] =	vst v63  }
0x7a: {  	_ =	swait.ge [sflag:s18], $0x4000  }
0x7b: {  	[sflag:s18] =	ssyncset.done $0x0  }
0x7c: {  	[sflag:s18] =	ssyncadd.s32 $0xFFFFC000  }
0x7d: {  	[spmem:s2] =	stream.indirect.scatter.add.f32 [tilespmem:s13], [sflag:$0x7], $0x80, s3, s0, $0xb8;
	[tilespmem:$0x1C500] =	vst v63  }
0x7e: {  	_ =	swait.ge [sflag:s30], $0x4000  }
0x7f: {  	s21 =	sshrl.u32 s29, $0x3;
	[sflag:s30] =	ssyncset.done $0x0  }
0x80: {  	s20 =	sadd.s32 s5, s21;
	[sflag:s30] =	ssyncadd.s32 $0xFFFFC000  }
0x81: {  	[tilespmem:s4], [sflag:$0x1] =	stream.linear.gather [hbm4b:s20+s4], $0x80, $0x38;
	[tilespmem:$0x1C500] =	vst v63  }
0x82: {  	s21 =	sadd.s32 s6, s21  }
0x83: {  	[tilespmem:s31], [sflag:$0x1] =	stream.linear.gather [hbm4b:s21+s4], $0x80, $0x38;
	[tilespmem:$0x1C500] =	vst v63  }
0x84: {  	_ =	swait.ge [sflag:s19], $0x80  }
0x85: {  	[sflag:s19] =	ssyncset.done $0x0  }
0x86: {  	[sflag:s19] =	ssyncadd.s32 $0xFFFFFF80  }
0x87: {  	_ =	swait.ge [sflag:s19], $0x80  }
0x88: {  	[sflag:s19] =	ssyncset.done $0x0  }
0x89: {  	[sflag:s19] =	ssyncadd.s32 $0xFFFFFF80  }
0x8a: {  	[tilespmem:s13], [sflag:$0x6] =	stream.indirect.gather [hbm4b:s1+s0], $0x80, s15, s0, $0xb8;
	[tilespmem:$0x1C500] =	vst v63  }
0x8b: {  	_ =	swait.ge [sflag:s14], $0x4000  }
0x8c: {  	[sflag:s14] =	ssyncset.done $0x0  }
0x8d: {  	[sflag:s14] =	ssyncadd.s32 $0xFFFFC000  }
0x8e: {  	[spmem:s2] =	stream.indirect.scatter.add.f32 [tilespmem:s8], [sflag:$0x7], $0x80, s11, s0, $0xb8;
	[tilespmem:$0x1C500] =	vst v63  }
0x8f: {  	_ =	swait.ge [sflag:s30], $0x4000  }
0x90: {  	[sflag:s30] =	ssyncset.done $0x0  }
0x91: {  	s10 =	sadd.s32 s9, s28;
	[sflag:s30] =	ssyncadd.s32 $0xFFFFC000  }
0x92: {  	[tilespmem:s0], [sflag:$0x2] =	stream.linear.gather [hbm4b:s10+s4], $0x80, $0x38;
	[tilespmem:$0x1C500] =	vst v63  }
0x93: {  	s21 =	sadd.s32 s9, s26  }
0x94: {  	[tilespmem:s3], [sflag:$0x2] =	stream.linear.gather [hbm4b:s21+s4], $0x80, $0x38;
	[tilespmem:$0x1C500] =	vst v63  }
0x95: {  	_ =	swait.ge [sflag:s7], $0x80  }
0x96: {  	[sflag:s7] =	ssyncset.done $0x0  }
0x97: {  	[sflag:s7] =	ssyncadd.s32 $0xFFFFFF80  }
0x98: {  	_ =	swait.ge [sflag:s7], $0x80  }
0x99: {  	[sflag:s7] =	ssyncset.done $0x0  }
0x9a: {  	[sflag:s7] =	ssyncadd.s32 $0xFFFFFF80  }
0x9b: {  	[tilespmem:s8], [sflag:$0x5] =	stream.indirect.gather [hbm4b:s1+s0], $0x80, s4, s0, $0xb8;
	[tilespmem:$0x1C500] =	vst v63  }
0x9c: {  	_ =	swait.ge [sflag:s18], $0x4000  }
0x9d: {  	[sflag:s18] =	ssyncset.done $0x0  }
0x9e: {  	[sflag:s18] =	ssyncadd.s32 $0xFFFFC000  }
0x9f: {  	[spmem:s2] =	stream.indirect.scatter.add.f32 [tilespmem:s13], [sflag:$0x7], $0x80, s16, s0, $0xb8;
	[tilespmem:$0x1C500] =	vst v63  }
0xa0: {  	p0 =	seq.s32 s9, $0x480;
	_ =	swait.ge [sflag:s30], $0x4000  }
0xa1: {  	s20 =	sadd.s32 @!p0 s9, s25;
	[sflag:s30] =	ssyncset.done $0x0  }
0xa2: {  	s10 =	simm.s32 @!p0 $0x100;
	s21 =	simm.s32 @!p0 $0x0;
	[sflag:s30] =	ssyncadd.s32 $0xFFFFC000  }
0xa3: {  	[tilespmem:s10], [sflag:$0x3] =	stream.linear.gather @!p0 [hbm4b:s20+s21], $0x80, $0x38;
	[tilespmem:$0x1C500] =	vst v63  }
0xa4: {  	s10 =	sadd.s32 @!p0 s9, s24;
	s20 =	simm.s32 @!p0 $0x300  }
0xa5: {  	[tilespmem:s20], [sflag:$0x3] =	stream.linear.gather @!p0 [hbm4b:s10+s21], $0x80, $0x38;
	[tilespmem:$0x1C500] =	vst v63  }
0xa6: {  	_ =	swait.ge [sflag:s12], $0x80  }
0xa7: {  	[sflag:s12] =	ssyncset.done $0x0  }
0xa8: {  	[sflag:s12] =	ssyncadd.s32 $0xFFFFFF80  }
0xa9: {  	_ =	swait.ge [sflag:s12], $0x80  }
0xaa: {  	[sflag:s12] =	ssyncset.done $0x0  }
0xab: {  	[sflag:s12] =	ssyncadd.s32 $0xFFFFFF80  }
0xac: {  	[tilespmem:s13], [sflag:$0x6] =	stream.indirect.gather [hbm4b:s1+s0], $0x80, s0, s0, $0xb8;
	[tilespmem:$0x1C500] =	vst v63  }
0xad: {  	_ =	swait.ge [sflag:s14], $0x4000  }
0xae: {  	[sflag:s14] =	ssyncset.done $0x0  }
.Ltmp2:
0xaf: {  	[sflag:s14] =	ssyncadd.s32 $0xFFFFC000;
	(pc) =	sbr.rel @p0 .LBB2_4-.Ltmp2, $4  }
0xb0: {  	[spmem:s2] =	stream.indirect.scatter.add.f32 [tilespmem:s8], [sflag:$0x7], $0x80, s31, s0, $0xb8;
	[tilespmem:$0x1C500] =	vst v63  }
0xb1: {  	_ =	swait.ge [sflag:s30], $0x4000  }
0xb2: {  	[sflag:s30] =	ssyncset.done $0x0  }
0xb3: {  	[sflag:s30] =	ssyncadd.s32 $0xFFFFC000  }
.Ltmp3:
0xb4: {  	(pc) =	sbr.rel .LBB2_2-.Ltmp3, $4  }
0xb5: {  	s10 =	sadd.s32 s9, s23  }
0xb6: {  	[tilespmem:s15], [sflag:$0x4] =	stream.linear.gather [hbm4b:s10+s4], $0x80, $0x38;
	[tilespmem:$0x1C500] =	vst v63  }
0xb7: {  	s21 =	sadd.s32 s9, s22;
	s9 =	sadd.s32 $0x40, s9;
	s29 =	sadd.s32 $0x200, s29  }
0xb8: {  	[tilespmem:s16], [sflag:$0x4] =	stream.linear.gather [hbm4b:s21+s4], $0x80, $0x38;
	[tilespmem:$0x1C500] =	vst v63  }
.LBB2_5:
0xb9: {  	_ =	sfence.sel $0x180000  }
0xba: {  	[bflag:$0x0] =	sbarrier.arrive $0xFFFF  }
0xbb: {  	_ =	strace $0x90000047  }
0xbc: {  	s0 =	stileid.u32;
	[bflag:$0x2] =	sbarrier.arrive $0xFFFF  }
0xbd: {  	p0 =	sne.s32 s0, $0x0;
	s0 =	rddreg [dreg:$0x3]  }
0xbe: {  	s0 =	sadd.s32 @!p0 $0x100000, s0  }
0xbf: {  	[sflag:s0] =	ssyncadd.tile.s32 @!p0 $0x1;
	_ =	shalt  }
.Lfunc_end2:
_tile_overlayer_lowered:
.L_overlay_start_2:
0xc0: {  	(tag) =	ssettag $0x2  }
0xc1: {  	s0 =	rddreg [dreg:$0x0];
	s2 =	stileid.u32  }
0xc2: {  	s1 =	rddreg [dreg:$0x1];
	p0 =	sne.s32 s2, $0x0  }
0xc3: {  	s3 =	rddreg [dreg:$0x2];
	[bflag:$0x3] =	sbarrier.arrive $0xFFFF;
	s2 =	simm.s32 @!p0 $0x1C07  }
0xc4: {  	[timem:s3], [sflag:s2] =	dma.local @!p0 [hbm:s0], s1  }
0xc5: {  	s0 =	simm.s32 @!p0 $0x7  }
0xc6: {  	_ =	swait.ge @!p0 [sflag:s0], s1  }
0xc7: {  	s1 =	ssub.s32 @!p0 $0x0, s1;
	[sflag:s0] =	ssyncset.done @!p0 $0x0  }
0xc8: {  	[sflag:s0] =	ssyncadd.s32 @!p0 s1  }
0xc9: {  	[bflag:$0x3] =	sbarrier.arrive $0xFFFF  }
0xca: {  	_ =	shalt  }

</sc_bundles>
